<compile_context>
chip_gen: v7x
topology: tpu7x:2x2x1
jax: 0.10.2.dev20260603
libtpu: 0.0.44.dev20260713+nightly
codegen_flags: <defaults>
</compile_context>

<pallas_src>
import functools

import jax
import jax.numpy as jnp
from jax import lax
from jax.experimental import pallas as pl
from jax.experimental.pallas import tpu as pltpu
from jax.experimental.pallas import tpu_sc as plsc

_NUM_LABELS = 50
_WORD_DIM = 50
_POS_DIM = 15
_L64 = 64


def _proj_body(tabt_ref, W_ref, ptab_ref, b_ref, out_ref, pout_ref):
    xt = tabt_ref[...]
    W64 = W_ref[...]
    Ww = W64[:, :_WORD_DIM]
    scores = lax.dot_general(
        xt.astype(jnp.bfloat16), Ww.astype(jnp.bfloat16),
        (((0,), (1,)), ((), ())), preferred_element_type=jnp.float32)
    out_ref[...] = scores + b_ref[...]

    @pl.when(pl.program_id(0) == 0)
    def _():
        Wp = W64[:, _WORD_DIM:]
        pout_ref[...] = lax.dot_general(ptab_ref[...], Wp,
                                        (((1,), (1,)), ((), ())),
                                        precision=lax.Precision.HIGHEST)


def _project(table_t, pos_table, W64, b64, V):
    blk = 20480
    grid = (pl.cdiv(V, blk),)
    return pl.pallas_call(
        _proj_body,
        grid=grid,
        in_specs=[
            pl.BlockSpec((_WORD_DIM, blk), lambda i: (0, i)),
            pl.BlockSpec((_L64, _WORD_DIM + _POS_DIM), lambda i: (0, 0)),
            pl.BlockSpec((_NUM_LABELS, _POS_DIM), lambda i: (0, 0)),
            pl.BlockSpec((1, _L64), lambda i: (0, 0)),
        ],
        out_specs=[
            pl.BlockSpec((blk, _L64), lambda i: (i, 0)),
            pl.BlockSpec((_NUM_LABELS, _L64), lambda i: (0, 0)),
        ],
        out_shape=[
            jax.ShapeDtypeStruct((V, _L64), jnp.float32),
            jax.ShapeDtypeStruct((_NUM_LABELS, _L64), jnp.float32),
        ],
    )(table_t, W64, pos_table, b64.reshape(1, _L64))


def _sc_gather_add(p_tab, p_pos, idx, pos, B):
    info = plsc.get_sparse_core_info()
    nw = info.num_cores * info.num_subcores
    b_per_w = B // nw
    mesh = plsc.VectorSubcoreMesh(core_axis_name="c", subcore_axis_name="s")

    @functools.partial(
        pl.kernel,
        mesh=mesh,
        out_type=jax.ShapeDtypeStruct((B, _L64), jnp.float32),
        compiler_params=pltpu.CompilerParams(use_tc_tiling_on_sc=True),
        scratch_types=[
            pltpu.VMEM((b_per_w,), jnp.int32),
            pltpu.VMEM((b_per_w,), jnp.int32),
            pltpu.VMEM((b_per_w, _L64), jnp.float32),
            pltpu.VMEM((_NUM_LABELS, _L64), jnp.float32),
            pltpu.SemaphoreType.DMA,
        ],
    )
    def gather_k(ptab_hbm, ppos_hbm, idx_hbm, pos_hbm, out_hbm,
                 idx_v, pos_v, rows_v, ppos_v, sem):
        wid = lax.axis_index("s") * info.num_cores + lax.axis_index("c")
        base = wid * b_per_w
        pltpu.sync_copy(idx_hbm.at[pl.ds(base, b_per_w)], idx_v)
        pltpu.sync_copy(pos_hbm.at[pl.ds(base, b_per_w)], pos_v)
        pltpu.sync_copy(ppos_hbm, ppos_v)

        def body(g, carry):
            vec = idx_v[pl.ds(g * 16, 16)]
            for j in range(16):
                r = vec[j]
                pltpu.async_copy(
                    ptab_hbm.at[pl.ds(r, 1)],
                    rows_v.at[pl.ds(g * 16 + j, 1)],
                    sem,
                )
            return carry

        lax.fori_loop(0, b_per_w // 16, body, 0)
        pltpu.make_async_copy(
            ptab_hbm.at[pl.ds(0, b_per_w)], rows_v, sem
        ).wait()

        def add_body(g, carry):
            pv = pos_v[pl.ds(g * 16, 16)]
            for j in range(16):
                p = pv[j]
                row = rows_v.at[g * 16 + j]
                prow = ppos_v.at[p]
                for c in range(_L64 // 16):
                    s = pl.ds(c * 16, 16)
                    row[s] = row[s] + prow[s]
            return carry

        lax.fori_loop(0, b_per_w // 16, add_body, 0)
        pltpu.sync_copy(rows_v, out_hbm.at[pl.ds(base, b_per_w)])

    return gather_k(p_tab, p_pos, idx, pos)


def kernel(word_ids, prev_pos, word_table, pos_table, W, b):
    B = word_ids.shape[0]
    V = word_table.shape[0]
    W64 = jnp.zeros((_L64, W.shape[1]), W.dtype).at[:_NUM_LABELS].set(W)
    b64 = jnp.zeros((_L64,), b.dtype).at[:_NUM_LABELS].set(b)
    p_tab, p_pos = _project(word_table.T, pos_table, W64, b64, V)
    out64 = _sc_gather_add(p_tab, p_pos, word_ids.astype(jnp.int32),
                           prev_pos.astype(jnp.int32), B)
    return out64[:, :_NUM_LABELS]

# --- scband reference (transcript-rebuilt; emitter-appended) ---
"""Pipeline reference for scband-postagger-46334107189363 (READ-ONLY COPY).

The authoritative reference and input builder live on the scoring server;
editing this copy changes nothing except your own understanding.
"""

import jax, jax.numpy as jnp
import numpy as np

VOCAB = 1000000
NUM_LABELS = 50
WORD_DIM = 50
POS_DIM = 15
BATCH = 16384

def setup_inputs(seed: int = 0) -> dict:
    key = jax.random.key(seed)
    k1, k2, k3, k4, k5 = jax.random.split(key, 5)
    word_ids = jax.random.randint(k1, (BATCH,), 0, VOCAB)
    prev_pos = jax.random.randint(k2, (BATCH,), 0, NUM_LABELS)
    word_table = jax.random.normal(k3, (VOCAB, WORD_DIM), dtype=jnp.float32) * 0.02
    pos_table = jax.random.normal(k4, (NUM_LABELS, POS_DIM), dtype=jnp.float32) * 0.02
    W = jax.random.normal(k5, (NUM_LABELS, WORD_DIM + POS_DIM), dtype=jnp.float32) * 0.02
    b = jnp.zeros((NUM_LABELS,), dtype=jnp.float32)
    return {"word_ids": word_ids, "prev_pos": prev_pos, "word_table": word_table, "pos_table": pos_table, "W": W, "b": b}

def reference(word_ids, prev_pos, word_table, pos_table, W, b):
    # embed_states: gather word embeddings at current input positions
    word_embeddings = jnp.take(word_table, word_ids, axis=0)
    # pos_emb(prev_pos): gather previous-tag embeddings
    pos_embeddings = jnp.take(pos_table, prev_pos, axis=0)
    # concat + linear (scores; softmax is NOT applied in the original forward)
    x = jnp.concatenate([word_embeddings, pos_embeddings], axis=1)
    scores = x @ W.T + b
    return scores

if __name__ == "__main__":
    import jax
    _d = setup_inputs()
    print(jax.jit(kernel)(*tuple(_d.values())))

</pallas_src>

<mosaic_0001>
#map = affine_map<(d0, d1) -> (0, 0)>
#map1 = affine_map<(d0, d1) -> (0)>
module attributes {stable_mosaic.version = 14 : i64} {
  func.func @gather_k(%arg0: i32, %arg1: i32, %arg2: memref<1000000x64xf32, #tpu.memory_space<hbm>>, %arg3: memref<50x64xf32, #tpu.memory_space<hbm>>, %arg4: memref<16384xi32, #tpu.memory_space<hbm>>, %arg5: memref<16384xi32, #tpu.memory_space<hbm>>, %arg6: memref<16384x64xf32, #tpu.memory_space<hbm>>, %arg7: memref<512xi32, #tpu.memory_space<vmem>>, %arg8: memref<512xi32, #tpu.memory_space<vmem>>, %arg9: memref<512x64xf32, #tpu.memory_space<vmem>>, %arg10: memref<50x64xf32, #tpu.memory_space<vmem>>, %arg11: memref<!tpu.dma_semaphore, #tpu.memory_space<semaphore_mem>>) attributes {dimension_semantics = [#tpu.dimension_semantics<core_parallel>, #tpu.dimension_semantics<subcore_parallel>], iteration_bounds = array<i64: 2, 16>, scalar_prefetch = 0 : i64, scratch_operands = 5 : i64, tpu.core_type = #tpu.core_type<sc_vector_subcore>, window_params = [{transform_indices = #map}, {transform_indices = #map}, {transform_indices = #map1}, {transform_indices = #map1}, {transform_indices = #map}]} {
    %mul3A = arith.constant 2 : i32
    %mul3A_0 = arith.muli %arg1, %mul3A : i32
    %add3A = arith.addi %mul3A_0, %arg0 : i32
    %mul3A_1 = arith.constant 512 : i32
    %mul3A_2 = arith.muli %add3A, %mul3A_1 : i32
    "tpu.region"() ({
      %run_scoped3A = tpu.sem_alloc : memref<!tpu.dma_semaphore, #tpu.memory_space<semaphore_mem>>
      %dma_start3A = tpu.memref_slice %arg4[%mul3A_2] : memref<16384xi32, #tpu.memory_space<hbm>> -> memref<512xi32, #tpu.memory_space<hbm>>
      %dma_start3A_19 = tpu.memref_slice %arg4[%mul3A_2] : memref<16384xi32, #tpu.memory_space<hbm>> -> memref<512xi32, #tpu.memory_space<hbm>>
      tpu.enqueue_dma source(%dma_start3A_19 : memref<512xi32, #tpu.memory_space<hbm>>) target(%arg7 : memref<512xi32, #tpu.memory_space<vmem>>) target_semaphore(%run_scoped3A : memref<!tpu.dma_semaphore, #tpu.memory_space<semaphore_mem>>)
      %dma_wait3A_20 = tpu.memref_slice %arg4[%mul3A_2] : memref<16384xi32, #tpu.memory_space<hbm>> -> memref<512xi32, #tpu.memory_space<hbm>>
      %dma_wait3A_21 = tpu.memref_slice %arg4[%mul3A_2] : memref<16384xi32, #tpu.memory_space<hbm>> -> memref<512xi32, #tpu.memory_space<hbm>>
      tpu.wait_dma2 semaphore(%run_scoped3A : memref<!tpu.dma_semaphore, #tpu.memory_space<semaphore_mem>>) src(%dma_wait3A_21 : memref<512xi32, #tpu.memory_space<hbm>>) dst(%arg7 : memref<512xi32, #tpu.memory_space<vmem>>)
      tpu.yield
    }) : () -> ()
    "tpu.region"() ({
      %run_scoped3A = tpu.sem_alloc : memref<!tpu.dma_semaphore, #tpu.memory_space<semaphore_mem>>
      %dma_start3A = tpu.memref_slice %arg5[%mul3A_2] : memref<16384xi32, #tpu.memory_space<hbm>> -> memref<512xi32, #tpu.memory_space<hbm>>
      %dma_start3A_19 = tpu.memref_slice %arg5[%mul3A_2] : memref<16384xi32, #tpu.memory_space<hbm>> -> memref<512xi32, #tpu.memory_space<hbm>>
      tpu.enqueue_dma source(%dma_start3A_19 : memref<512xi32, #tpu.memory_space<hbm>>) target(%arg8 : memref<512xi32, #tpu.memory_space<vmem>>) target_semaphore(%run_scoped3A : memref<!tpu.dma_semaphore, #tpu.memory_space<semaphore_mem>>)
      %dma_wait3A_20 = tpu.memref_slice %arg5[%mul3A_2] : memref<16384xi32, #tpu.memory_space<hbm>> -> memref<512xi32, #tpu.memory_space<hbm>>
      %dma_wait3A_21 = tpu.memref_slice %arg5[%mul3A_2] : memref<16384xi32, #tpu.memory_space<hbm>> -> memref<512xi32, #tpu.memory_space<hbm>>
      tpu.wait_dma2 semaphore(%run_scoped3A : memref<!tpu.dma_semaphore, #tpu.memory_space<semaphore_mem>>) src(%dma_wait3A_21 : memref<512xi32, #tpu.memory_space<hbm>>) dst(%arg8 : memref<512xi32, #tpu.memory_space<vmem>>)
      tpu.yield
    }) : () -> ()
    "tpu.region"() ({
      %run_scoped3A = tpu.sem_alloc : memref<!tpu.dma_semaphore, #tpu.memory_space<semaphore_mem>>
      tpu.enqueue_dma source(%arg3 : memref<50x64xf32, #tpu.memory_space<hbm>>) target(%arg10 : memref<50x64xf32, #tpu.memory_space<vmem>>) target_semaphore(%run_scoped3A : memref<!tpu.dma_semaphore, #tpu.memory_space<semaphore_mem>>)
      tpu.wait_dma2 semaphore(%run_scoped3A : memref<!tpu.dma_semaphore, #tpu.memory_space<semaphore_mem>>) src(%arg3 : memref<50x64xf32, #tpu.memory_space<hbm>>) dst(%arg10 : memref<50x64xf32, #tpu.memory_space<vmem>>)
      tpu.yield
    }) : () -> ()
    %scan3A = arith.constant 0 : i32
    %scan3A_3 = arith.constant 0 : i32
    %scan3A_4 = arith.constant 32 : i32
    %scan3A_5 = arith.addi %scan3A_3, %scan3A_4 : i32
    %scan3A_6 = arith.constant 1 : i32
    scf.for %scan3A_19 = %scan3A_3 to %scan3A_5 step %scan3A_6  : i32 {
      %mul3A_20 = arith.constant 16 : i32
      %mul3A_21 = arith.muli %scan3A_19, %mul3A_20 : i32
      %get3A = arith.index_cast %mul3A_21 : i32 to index
      %get3A_22 = tpu.vector_load %arg7[%get3A] {strides = array<i32>} : memref<512xi32, #tpu.memory_space<vmem>>, vector<16xi32>,
      %get3A_23 = vector.shape_cast %get3A_22 : vector<16xi32> to vector<16xi32>
      %slice3A = vector.extract_strided_slice %get3A_23 {offsets = [0], sizes = [1], strides = [1]} : vector<16xi32> to vector<1xi32>
      %squeeze3A = vector.extract %slice3A[0] : i32 from vector<1xi32>
      %mul3A_24 = arith.constant 16 : i32
      %mul3A_25 = arith.muli %scan3A_19, %mul3A_24 : i32
      %add3A_26 = arith.constant 0 : i32
      %add3A_27 = arith.addi %mul3A_25, %add3A_26 : i32
      %dma_start3A = arith.constant 0 : i32
      %dma_start3A_28 = tpu.memref_slice %arg9[%add3A_27, %dma_start3A] : memref<512x64xf32, #tpu.memory_space<vmem>> -> memref<1x64xf32, #tpu.memory_space<vmem>>
      %dma_start3A_29 = arith.constant 0 : i32
      %dma_start3A_30 = tpu.memref_slice %arg2[%squeeze3A, %dma_start3A_29] : memref<1000000x64xf32, #tpu.memory_space<hbm>> -> memref<1x64xf32, #tpu.memory_space<hbm>>
      %dma_start3A_31 = arith.constant 0 : i32
      %dma_start3A_32 = tpu.memref_slice %arg9[%add3A_27, %dma_start3A_31] : memref<512x64xf32, #tpu.memory_space<vmem>> -> memref<1x64xf32, #tpu.memory_space<vmem>>
      %dma_start3A_33 = arith.constant 0 : i32
      %dma_start3A_34 = tpu.memref_slice %arg2[%squeeze3A, %dma_start3A_33] : memref<1000000x64xf32, #tpu.memory_space<hbm>> -> memref<1x64xf32, #tpu.memory_space<hbm>>
      tpu.enqueue_dma source(%dma_start3A_34 : memref<1x64xf32, #tpu.memory_space<hbm>>) target(%dma_start3A_32 : memref<1x64xf32, #tpu.memory_space<vmem>>) target_semaphore(%arg11 : memref<!tpu.dma_semaphore, #tpu.memory_space<semaphore_mem>>)
      %slice3A_35 = vector.extract_strided_slice %get3A_23 {offsets = [1], sizes = [1], strides = [1]} : vector<16xi32> to vector<1xi32>
      %squeeze3A_36 = vector.extract %slice3A_35[0] : i32 from vector<1xi32>
      %mul3A_37 = arith.constant 16 : i32
      %mul3A_38 = arith.muli %scan3A_19, %mul3A_37 : i32
      %add3A_39 = arith.constant 1 : i32
      %add3A_40 = arith.addi %mul3A_38, %add3A_39 : i32
      %dma_start3A_41 = arith.constant 0 : i32
      %dma_start3A_42 = tpu.memref_slice %arg9[%add3A_40, %dma_start3A_41] : memref<512x64xf32, #tpu.memory_space<vmem>> -> memref<1x64xf32, #tpu.memory_space<vmem>>
      %dma_start3A_43 = arith.constant 0 : i32
      %dma_start3A_44 = tpu.memref_slice %arg2[%squeeze3A_36, %dma_start3A_43] : memref<1000000x64xf32, #tpu.memory_space<hbm>> -> memref<1x64xf32, #tpu.memory_space<hbm>>
      %dma_start3A_45 = arith.constant 0 : i32
      %dma_start3A_46 = tpu.memref_slice %arg9[%add3A_40, %dma_start3A_45] : memref<512x64xf32, #tpu.memory_space<vmem>> -> memref<1x64xf32, #tpu.memory_space<vmem>>
      %dma_start3A_47 = arith.constant 0 : i32
      %dma_start3A_48 = tpu.memref_slice %arg2[%squeeze3A_36, %dma_start3A_47] : memref<1000000x64xf32, #tpu.memory_space<hbm>> -> memref<1x64xf32, #tpu.memory_space<hbm>>
      tpu.enqueue_dma source(%dma_start3A_48 : memref<1x64xf32, #tpu.memory_space<hbm>>) target(%dma_start3A_46 : memref<1x64xf32, #tpu.memory_space<vmem>>) target_semaphore(%arg11 : memref<!tpu.dma_semaphore, #tpu.memory_space<semaphore_mem>>)
      %slice3A_49 = vector.extract_strided_slice %get3A_23 {offsets = [2], sizes = [1], strides = [1]} : vector<16xi32> to vector<1xi32>
      %squeeze3A_50 = vector.extract %slice3A_49[0] : i32 from vector<1xi32>
      %mul3A_51 = arith.constant 16 : i32
      %mul3A_52 = arith.muli %scan3A_19, %mul3A_51 : i32
      %add3A_53 = arith.constant 2 : i32
      %add3A_54 = arith.addi %mul3A_52, %add3A_53 : i32
      %dma_start3A_55 = arith.constant 0 : i32
      %dma_start3A_56 = tpu.memref_slice %arg9[%add3A_54, %dma_start3A_55] : memref<512x64xf32, #tpu.memory_space<vmem>> -> memref<1x64xf32, #tpu.memory_space<vmem>>
      %dma_start3A_57 = arith.constant 0 : i32
      %dma_start3A_58 = tpu.memref_slice %arg2[%squeeze3A_50, %dma_start3A_57] : memref<1000000x64xf32, #tpu.memory_space<hbm>> -> memref<1x64xf32, #tpu.memory_space<hbm>>
      %dma_start3A_59 = arith.constant 0 : i32
      %dma_start3A_60 = tpu.memref_slice %arg9[%add3A_54, %dma_start3A_59] : memref<512x64xf32, #tpu.memory_space<vmem>> -> memref<1x64xf32, #tpu.memory_space<vmem>>
      %dma_start3A_61 = arith.constant 0 : i32
      %dma_start3A_62 = tpu.memref_slice %arg2[%squeeze3A_50, %dma_start3A_61] : memref<1000000x64xf32, #tpu.memory_space<hbm>> -> memref<1x64xf32, #tpu.memory_space<hbm>>
      tpu.enqueue_dma source(%dma_start3A_62 : memref<1x64xf32, #tpu.memory_space<hbm>>) target(%dma_start3A_60 : memref<1x64xf32, #tpu.memory_space<vmem>>) target_semaphore(%arg11 : memref<!tpu.dma_semaphore, #tpu.memory_space<semaphore_mem>>)
      %slice3A_63 = vector.extract_strided_slice %get3A_23 {offsets = [3], sizes = [1], strides = [1]} : vector<16xi32> to vector<1xi32>
      %squeeze3A_64 = vector.extract %slice3A_63[0] : i32 from vector<1xi32>
      %mul3A_65 = arith.constant 16 : i32
      %mul3A_66 = arith.muli %scan3A_19, %mul3A_65 : i32
      %add3A_67 = arith.constant 3 : i32
      %add3A_68 = arith.addi %mul3A_66, %add3A_67 : i32
      %dma_start3A_69 = arith.constant 0 : i32
      %dma_start3A_70 = tpu.memref_slice %arg9[%add3A_68, %dma_start3A_69] : memref<512x64xf32, #tpu.memory_space<vmem>> -> memref<1x64xf32, #tpu.memory_space<vmem>>
      %dma_start3A_71 = arith.constant 0 : i32
      %dma_start3A_72 = tpu.memref_slice %arg2[%squeeze3A_64, %dma_start3A_71] : memref<1000000x64xf32, #tpu.memory_space<hbm>> -> memref<1x64xf32, #tpu.memory_space<hbm>>
      %dma_start3A_73 = arith.constant 0 : i32
      %dma_start3A_74 = tpu.memref_slice %arg9[%add3A_68, %dma_start3A_73] : memref<512x64xf32, #tpu.memory_space<vmem>> -> memref<1x64xf32, #tpu.memory_space<vmem>>
      %dma_start3A_75 = arith.constant 0 : i32
      %dma_start3A_76 = tpu.memref_slice %arg2[%squeeze3A_64, %dma_start3A_75] : memref<1000000x64xf32, #tpu.memory_space<hbm>> -> memref<1x64xf32, #tpu.memory_space<hbm>>
      tpu.enqueue_dma source(%dma_start3A_76 : memref<1x64xf32, #tpu.memory_space<hbm>>) target(%dma_start3A_74 : memref<1x64xf32, #tpu.memory_space<vmem>>) target_semaphore(%arg11 : memref<!tpu.dma_semaphore, #tpu.memory_space<semaphore_mem>>)
      %slice3A_77 = vector.extract_strided_slice %get3A_23 {offsets = [4], sizes = [1], strides = [1]} : vector<16xi32> to vector<1xi32>
      %squeeze3A_78 = vector.extract %slice3A_77[0] : i32 from vector<1xi32>
      %mul3A_79 = arith.constant 16 : i32
      %mul3A_80 = arith.muli %scan3A_19, %mul3A_79 : i32
      %add3A_81 = arith.constant 4 : i32
      %add3A_82 = arith.addi %mul3A_80, %add3A_81 : i32
      %dma_start3A_83 = arith.constant 0 : i32
      %dma_start3A_84 = tpu.memref_slice %arg9[%add3A_82, %dma_start3A_83] : memref<512x64xf32, #tpu.memory_space<vmem>> -> memref<1x64xf32, #tpu.memory_space<vmem>>
      %dma_start3A_85 = arith.constant 0 : i32
      %dma_start3A_86 = tpu.memref_slice %arg2[%squeeze3A_78, %dma_start3A_85] : memref<1000000x64xf32, #tpu.memory_space<hbm>> -> memref<1x64xf32, #tpu.memory_space<hbm>>
      %dma_start3A_87 = arith.constant 0 : i32
      %dma_start3A_88 = tpu.memref_slice %arg9[%add3A_82, %dma_start3A_87] : memref<512x64xf32, #tpu.memory_space<vmem>> -> memref<1x64xf32, #tpu.memory_space<vmem>>
      %dma_start3A_89 = arith.constant 0 : i32
      %dma_start3A_90 = tpu.memref_slice %arg2[%squeeze3A_78, %dma_start3A_89] : memref<1000000x64xf32, #tpu.memory_space<hbm>> -> memref<1x64xf32, #tpu.memory_space<hbm>>
      tpu.enqueue_dma source(%dma_start3A_90 : memref<1x64xf32, #tpu.memory_space<hbm>>) target(%dma_start3A_88 : memref<1x64xf32, #tpu.memory_space<vmem>>) target_semaphore(%arg11 : memref<!tpu.dma_semaphore, #tpu.memory_space<semaphore_mem>>)
      %slice3A_91 = vector.extract_strided_slice %get3A_23 {offsets = [5], sizes = [1], strides = [1]} : vector<16xi32> to vector<1xi32>
      %squeeze3A_92 = vector.extract %slice3A_91[0] : i32 from vector<1xi32>
      %mul3A_93 = arith.constant 16 : i32
      %mul3A_94 = arith.muli %scan3A_19, %mul3A_93 : i32
      %add3A_95 = arith.constant 5 : i32
      %add3A_96 = arith.addi %mul3A_94, %add3A_95 : i32
      %dma_start3A_97 = arith.constant 0 : i32
      %dma_start3A_98 = tpu.memref_slice %arg9[%add3A_96, %dma_start3A_97] : memref<512x64xf32, #tpu.memory_space<vmem>> -> memref<1x64xf32, #tpu.memory_space<vmem>>
      %dma_start3A_99 = arith.constant 0 : i32
      %dma_start3A_100 = tpu.memref_slice %arg2[%squeeze3A_92, %dma_start3A_99] : memref<1000000x64xf32, #tpu.memory_space<hbm>> -> memref<1x64xf32, #tpu.memory_space<hbm>>
      %dma_start3A_101 = arith.constant 0 : i32
      %dma_start3A_102 = tpu.memref_slice %arg9[%add3A_96, %dma_start3A_101] : memref<512x64xf32, #tpu.memory_space<vmem>> -> memref<1x64xf32, #tpu.memory_space<vmem>>
      %dma_start3A_103 = arith.constant 0 : i32
      %dma_start3A_104 = tpu.memref_slice %arg2[%squeeze3A_92, %dma_start3A_103] : memref<1000000x64xf32, #tpu.memory_space<hbm>> -> memref<1x64xf32, #tpu.memory_space<hbm>>
      tpu.enqueue_dma source(%dma_start3A_104 : memref<1x64xf32, #tpu.memory_space<hbm>>) target(%dma_start3A_102 : memref<1x64xf32, #tpu.memory_space<vmem>>) target_semaphore(%arg11 : memref<!tpu.dma_semaphore, #tpu.memory_space<semaphore_mem>>)
      %slice3A_105 = vector.extract_strided_slice %get3A_23 {offsets = [6], sizes = [1], strides = [1]} : vector<16xi32> to vector<1xi32>
      %squeeze3A_106 = vector.extract %slice3A_105[0] : i32 from vector<1xi32>
      %mul3A_107 = arith.constant 16 : i32
      %mul3A_108 = arith.muli %scan3A_19, %mul3A_107 : i32
      %add3A_109 = arith.constant 6 : i32
      %add3A_110 = arith.addi %mul3A_108, %add3A_109 : i32
      %dma_start3A_111 = arith.constant 0 : i32
      %dma_start3A_112 = tpu.memref_slice %arg9[%add3A_110, %dma_start3A_111] : memref<512x64xf32, #tpu.memory_space<vmem>> -> memref<1x64xf32, #tpu.memory_space<vmem>>
      %dma_start3A_113 = arith.constant 0 : i32
      %dma_start3A_114 = tpu.memref_slice %arg2[%squeeze3A_106, %dma_start3A_113] : memref<1000000x64xf32, #tpu.memory_space<hbm>> -> memref<1x64xf32, #tpu.memory_space<hbm>>
      %dma_start3A_115 = arith.constant 0 : i32
      %dma_start3A_116 = tpu.memref_slice %arg9[%add3A_110, %dma_start3A_115] : memref<512x64xf32, #tpu.memory_space<vmem>> -> memref<1x64xf32, #tpu.memory_space<vmem>>
      %dma_start3A_117 = arith.constant 0 : i32
      %dma_start3A_118 = tpu.memref_slice %arg2[%squeeze3A_106, %dma_start3A_117] : memref<1000000x64xf32, #tpu.memory_space<hbm>> -> memref<1x64xf32, #tpu.memory_space<hbm>>
      tpu.enqueue_dma source(%dma_start3A_118 : memref<1x64xf32, #tpu.memory_space<hbm>>) target(%dma_start3A_116 : memref<1x64xf32, #tpu.memory_space<vmem>>) target_semaphore(%arg11 : memref<!tpu.dma_semaphore, #tpu.memory_space<semaphore_mem>>)
      %slice3A_119 = vector.extract_strided_slice %get3A_23 {offsets = [7], sizes = [1], strides = [1]} : vector<16xi32> to vector<1xi32>
      %squeeze3A_120 = vector.extract %slice3A_119[0] : i32 from vector<1xi32>
      %mul3A_121 = arith.constant 16 : i32
      %mul3A_122 = arith.muli %scan3A_19, %mul3A_121 : i32
      %add3A_123 = arith.constant 7 : i32
      %add3A_124 = arith.addi %mul3A_122, %add3A_123 : i32
      %dma_start3A_125 = arith.constant 0 : i32
      %dma_start3A_126 = tpu.memref_slice %arg9[%add3A_124, %dma_start3A_125] : memref<512x64xf32, #tpu.memory_space<vmem>> -> memref<1x64xf32, #tpu.memory_space<vmem>>
      %dma_start3A_127 = arith.constant 0 : i32
      %dma_start3A_128 = tpu.memref_slice %arg2[%squeeze3A_120, %dma_start3A_127] : memref<1000000x64xf32, #tpu.memory_space<hbm>> -> memref<1x64xf32, #tpu.memory_space<hbm>>
      %dma_start3A_129 = arith.constant 0 : i32
      %dma_start3A_130 = tpu.memref_slice %arg9[%add3A_124, %dma_start3A_129] : memref<512x64xf32, #tpu.memory_space<vmem>> -> memref<1x64xf32, #tpu.memory_space<vmem>>
      %dma_start3A_131 = arith.constant 0 : i32
      %dma_start3A_132 = tpu.memref_slice %arg2[%squeeze3A_120, %dma_start3A_131] : memref<1000000x64xf32, #tpu.memory_space<hbm>> -> memref<1x64xf32, #tpu.memory_space<hbm>>
      tpu.enqueue_dma source(%dma_start3A_132 : memref<1x64xf32, #tpu.memory_space<hbm>>) target(%dma_start3A_130 : memref<1x64xf32, #tpu.memory_space<vmem>>) target_semaphore(%arg11 : memref<!tpu.dma_semaphore, #tpu.memory_space<semaphore_mem>>)
      %slice3A_133 = vector.extract_strided_slice %get3A_23 {offsets = [8], sizes = [1], strides = [1]} : vector<16xi32> to vector<1xi32>
      %squeeze3A_134 = vector.extract %slice3A_133[0] : i32 from vector<1xi32>
      %mul3A_135 = arith.constant 16 : i32
      %mul3A_136 = arith.muli %scan3A_19, %mul3A_135 : i32
      %add3A_137 = arith.constant 8 : i32
      %add3A_138 = arith.addi %mul3A_136, %add3A_137 : i32
      %dma_start3A_139 = arith.constant 0 : i32
      %dma_start3A_140 = tpu.memref_slice %arg9[%add3A_138, %dma_start3A_139] : memref<512x64xf32, #tpu.memory_space<vmem>> -> memref<1x64xf32, #tpu.memory_space<vmem>>
      %dma_start3A_141 = arith.constant 0 : i32
      %dma_start3A_142 = tpu.memref_slice %arg2[%squeeze3A_134, %dma_start3A_141] : memref<1000000x64xf32, #tpu.memory_space<hbm>> -> memref<1x64xf32, #tpu.memory_space<hbm>>
      %dma_start3A_143 = arith.constant 0 : i32
      %dma_start3A_144 = tpu.memref_slice %arg9[%add3A_138, %dma_start3A_143] : memref<512x64xf32, #tpu.memory_space<vmem>> -> memref<1x64xf32, #tpu.memory_space<vmem>>
      %dma_start3A_145 = arith.constant 0 : i32
      %dma_start3A_146 = tpu.memref_slice %arg2[%squeeze3A_134, %dma_start3A_145] : memref<1000000x64xf32, #tpu.memory_space<hbm>> -> memref<1x64xf32, #tpu.memory_space<hbm>>
      tpu.enqueue_dma source(%dma_start3A_146 : memref<1x64xf32, #tpu.memory_space<hbm>>) target(%dma_start3A_144 : memref<1x64xf32, #tpu.memory_space<vmem>>) target_semaphore(%arg11 : memref<!tpu.dma_semaphore, #tpu.memory_space<semaphore_mem>>)
      %slice3A_147 = vector.extract_strided_slice %get3A_23 {offsets = [9], sizes = [1], strides = [1]} : vector<16xi32> to vector<1xi32>
      %squeeze3A_148 = vector.extract %slice3A_147[0] : i32 from vector<1xi32>
      %mul3A_149 = arith.constant 16 : i32
      %mul3A_150 = arith.muli %scan3A_19, %mul3A_149 : i32
      %add3A_151 = arith.constant 9 : i32
      %add3A_152 = arith.addi %mul3A_150, %add3A_151 : i32
      %dma_start3A_153 = arith.constant 0 : i32
      %dma_start3A_154 = tpu.memref_slice %arg9[%add3A_152, %dma_start3A_153] : memref<512x64xf32, #tpu.memory_space<vmem>> -> memref<1x64xf32, #tpu.memory_space<vmem>>
      %dma_start3A_155 = arith.constant 0 : i32
      %dma_start3A_156 = tpu.memref_slice %arg2[%squeeze3A_148, %dma_start3A_155] : memref<1000000x64xf32, #tpu.memory_space<hbm>> -> memref<1x64xf32, #tpu.memory_space<hbm>>
      %dma_start3A_157 = arith.constant 0 : i32
      %dma_start3A_158 = tpu.memref_slice %arg9[%add3A_152, %dma_start3A_157] : memref<512x64xf32, #tpu.memory_space<vmem>> -> memref<1x64xf32, #tpu.memory_space<vmem>>
      %dma_start3A_159 = arith.constant 0 : i32
      %dma_start3A_160 = tpu.memref_slice %arg2[%squeeze3A_148, %dma_start3A_159] : memref<1000000x64xf32, #tpu.memory_space<hbm>> -> memref<1x64xf32, #tpu.memory_space<hbm>>
      tpu.enqueue_dma source(%dma_start3A_160 : memref<1x64xf32, #tpu.memory_space<hbm>>) target(%dma_start3A_158 : memref<1x64xf32, #tpu.memory_space<vmem>>) target_semaphore(%arg11 : memref<!tpu.dma_semaphore, #tpu.memory_space<semaphore_mem>>)
      %slice3A_161 = vector.extract_strided_slice %get3A_23 {offsets = [10], sizes = [1], strides = [1]} : vector<16xi32> to vector<1xi32>
      %squeeze3A_162 = vector.extract %slice3A_161[0] : i32 from vector<1xi32>
      %mul3A_163 = arith.constant 16 : i32
      %mul3A_164 = arith.muli %scan3A_19, %mul3A_163 : i32
      %add3A_165 = arith.constant 10 : i32
      %add3A_166 = arith.addi %mul3A_164, %add3A_165 : i32
      %dma_start3A_167 = arith.constant 0 : i32
      %dma_start3A_168 = tpu.memref_slice %arg9[%add3A_166, %dma_start3A_167] : memref<512x64xf32, #tpu.memory_space<vmem>> -> memref<1x64xf32, #tpu.memory_space<vmem>>
      %dma_start3A_169 = arith.constant 0 : i32
      %dma_start3A_170 = tpu.memref_slice %arg2[%squeeze3A_162, %dma_start3A_169] : memref<1000000x64xf32, #tpu.memory_space<hbm>> -> memref<1x64xf32, #tpu.memory_space<hbm>>
      %dma_start3A_171 = arith.constant 0 : i32
      %dma_start3A_172 = tpu.memref_slice %arg9[%add3A_166, %dma_start3A_171] : memref<512x64xf32, #tpu.memory_space<vmem>> -> memref<1x64xf32, #tpu.memory_space<vmem>>
      %dma_start3A_173 = arith.constant 0 : i32
      %dma_start3A_174 = tpu.memref_slice %arg2[%squeeze3A_162, %dma_start3A_173] : memref<1000000x64xf32, #tpu.memory_space<hbm>> -> memref<1x64xf32, #tpu.memory_space<hbm>>
      tpu.enqueue_dma source(%dma_start3A_174 : memref<1x64xf32, #tpu.memory_space<hbm>>) target(%dma_start3A_172 : memref<1x64xf32, #tpu.memory_space<vmem>>) target_semaphore(%arg11 : memref<!tpu.dma_semaphore, #tpu.memory_space<semaphore_mem>>)
      %slice3A_175 = vector.extract_strided_slice %get3A_23 {offsets = [11], sizes = [1], strides = [1]} : vector<16xi32> to vector<1xi32>
      %squeeze3A_176 = vector.extract %slice3A_175[0] : i32 from vector<1xi32>
      %mul3A_177 = arith.constant 16 : i32
      %mul3A_178 = arith.muli %scan3A_19, %mul3A_177 : i32
      %add3A_179 = arith.constant 11 : i32
      %add3A_180 = arith.addi %mul3A_178, %add3A_179 : i32
      %dma_start3A_181 = arith.constant 0 : i32
      %dma_start3A_182 = tpu.memref_slice %arg9[%add3A_180, %dma_start3A_181] : memref<512x64xf32, #tpu.memory_space<vmem>> -> memref<1x64xf32, #tpu.memory_space<vmem>>
      %dma_start3A_183 = arith.constant 0 : i32
      %dma_start3A_184 = tpu.memref_slice %arg2[%squeeze3A_176, %dma_start3A_183] : memref<1000000x64xf32, #tpu.memory_space<hbm>> -> memref<1x64xf32, #tpu.memory_space<hbm>>
      %dma_start3A_185 = arith.constant 0 : i32
      %dma_start3A_186 = tpu.memref_slice %arg9[%add3A_180, %dma_start3A_185] : memref<512x64xf32, #tpu.memory_space<vmem>> -> memref<1x64xf32, #tpu.memory_space<vmem>>
      %dma_start3A_187 = arith.constant 0 : i32
      %dma_start3A_188 = tpu.memref_slice %arg2[%squeeze3A_176, %dma_start3A_187] : memref<1000000x64xf32, #tpu.memory_space<hbm>> -> memref<1x64xf32, #tpu.memory_space<hbm>>
      tpu.enqueue_dma source(%dma_start3A_188 : memref<1x64xf32, #tpu.memory_space<hbm>>) target(%dma_start3A_186 : memref<1x64xf32, #tpu.memory_space<vmem>>) target_semaphore(%arg11 : memref<!tpu.dma_semaphore, #tpu.memory_space<semaphore_mem>>)
      %slice3A_189 = vector.extract_strided_slice %get3A_23 {offsets = [12], sizes = [1], strides = [1]} : vector<16xi32> to vector<1xi32>
      %squeeze3A_190 = vector.extract %slice3A_189[0] : i32 from vector<1xi32>
      %mul3A_191 = arith.constant 16 : i32
      %mul3A_192 = arith.muli %scan3A_19, %mul3A_191 : i32
      %add3A_193 = arith.constant 12 : i32
      %add3A_194 = arith.addi %mul3A_192, %add3A_193 : i32
      %dma_start3A_195 = arith.constant 0 : i32
      %dma_start3A_196 = tpu.memref_slice %arg9[%add3A_194, %dma_start3A_195] : memref<512x64xf32, #tpu.memory_space<vmem>> -> memref<1x64xf32, #tpu.memory_space<vmem>>
      %dma_start3A_197 = arith.constant 0 : i32
      %dma_start3A_198 = tpu.memref_slice %arg2[%squeeze3A_190, %dma_start3A_197] : memref<1000000x64xf32, #tpu.memory_space<hbm>> -> memref<1x64xf32, #tpu.memory_space<hbm>>
      %dma_start3A_199 = arith.constant 0 : i32
      %dma_start3A_200 = tpu.memref_slice %arg9[%add3A_194, %dma_start3A_199] : memref<512x64xf32, #tpu.memory_space<vmem>> -> memref<1x64xf32, #tpu.memory_space<vmem>>
      %dma_start3A_201 = arith.constant 0 : i32
      %dma_start3A_202 = tpu.memref_slice %arg2[%squeeze3A_190, %dma_start3A_201] : memref<1000000x64xf32, #tpu.memory_space<hbm>> -> memref<1x64xf32, #tpu.memory_space<hbm>>
      tpu.enqueue_dma source(%dma_start3A_202 : memref<1x64xf32, #tpu.memory_space<hbm>>) target(%dma_start3A_200 : memref<1x64xf32, #tpu.memory_space<vmem>>) target_semaphore(%arg11 : memref<!tpu.dma_semaphore, #tpu.memory_space<semaphore_mem>>)
      %slice3A_203 = vector.extract_strided_slice %get3A_23 {offsets = [13], sizes = [1], strides = [1]} : vector<16xi32> to vector<1xi32>
      %squeeze3A_204 = vector.extract %slice3A_203[0] : i32 from vector<1xi32>
      %mul3A_205 = arith.constant 16 : i32
      %mul3A_206 = arith.muli %scan3A_19, %mul3A_205 : i32
      %add3A_207 = arith.constant 13 : i32
      %add3A_208 = arith.addi %mul3A_206, %add3A_207 : i32
      %dma_start3A_209 = arith.constant 0 : i32
      %dma_start3A_210 = tpu.memref_slice %arg9[%add3A_208, %dma_start3A_209] : memref<512x64xf32, #tpu.memory_space<vmem>> -> memref<1x64xf32, #tpu.memory_space<vmem>>
      %dma_start3A_211 = arith.constant 0 : i32
      %dma_start3A_212 = tpu.memref_slice %arg2[%squeeze3A_204, %dma_start3A_211] : memref<1000000x64xf32, #tpu.memory_space<hbm>> -> memref<1x64xf32, #tpu.memory_space<hbm>>
      %dma_start3A_213 = arith.constant 0 : i32
      %dma_start3A_214 = tpu.memref_slice %arg9[%add3A_208, %dma_start3A_213] : memref<512x64xf32, #tpu.memory_space<vmem>> -> memref<1x64xf32, #tpu.memory_space<vmem>>
      %dma_start3A_215 = arith.constant 0 : i32
      %dma_start3A_216 = tpu.memref_slice %arg2[%squeeze3A_204, %dma_start3A_215] : memref<1000000x64xf32, #tpu.memory_space<hbm>> -> memref<1x64xf32, #tpu.memory_space<hbm>>
      tpu.enqueue_dma source(%dma_start3A_216 : memref<1x64xf32, #tpu.memory_space<hbm>>) target(%dma_start3A_214 : memref<1x64xf32, #tpu.memory_space<vmem>>) target_semaphore(%arg11 : memref<!tpu.dma_semaphore, #tpu.memory_space<semaphore_mem>>)
      %slice3A_217 = vector.extract_strided_slice %get3A_23 {offsets = [14], sizes = [1], strides = [1]} : vector<16xi32> to vector<1xi32>
      %squeeze3A_218 = vector.extract %slice3A_217[0] : i32 from vector<1xi32>
      %mul3A_219 = arith.constant 16 : i32
      %mul3A_220 = arith.muli %scan3A_19, %mul3A_219 : i32
      %add3A_221 = arith.constant 14 : i32
      %add3A_222 = arith.addi %mul3A_220, %add3A_221 : i32
      %dma_start3A_223 = arith.constant 0 : i32
      %dma_start3A_224 = tpu.memref_slice %arg9[%add3A_222, %dma_start3A_223] : memref<512x64xf32, #tpu.memory_space<vmem>> -> memref<1x64xf32, #tpu.memory_space<vmem>>
      %dma_start3A_225 = arith.constant 0 : i32
      %dma_start3A_226 = tpu.memref_slice %arg2[%squeeze3A_218, %dma_start3A_225] : memref<1000000x64xf32, #tpu.memory_space<hbm>> -> memref<1x64xf32, #tpu.memory_space<hbm>>
      %dma_start3A_227 = arith.constant 0 : i32
      %dma_start3A_228 = tpu.memref_slice %arg9[%add3A_222, %dma_start3A_227] : memref<512x64xf32, #tpu.memory_space<vmem>> -> memref<1x64xf32, #tpu.memory_space<vmem>>
      %dma_start3A_229 = arith.constant 0 : i32
      %dma_start3A_230 = tpu.memref_slice %arg2[%squeeze3A_218, %dma_start3A_229] : memref<1000000x64xf32, #tpu.memory_space<hbm>> -> memref<1x64xf32, #tpu.memory_space<hbm>>
      tpu.enqueue_dma source(%dma_start3A_230 : memref<1x64xf32, #tpu.memory_space<hbm>>) target(%dma_start3A_228 : memref<1x64xf32, #tpu.memory_space<vmem>>) target_semaphore(%arg11 : memref<!tpu.dma_semaphore, #tpu.memory_space<semaphore_mem>>)
      %slice3A_231 = vector.extract_strided_slice %get3A_23 {offsets = [15], sizes = [1], strides = [1]} : vector<16xi32> to vector<1xi32>
      %squeeze3A_232 = vector.extract %slice3A_231[0] : i32 from vector<1xi32>
      %mul3A_233 = arith.constant 16 : i32
      %mul3A_234 = arith.muli %scan3A_19, %mul3A_233 : i32
      %add3A_235 = arith.constant 15 : i32
      %add3A_236 = arith.addi %mul3A_234, %add3A_235 : i32
      %dma_start3A_237 = arith.constant 0 : i32
      %dma_start3A_238 = tpu.memref_slice %arg9[%add3A_236, %dma_start3A_237] : memref<512x64xf32, #tpu.memory_space<vmem>> -> memref<1x64xf32, #tpu.memory_space<vmem>>
      %dma_start3A_239 = arith.constant 0 : i32
      %dma_start3A_240 = tpu.memref_slice %arg2[%squeeze3A_232, %dma_start3A_239] : memref<1000000x64xf32, #tpu.memory_space<hbm>> -> memref<1x64xf32, #tpu.memory_space<hbm>>
      %dma_start3A_241 = arith.constant 0 : i32
      %dma_start3A_242 = tpu.memref_slice %arg9[%add3A_236, %dma_start3A_241] : memref<512x64xf32, #tpu.memory_space<vmem>> -> memref<1x64xf32, #tpu.memory_space<vmem>>
      %dma_start3A_243 = arith.constant 0 : i32
      %dma_start3A_244 = tpu.memref_slice %arg2[%squeeze3A_232, %dma_start3A_243] : memref<1000000x64xf32, #tpu.memory_space<hbm>> -> memref<1x64xf32, #tpu.memory_space<hbm>>
      tpu.enqueue_dma source(%dma_start3A_244 : memref<1x64xf32, #tpu.memory_space<hbm>>) target(%dma_start3A_242 : memref<1x64xf32, #tpu.memory_space<vmem>>) target_semaphore(%arg11 : memref<!tpu.dma_semaphore, #tpu.memory_space<semaphore_mem>>)
    }
    %scan3A_7 = arith.constant 32 : i32
    %dma_wait3A = arith.constant 0 : i32
    %dma_wait3A_8 = arith.constant 0 : i32
    %dma_wait3A_9 = tpu.memref_slice %arg2[%dma_wait3A, %dma_wait3A_8] : memref<1000000x64xf32, #tpu.memory_space<hbm>> -> memref<512x64xf32, #tpu.memory_space<hbm>>
    %dma_wait3A_10 = arith.constant 0 : i32
    %dma_wait3A_11 = arith.constant 0 : i32
    %dma_wait3A_12 = tpu.memref_slice %arg2[%dma_wait3A_10, %dma_wait3A_11] : memref<1000000x64xf32, #tpu.memory_space<hbm>> -> memref<512x64xf32, #tpu.memory_space<hbm>>
    tpu.wait_dma2 semaphore(%arg11 : memref<!tpu.dma_semaphore, #tpu.memory_space<semaphore_mem>>) src(%dma_wait3A_12 : memref<512x64xf32, #tpu.memory_space<hbm>>) dst(%arg9 : memref<512x64xf32, #tpu.memory_space<vmem>>)
    %scan3A_13 = arith.constant 0 : i32
    %scan3A_14 = arith.constant 0 : i32
    %scan3A_15 = arith.constant 32 : i32
    %scan3A_16 = arith.addi %scan3A_14, %scan3A_15 : i32
    %scan3A_17 = arith.constant 1 : i32
    scf.for %scan3A_19 = %scan3A_14 to %scan3A_16 step %scan3A_17  : i32 {
      %mul3A_20 = arith.constant 16 : i32
      %mul3A_21 = arith.muli %scan3A_19, %mul3A_20 : i32
      %get3A = arith.index_cast %mul3A_21 : i32 to index
      %get3A_22 = tpu.vector_load %arg8[%get3A] {strides = array<i32>} : memref<512xi32, #tpu.memory_space<vmem>>, vector<16xi32>,
      %get3A_23 = vector.shape_cast %get3A_22 : vector<16xi32> to vector<16xi32>
      %slice3A = vector.extract_strided_slice %get3A_23 {offsets = [0], sizes = [1], strides = [1]} : vector<16xi32> to vector<1xi32>
      %squeeze3A = vector.extract %slice3A[0] : i32 from vector<1xi32>
      %mul3A_24 = arith.constant 16 : i32
      %mul3A_25 = arith.muli %scan3A_19, %mul3A_24 : i32
      %add3A_26 = arith.constant 0 : i32
      %add3A_27 = arith.addi %mul3A_25, %add3A_26 : i32
      %get3A_28 = arith.constant 0 : i32
      %get3A_29 = tpu.memref_slice %arg9[%add3A_27, %get3A_28] : memref<512x64xf32, #tpu.memory_space<vmem>> -> memref<1x64xf32, #tpu.memory_space<vmem>>
      %get3A_30 = tpu.memref_squeeze %get3A_29 : memref<1x64xf32, #tpu.memory_space<vmem>> -> memref<64xf32, #tpu.memory_space<vmem>>
      %get3A_31 = arith.constant 0 : index
      %get3A_32 = tpu.vector_load %get3A_30[%get3A_31] {strides = array<i32>} : memref<64xf32, #tpu.memory_space<vmem>>, vector<16xf32>,
      %get3A_33 = vector.shape_cast %get3A_32 : vector<16xf32> to vector<16xf32>
      %get3A_34 = arith.constant 0 : i32
      %get3A_35 = tpu.memref_slice %arg10[%squeeze3A, %get3A_34] : memref<50x64xf32, #tpu.memory_space<vmem>> -> memref<1x64xf32, #tpu.memory_space<vmem>>
      %get3A_36 = tpu.memref_squeeze %get3A_35 : memref<1x64xf32, #tpu.memory_space<vmem>> -> memref<64xf32, #tpu.memory_space<vmem>>
      %get3A_37 = arith.constant 0 : index
      %get3A_38 = tpu.vector_load %get3A_36[%get3A_37] {strides = array<i32>} : memref<64xf32, #tpu.memory_space<vmem>>, vector<16xf32>,
      %get3A_39 = vector.shape_cast %get3A_38 : vector<16xf32> to vector<16xf32>
      %add3A_40 = arith.addf %get3A_33, %get3A_39 : vector<16xf32>
      %swap3A = arith.constant 0 : i32
      %swap3A_41 = tpu.memref_slice %arg9[%add3A_27, %swap3A] : memref<512x64xf32, #tpu.memory_space<vmem>> -> memref<1x64xf32, #tpu.memory_space<vmem>>
      %swap3A_42 = tpu.memref_squeeze %swap3A_41 : memref<1x64xf32, #tpu.memory_space<vmem>> -> memref<64xf32, #tpu.memory_space<vmem>>
      %swap3A_43 = arith.constant 0 : index
      %swap3A_44 = tpu.vector_load %swap3A_42[%swap3A_43] {strides = array<i32>} : memref<64xf32, #tpu.memory_space<vmem>>, vector<16xf32>,
      %swap3A_45 = vector.shape_cast %swap3A_44 : vector<16xf32> to vector<16xf32>
      %swap3A_46 = vector.shape_cast %add3A_40 : vector<16xf32> to vector<16xf32>
      tpu.vector_store %swap3A_42[%swap3A_43], %swap3A_46 {strides = array<i32>} : memref<64xf32, #tpu.memory_space<vmem>>, vector<16xf32>,
      %get3A_47 = arith.constant 0 : i32
      %get3A_48 = tpu.memref_slice %arg9[%add3A_27, %get3A_47] : memref<512x64xf32, #tpu.memory_space<vmem>> -> memref<1x64xf32, #tpu.memory_space<vmem>>
      %get3A_49 = tpu.memref_squeeze %get3A_48 : memref<1x64xf32, #tpu.memory_space<vmem>> -> memref<64xf32, #tpu.memory_space<vmem>>
      %get3A_50 = arith.constant 16 : index
      %get3A_51 = tpu.vector_load %get3A_49[%get3A_50] {strides = array<i32>} : memref<64xf32, #tpu.memory_space<vmem>>, vector<16xf32>,
      %get3A_52 = vector.shape_cast %get3A_51 : vector<16xf32> to vector<16xf32>
      %get3A_53 = arith.constant 0 : i32
      %get3A_54 = tpu.memref_slice %arg10[%squeeze3A, %get3A_53] : memref<50x64xf32, #tpu.memory_space<vmem>> -> memref<1x64xf32, #tpu.memory_space<vmem>>
      %get3A_55 = tpu.memref_squeeze %get3A_54 : memref<1x64xf32, #tpu.memory_space<vmem>> -> memref<64xf32, #tpu.memory_space<vmem>>
      %get3A_56 = arith.constant 16 : index
      %get3A_57 = tpu.vector_load %get3A_55[%get3A_56] {strides = array<i32>} : memref<64xf32, #tpu.memory_space<vmem>>, vector<16xf32>,
      %get3A_58 = vector.shape_cast %get3A_57 : vector<16xf32> to vector<16xf32>
      %add3A_59 = arith.addf %get3A_52, %get3A_58 : vector<16xf32>
      %swap3A_60 = arith.constant 0 : i32
      %swap3A_61 = tpu.memref_slice %arg9[%add3A_27, %swap3A_60] : memref<512x64xf32, #tpu.memory_space<vmem>> -> memref<1x64xf32, #tpu.memory_space<vmem>>
      %swap3A_62 = tpu.memref_squeeze %swap3A_61 : memref<1x64xf32, #tpu.memory_space<vmem>> -> memref<64xf32, #tpu.memory_space<vmem>>
      %swap3A_63 = arith.constant 16 : index
      %swap3A_64 = tpu.vector_load %swap3A_62[%swap3A_63] {strides = array<i32>} : memref<64xf32, #tpu.memory_space<vmem>>, vector<16xf32>,
      %swap3A_65 = vector.shape_cast %swap3A_64 : vector<16xf32> to vector<16xf32>
      %swap3A_66 = vector.shape_cast %add3A_59 : vector<16xf32> to vector<16xf32>
      tpu.vector_store %swap3A_62[%swap3A_63], %swap3A_66 {strides = array<i32>} : memref<64xf32, #tpu.memory_space<vmem>>, vector<16xf32>,
      %get3A_67 = arith.constant 0 : i32
      %get3A_68 = tpu.memref_slice %arg9[%add3A_27, %get3A_67] : memref<512x64xf32, #tpu.memory_space<vmem>> -> memref<1x64xf32, #tpu.memory_space<vmem>>
      %get3A_69 = tpu.memref_squeeze %get3A_68 : memref<1x64xf32, #tpu.memory_space<vmem>> -> memref<64xf32, #tpu.memory_space<vmem>>
      %get3A_70 = arith.constant 32 : index
      %get3A_71 = tpu.vector_load %get3A_69[%get3A_70] {strides = array<i32>} : memref<64xf32, #tpu.memory_space<vmem>>, vector<16xf32>,
      %get3A_72 = vector.shape_cast %get3A_71 : vector<16xf32> to vector<16xf32>
      %get3A_73 = arith.constant 0 : i32
      %get3A_74 = tpu.memref_slice %arg10[%squeeze3A, %get3A_73] : memref<50x64xf32, #tpu.memory_space<vmem>> -> memref<1x64xf32, #tpu.memory_space<vmem>>
      %get3A_75 = tpu.memref_squeeze %get3A_74 : memref<1x64xf32, #tpu.memory_space<vmem>> -> memref<64xf32, #tpu.memory_space<vmem>>
      %get3A_76 = arith.constant 32 : index
      %get3A_77 = tpu.vector_load %get3A_75[%get3A_76] {strides = array<i32>} : memref<64xf32, #tpu.memory_space<vmem>>, vector<16xf32>,
      %get3A_78 = vector.shape_cast %get3A_77 : vector<16xf32> to vector<16xf32>
      %add3A_79 = arith.addf %get3A_72, %get3A_78 : vector<16xf32>
      %swap3A_80 = arith.constant 0 : i32
      %swap3A_81 = tpu.memref_slice %arg9[%add3A_27, %swap3A_80] : memref<512x64xf32, #tpu.memory_space<vmem>> -> memref<1x64xf32, #tpu.memory_space<vmem>>
      %swap3A_82 = tpu.memref_squeeze %swap3A_81 : memref<1x64xf32, #tpu.memory_space<vmem>> -> memref<64xf32, #tpu.memory_space<vmem>>
      %swap3A_83 = arith.constant 32 : index
      %swap3A_84 = tpu.vector_load %swap3A_82[%swap3A_83] {strides = array<i32>} : memref<64xf32, #tpu.memory_space<vmem>>, vector<16xf32>,
      %swap3A_85 = vector.shape_cast %swap3A_84 : vector<16xf32> to vector<16xf32>
      %swap3A_86 = vector.shape_cast %add3A_79 : vector<16xf32> to vector<16xf32>
      tpu.vector_store %swap3A_82[%swap3A_83], %swap3A_86 {strides = array<i32>} : memref<64xf32, #tpu.memory_space<vmem>>, vector<16xf32>,
      %get3A_87 = arith.constant 0 : i32
      %get3A_88 = tpu.memref_slice %arg9[%add3A_27, %get3A_87] : memref<512x64xf32, #tpu.memory_space<vmem>> -> memref<1x64xf32, #tpu.memory_space<vmem>>
      %get3A_89 = tpu.memref_squeeze %get3A_88 : memref<1x64xf32, #tpu.memory_space<vmem>> -> memref<64xf32, #tpu.memory_space<vmem>>
      %get3A_90 = arith.constant 48 : index
      %get3A_91 = tpu.vector_load %get3A_89[%get3A_90] {strides = array<i32>} : memref<64xf32, #tpu.memory_space<vmem>>, vector<16xf32>,
      %get3A_92 = vector.shape_cast %get3A_91 : vector<16xf32> to vector<16xf32>
      %get3A_93 = arith.constant 0 : i32
      %get3A_94 = tpu.memref_slice %arg10[%squeeze3A, %get3A_93] : memref<50x64xf32, #tpu.memory_space<vmem>> -> memref<1x64xf32, #tpu.memory_space<vmem>>
      %get3A_95 = tpu.memref_squeeze %get3A_94 : memref<1x64xf32, #tpu.memory_space<vmem>> -> memref<64xf32, #tpu.memory_space<vmem>>
      %get3A_96 = arith.constant 48 : index
      %get3A_97 = tpu.vector_load %get3A_95[%get3A_96] {strides = array<i32>} : memref<64xf32, #tpu.memory_space<vmem>>, vector<16xf32>,
      %get3A_98 = vector.shape_cast %get3A_97 : vector<16xf32> to vector<16xf32>
      %add3A_99 = arith.addf %get3A_92, %get3A_98 : vector<16xf32>
      %swap3A_100 = arith.constant 0 : i32
      %swap3A_101 = tpu.memref_slice %arg9[%add3A_27, %swap3A_100] : memref<512x64xf32, #tpu.memory_space<vmem>> -> memref<1x64xf32, #tpu.memory_space<vmem>>
      %swap3A_102 = tpu.memref_squeeze %swap3A_101 : memref<1x64xf32, #tpu.memory_space<vmem>> -> memref<64xf32, #tpu.memory_space<vmem>>
      %swap3A_103 = arith.constant 48 : index
      %swap3A_104 = tpu.vector_load %swap3A_102[%swap3A_103] {strides = array<i32>} : memref<64xf32, #tpu.memory_space<vmem>>, vector<16xf32>,
      %swap3A_105 = vector.shape_cast %swap3A_104 : vector<16xf32> to vector<16xf32>
      %swap3A_106 = vector.shape_cast %add3A_99 : vector<16xf32> to vector<16xf32>
      tpu.vector_store %swap3A_102[%swap3A_103], %swap3A_106 {strides = array<i32>} : memref<64xf32, #tpu.memory_space<vmem>>, vector<16xf32>,
      %slice3A_107 = vector.extract_strided_slice %get3A_23 {offsets = [1], sizes = [1], strides = [1]} : vector<16xi32> to vector<1xi32>
      %squeeze3A_108 = vector.extract %slice3A_107[0] : i32 from vector<1xi32>
      %mul3A_109 = arith.constant 16 : i32
      %mul3A_110 = arith.muli %scan3A_19, %mul3A_109 : i32
      %add3A_111 = arith.constant 1 : i32
      %add3A_112 = arith.addi %mul3A_110, %add3A_111 : i32
      %get3A_113 = arith.constant 0 : i32
      %get3A_114 = tpu.memref_slice %arg9[%add3A_112, %get3A_113] : memref<512x64xf32, #tpu.memory_space<vmem>> -> memref<1x64xf32, #tpu.memory_space<vmem>>
      %get3A_115 = tpu.memref_squeeze %get3A_114 : memref<1x64xf32, #tpu.memory_space<vmem>> -> memref<64xf32, #tpu.memory_space<vmem>>
      %get3A_116 = arith.constant 0 : index
      %get3A_117 = tpu.vector_load %get3A_115[%get3A_116] {strides = array<i32>} : memref<64xf32, #tpu.memory_space<vmem>>, vector<16xf32>,
      %get3A_118 = vector.shape_cast %get3A_117 : vector<16xf32> to vector<16xf32>
      %get3A_119 = arith.constant 0 : i32
      %get3A_120 = tpu.memref_slice %arg10[%squeeze3A_108, %get3A_119] : memref<50x64xf32, #tpu.memory_space<vmem>> -> memref<1x64xf32, #tpu.memory_space<vmem>>
      %get3A_121 = tpu.memref_squeeze %get3A_120 : memref<1x64xf32, #tpu.memory_space<vmem>> -> memref<64xf32, #tpu.memory_space<vmem>>
      %get3A_122 = arith.constant 0 : index
      %get3A_123 = tpu.vector_load %get3A_121[%get3A_122] {strides = array<i32>} : memref<64xf32, #tpu.memory_space<vmem>>, vector<16xf32>,
      %get3A_124 = vector.shape_cast %get3A_123 : vector<16xf32> to vector<16xf32>
      %add3A_125 = arith.addf %get3A_118, %get3A_124 : vector<16xf32>
      %swap3A_126 = arith.constant 0 : i32
      %swap3A_127 = tpu.memref_slice %arg9[%add3A_112, %swap3A_126] : memref<512x64xf32, #tpu.memory_space<vmem>> -> memref<1x64xf32, #tpu.memory_space<vmem>>
      %swap3A_128 = tpu.memref_squeeze %swap3A_127 : memref<1x64xf32, #tpu.memory_space<vmem>> -> memref<64xf32, #tpu.memory_space<vmem>>
      %swap3A_129 = arith.constant 0 : index
      %swap3A_130 = tpu.vector_load %swap3A_128[%swap3A_129] {strides = array<i32>} : memref<64xf32, #tpu.memory_space<vmem>>, vector<16xf32>,
      %swap3A_131 = vector.shape_cast %swap3A_130 : vector<16xf32> to vector<16xf32>
      %swap3A_132 = vector.shape_cast %add3A_125 : vector<16xf32> to vector<16xf32>
      tpu.vector_store %swap3A_128[%swap3A_129], %swap3A_132 {strides = array<i32>} : memref<64xf32, #tpu.memory_space<vmem>>, vector<16xf32>,
      %get3A_133 = arith.constant 0 : i32
      %get3A_134 = tpu.memref_slice %arg9[%add3A_112, %get3A_133] : memref<512x64xf32, #tpu.memory_space<vmem>> -> memref<1x64xf32, #tpu.memory_space<vmem>>
      %get3A_135 = tpu.memref_squeeze %get3A_134 : memref<1x64xf32, #tpu.memory_space<vmem>> -> memref<64xf32, #tpu.memory_space<vmem>>
      %get3A_136 = arith.constant 16 : index
      %get3A_137 = tpu.vector_load %get3A_135[%get3A_136] {strides = array<i32>} : memref<64xf32, #tpu.memory_space<vmem>>, vector<16xf32>,
      %get3A_138 = vector.shape_cast %get3A_137 : vector<16xf32> to vector<16xf32>
      %get3A_139 = arith.constant 0 : i32
      %get3A_140 = tpu.memref_slice %arg10[%squeeze3A_108, %get3A_139] : memref<50x64xf32, #tpu.memory_space<vmem>> -> memref<1x64xf32, #tpu.memory_space<vmem>>
      %get3A_141 = tpu.memref_squeeze %get3A_140 : memref<1x64xf32, #tpu.memory_space<vmem>> -> memref<64xf32, #tpu.memory_space<vmem>>
      %get3A_142 = arith.constant 16 : index
      %get3A_143 = tpu.vector_load %get3A_141[%get3A_142] {strides = array<i32>} : memref<64xf32, #tpu.memory_space<vmem>>, vector<16xf32>,
      %get3A_144 = vector.shape_cast %get3A_143 : vector<16xf32> to vector<16xf32>
      %add3A_145 = arith.addf %get3A_138, %get3A_144 : vector<16xf32>
      %swap3A_146 = arith.constant 0 : i32
      %swap3A_147 = tpu.memref_slice %arg9[%add3A_112, %swap3A_146] : memref<512x64xf32, #tpu.memory_space<vmem>> -> memref<1x64xf32, #tpu.memory_space<vmem>>
      %swap3A_148 = tpu.memref_squeeze %swap3A_147 : memref<1x64xf32, #tpu.memory_space<vmem>> -> memref<64xf32, #tpu.memory_space<vmem>>
      %swap3A_149 = arith.constant 16 : index
      %swap3A_150 = tpu.vector_load %swap3A_148[%swap3A_149] {strides = array<i32>} : memref<64xf32, #tpu.memory_space<vmem>>, vector<16xf32>,
      %swap3A_151 = vector.shape_cast %swap3A_150 : vector<16xf32> to vector<16xf32>
      %swap3A_152 = vector.shape_cast %add3A_145 : vector<16xf32> to vector<16xf32>
      tpu.vector_store %swap3A_148[%swap3A_149], %swap3A_152 {strides = array<i32>} : memref<64xf32, #tpu.memory_space<vmem>>, vector<16xf32>,
      %get3A_153 = arith.constant 0 : i32
      %get3A_154 = tpu.memref_slice %arg9[%add3A_112, %get3A_153] : memref<512x64xf32, #tpu.memory_space<vmem>> -> memref<1x64xf32, #tpu.memory_space<vmem>>
      %get3A_155 = tpu.memref_squeeze %get3A_154 : memref<1x64xf32, #tpu.memory_space<vmem>> -> memref<64xf32, #tpu.memory_space<vmem>>
      %get3A_156 = arith.constant 32 : index
      %get3A_157 = tpu.vector_load %get3A_155[%get3A_156] {strides = array<i32>} : memref<64xf32, #tpu.memory_space<vmem>>, vector<16xf32>,
      %get3A_158 = vector.shape_cast %get3A_157 : vector<16xf32> to vector<16xf32>
      %get3A_159 = arith.constant 0 : i32
      %get3A_160 = tpu.memref_slice %arg10[%squeeze3A_108, %get3A_159] : memref<50x64xf32, #tpu.memory_space<vmem>> -> memref<1x64xf32, #tpu.memory_space<vmem>>
      %get3A_161 = tpu.memref_squeeze %get3A_160 : memref<1x64xf32, #tpu.memory_space<vmem>> -> memref<64xf32, #tpu.memory_space<vmem>>
      %get3A_162 = arith.constant 32 : index
      %get3A_163 = tpu.vector_load %get3A_161[%get3A_162] {strides = array<i32>} : memref<64xf32, #tpu.memory_space<vmem>>, vector<16xf32>,
      %get3A_164 = vector.shape_cast %get3A_163 : vector<16xf32> to vector<16xf32>
      %add3A_165 = arith.addf %get3A_158, %get3A_164 : vector<16xf32>
      %swap3A_166 = arith.constant 0 : i32
      %swap3A_167 = tpu.memref_slice %arg9[%add3A_112, %swap3A_166] : memref<512x64xf32, #tpu.memory_space<vmem>> -> memref<1x64xf32, #tpu.memory_space<vmem>>
      %swap3A_168 = tpu.memref_squeeze %swap3A_167 : memref<1x64xf32, #tpu.memory_space<vmem>> -> memref<64xf32, #tpu.memory_space<vmem>>
      %swap3A_169 = arith.constant 32 : index
      %swap3A_170 = tpu.vector_load %swap3A_168[%swap3A_169] {strides = array<i32>} : memref<64xf32, #tpu.memory_space<vmem>>, vector<16xf32>,
      %swap3A_171 = vector.shape_cast %swap3A_170 : vector<16xf32> to vector<16xf32>
      %swap3A_172 = vector.shape_cast %add3A_165 : vector<16xf32> to vector<16xf32>
      tpu.vector_store %swap3A_168[%swap3A_169], %swap3A_172 {strides = array<i32>} : memref<64xf32, #tpu.memory_space<vmem>>, vector<16xf32>,
      %get3A_173 = arith.constant 0 : i32
      %get3A_174 = tpu.memref_slice %arg9[%add3A_112, %get3A_173] : memref<512x64xf32, #tpu.memory_space<vmem>> -> memref<1x64xf32, #tpu.memory_space<vmem>>
      %get3A_175 = tpu.memref_squeeze %get3A_174 : memref<1x64xf32, #tpu.memory_space<vmem>> -> memref<64xf32, #tpu.memory_space<vmem>>
      %get3A_176 = arith.constant 48 : index
      %get3A_177 = tpu.vector_load %get3A_175[%get3A_176] {strides = array<i32>} : memref<64xf32, #tpu.memory_space<vmem>>, vector<16xf32>,
      %get3A_178 = vector.shape_cast %get3A_177 : vector<16xf32> to vector<16xf32>
      %get3A_179 = arith.constant 0 : i32
      %get3A_180 = tpu.memref_slice %arg10[%squeeze3A_108, %get3A_179] : memref<50x64xf32, #tpu.memory_space<vmem>> -> memref<1x64xf32, #tpu.memory_space<vmem>>
      %get3A_181 = tpu.memref_squeeze %get3A_180 : memref<1x64xf32, #tpu.memory_space<vmem>> -> memref<64xf32, #tpu.memory_space<vmem>>
      %get3A_182 = arith.constant 48 : index
      %get3A_183 = tpu.vector_load %get3A_181[%get3A_182] {strides = array<i32>} : memref<64xf32, #tpu.memory_space<vmem>>, vector<16xf32>,
      %get3A_184 = vector.shape_cast %get3A_183 : vector<16xf32> to vector<16xf32>
      %add3A_185 = arith.addf %get3A_178, %get3A_184 : vector<16xf32>
      %swap3A_186 = arith.constant 0 : i32
      %swap3A_187 = tpu.memref_slice %arg9[%add3A_112, %swap3A_186] : memref<512x64xf32, #tpu.memory_space<vmem>> -> memref<1x64xf32, #tpu.memory_space<vmem>>
      %swap3A_188 = tpu.memref_squeeze %swap3A_187 : memref<1x64xf32, #tpu.memory_space<vmem>> -> memref<64xf32, #tpu.memory_space<vmem>>
      %swap3A_189 = arith.constant 48 : index
      %swap3A_190 = tpu.vector_load %swap3A_188[%swap3A_189] {strides = array<i32>} : memref<64xf32, #tpu.memory_space<vmem>>, vector<16xf32>,
      %swap3A_191 = vector.shape_cast %swap3A_190 : vector<16xf32> to vector<16xf32>
      %swap3A_192 = vector.shape_cast %add3A_185 : vector<16xf32> to vector<16xf32>
      tpu.vector_store %swap3A_188[%swap3A_189], %swap3A_192 {strides = array<i32>} : memref<64xf32, #tpu.memory_space<vmem>>, vector<16xf32>,
      %slice3A_193 = vector.extract_strided_slice %get3A_23 {offsets = [2], sizes = [1], strides = [1]} : vector<16xi32> to vector<1xi32>
      %squeeze3A_194 = vector.extract %slice3A_193[0] : i32 from vector<1xi32>
      %mul3A_195 = arith.constant 16 : i32
      %mul3A_196 = arith.muli %scan3A_19, %mul3A_195 : i32
      %add3A_197 = arith.constant 2 : i32
      %add3A_198 = arith.addi %mul3A_196, %add3A_197 : i32
      %get3A_199 = arith.constant 0 : i32
      %get3A_200 = tpu.memref_slice %arg9[%add3A_198, %get3A_199] : memref<512x64xf32, #tpu.memory_space<vmem>> -> memref<1x64xf32, #tpu.memory_space<vmem>>
      %get3A_201 = tpu.memref_squeeze %get3A_200 : memref<1x64xf32, #tpu.memory_space<vmem>> -> memref<64xf32, #tpu.memory_space<vmem>>
      %get3A_202 = arith.constant 0 : index
      %get3A_203 = tpu.vector_load %get3A_201[%get3A_202] {strides = array<i32>} : memref<64xf32, #tpu.memory_space<vmem>>, vector<16xf32>,
      %get3A_204 = vector.shape_cast %get3A_203 : vector<16xf32> to vector<16xf32>
      %get3A_205 = arith.constant 0 : i32
      %get3A_206 = tpu.memref_slice %arg10[%squeeze3A_194, %get3A_205] : memref<50x64xf32, #tpu.memory_space<vmem>> -> memref<1x64xf32, #tpu.memory_space<vmem>>
      %get3A_207 = tpu.memref_squeeze %get3A_206 : memref<1x64xf32, #tpu.memory_space<vmem>> -> memref<64xf32, #tpu.memory_space<vmem>>
      %get3A_208 = arith.constant 0 : index
      %get3A_209 = tpu.vector_load %get3A_207[%get3A_208] {strides = array<i32>} : memref<64xf32, #tpu.memory_space<vmem>>, vector<16xf32>,
      %get3A_210 = vector.shape_cast %get3A_209 : vector<16xf32> to vector<16xf32>
      %add3A_211 = arith.addf %get3A_204, %get3A_210 : vector<16xf32>
      %swap3A_212 = arith.constant 0 : i32
      %swap3A_213 = tpu.memref_slice %arg9[%add3A_198, %swap3A_212] : memref<512x64xf32, #tpu.memory_space<vmem>> -> memref<1x64xf32, #tpu.memory_space<vmem>>
      %swap3A_214 = tpu.memref_squeeze %swap3A_213 : memref<1x64xf32, #tpu.memory_space<vmem>> -> memref<64xf32, #tpu.memory_space<vmem>>
      %swap3A_215 = arith.constant 0 : index
      %swap3A_216 = tpu.vector_load %swap3A_214[%swap3A_215] {strides = array<i32>} : memref<64xf32, #tpu.memory_space<vmem>>, vector<16xf32>,
      %swap3A_217 = vector.shape_cast %swap3A_216 : vector<16xf32> to vector<16xf32>
      %swap3A_218 = vector.shape_cast %add3A_211 : vector<16xf32> to vector<16xf32>
      tpu.vector_store %swap3A_214[%swap3A_215], %swap3A_218 {strides = array<i32>} : memref<64xf32, #tpu.memory_space<vmem>>, vector<16xf32>,
      %get3A_219 = arith.constant 0 : i32
      %get3A_220 = tpu.memref_slice %arg9[%add3A_198, %get3A_219] : memref<512x64xf32, #tpu.memory_space<vmem>> -> memref<1x64xf32, #tpu.memory_space<vmem>>
      %get3A_221 = tpu.memref_squeeze %get3A_220 : memref<1x64xf32, #tpu.memory_space<vmem>> -> memref<64xf32, #tpu.memory_space<vmem>>
      %get3A_222 = arith.constant 16 : index
      %get3A_223 = tpu.vector_load %get3A_221[%get3A_222] {strides = array<i32>} : memref<64xf32, #tpu.memory_space<vmem>>, vector<16xf32>,
      %get3A_224 = vector.shape_cast %get3A_223 : vector<16xf32> to vector<16xf32>
      %get3A_225 = arith.constant 0 : i32
      %get3A_226 = tpu.memref_slice %arg10[%squeeze3A_194, %get3A_225] : memref<50x64xf32, #tpu.memory_space<vmem>> -> memref<1x64xf32, #tpu.memory_space<vmem>>
      %get3A_227 = tpu.memref_squeeze %get3A_226 : memref<1x64xf32, #tpu.memory_space<vmem>> -> memref<64xf32, #tpu.memory_space<vmem>>
      %get3A_228 = arith.constant 16 : index
      %get3A_229 = tpu.vector_load %get3A_227[%get3A_228] {strides = array<i32>} : memref<64xf32, #tpu.memory_space<vmem>>, vector<16xf32>,
      %get3A_230 = vector.shape_cast %get3A_229 : vector<16xf32> to vector<16xf32>
      %add3A_231 = arith.addf %get3A_224, %get3A_230 : vector<16xf32>
      %swap3A_232 = arith.constant 0 : i32
      %swap3A_233 = tpu.memref_slice %arg9[%add3A_198, %swap3A_232] : memref<512x64xf32, #tpu.memory_space<vmem>> -> memref<1x64xf32, #tpu.memory_space<vmem>>
      %swap3A_234 = tpu.memref_squeeze %swap3A_233 : memref<1x64xf32, #tpu.memory_space<vmem>> -> memref<64xf32, #tpu.memory_space<vmem>>
      %swap3A_235 = arith.constant 16 : index
      %swap3A_236 = tpu.vector_load %swap3A_234[%swap3A_235] {strides = array<i32>} : memref<64xf32, #tpu.memory_space<vmem>>, vector<16xf32>,
      %swap3A_237 = vector.shape_cast %swap3A_236 : vector<16xf32> to vector<16xf32>
      %swap3A_238 = vector.shape_cast %add3A_231 : vector<16xf32> to vector<16xf32>
      tpu.vector_store %swap3A_234[%swap3A_235], %swap3A_238 {strides = array<i32>} : memref<64xf32, #tpu.memory_space<vmem>>, vector<16xf32>,
      %get3A_239 = arith.constant 0 : i32
      %get3A_240 = tpu.memref_slice %arg9[%add3A_198, %get3A_239] : memref<512x64xf32, #tpu.memory_space<vmem>> -> memref<1x64xf32, #tpu.memory_space<vmem>>
      %get3A_241 = tpu.memref_squeeze %get3A_240 : memref<1x64xf32, #tpu.memory_space<vmem>> -> memref<64xf32, #tpu.memory_space<vmem>>
      %get3A_242 = arith.constant 32 : index
      %get3A_243 = tpu.vector_load %get3A_241[%get3A_242] {strides = array<i32>} : memref<64xf32, #tpu.memory_space<vmem>>, vector<16xf32>,
      %get3A_244 = vector.shape_cast %get3A_243 : vector<16xf32> to vector<16xf32>
      %get3A_245 = arith.constant 0 : i32
      %get3A_246 = tpu.memref_slice %arg10[%squeeze3A_194, %get3A_245] : memref<50x64xf32, #tpu.memory_space<vmem>> -> memref<1x64xf32, #tpu.memory_space<vmem>>
      %get3A_247 = tpu.memref_squeeze %get3A_246 : memref<1x64xf32, #tpu.memory_space<vmem>> -> memref<64xf32, #tpu.memory_space<vmem>>
      %get3A_248 = arith.constant 32 : index
      %get3A_249 = tpu.vector_load %get3A_247[%get3A_248] {strides = array<i32>} : memref<64xf32, #tpu.memory_space<vmem>>, vector<16xf32>,
      %get3A_250 = vector.shape_cast %get3A_249 : vector<16xf32> to vector<16xf32>
      %add3A_251 = arith.addf %get3A_244, %get3A_250 : vector<16xf32>
      %swap3A_252 = arith.constant 0 : i32
      %swap3A_253 = tpu.memref_slice %arg9[%add3A_198, %swap3A_252] : memref<512x64xf32, #tpu.memory_space<vmem>> -> memref<1x64xf32, #tpu.memory_space<vmem>>
      %swap3A_254 = tpu.memref_squeeze %swap3A_253 : memref<1x64xf32, #tpu.memory_space<vmem>> -> memref<64xf32, #tpu.memory_space<vmem>>
      %swap3A_255 = arith.constant 32 : index
      %swap3A_256 = tpu.vector_load %swap3A_254[%swap3A_255] {strides = array<i32>} : memref<64xf32, #tpu.memory_space<vmem>>, vector<16xf32>,
      %swap3A_257 = vector.shape_cast %swap3A_256 : vector<16xf32> to vector<16xf32>
      %swap3A_258 = vector.shape_cast %add3A_251 : vector<16xf32> to vector<16xf32>
      tpu.vector_store %swap3A_254[%swap3A_255], %swap3A_258 {strides = array<i32>} : memref<64xf32, #tpu.memory_space<vmem>>, vector<16xf32>,
      %get3A_259 = arith.constant 0 : i32
      %get3A_260 = tpu.memref_slice %arg9[%add3A_198, %get3A_259] : memref<512x64xf32, #tpu.memory_space<vmem>> -> memref<1x64xf32, #tpu.memory_space<vmem>>
      %get3A_261 = tpu.memref_squeeze %get3A_260 : memref<1x64xf32, #tpu.memory_space<vmem>> -> memref<64xf32, #tpu.memory_space<vmem>>
      %get3A_262 = arith.constant 48 : index
      %get3A_263 = tpu.vector_load %get3A_261[%get3A_262] {strides = array<i32>} : memref<64xf32, #tpu.memory_space<vmem>>, vector<16xf32>,
      %get3A_264 = vector.shape_cast %get3A_263 : vector<16xf32> to vector<16xf32>
      %get3A_265 = arith.constant 0 : i32
      %get3A_266 = tpu.memref_slice %arg10[%squeeze3A_194, %get3A_265] : memref<50x64xf32, #tpu.memory_space<vmem>> -> memref<1x64xf32, #tpu.memory_space<vmem>>
      %get3A_267 = tpu.memref_squeeze %get3A_266 : memref<1x64xf32, #tpu.memory_space<vmem>> -> memref<64xf32, #tpu.memory_space<vmem>>
      %get3A_268 = arith.constant 48 : index
      %get3A_269 = tpu.vector_load %get3A_267[%get3A_268] {strides = array<i32>} : memref<64xf32, #tpu.memory_space<vmem>>, vector<16xf32>,
      %get3A_270 = vector.shape_cast %get3A_269 : vector<16xf32> to vector<16xf32>
      %add3A_271 = arith.addf %get3A_264, %get3A_270 : vector<16xf32>
      %swap3A_272 = arith.constant 0 : i32
      %swap3A_273 = tpu.memref_slice %arg9[%add3A_198, %swap3A_272] : memref<512x64xf32, #tpu.memory_space<vmem>> -> memref<1x64xf32, #tpu.memory_space<vmem>>
      %swap3A_274 = tpu.memref_squeeze %swap3A_273 : memref<1x64xf32, #tpu.memory_space<vmem>> -> memref<64xf32, #tpu.memory_space<vmem>>
      %swap3A_275 = arith.constant 48 : index
      %swap3A_276 = tpu.vector_load %swap3A_274[%swap3A_275] {strides = array<i32>} : memref<64xf32, #tpu.memory_space<vmem>>, vector<16xf32>,
      %swap3A_277 = vector.shape_cast %swap3A_276 : vector<16xf32> to vector<16xf32>
      %swap3A_278 = vector.shape_cast %add3A_271 : vector<16xf32> to vector<16xf32>
      tpu.vector_store %swap3A_274[%swap3A_275], %swap3A_278 {strides = array<i32>} : memref<64xf32, #tpu.memory_space<vmem>>, vector<16xf32>,
      %slice3A_279 = vector.extract_strided_slice %get3A_23 {offsets = [3], sizes = [1], strides = [1]} : vector<16xi32> to vector<1xi32>
      %squeeze3A_280 = vector.extract %slice3A_279[0] : i32 from vector<1xi32>
      %mul3A_281 = arith.constant 16 : i32
      %mul3A_282 = arith.muli %scan3A_19, %mul3A_281 : i32
      %add3A_283 = arith.constant 3 : i32
      %add3A_284 = arith.addi %mul3A_282, %add3A_283 : i32
      %get3A_285 = arith.constant 0 : i32
      %get3A_286 = tpu.memref_slice %arg9[%add3A_284, %get3A_285] : memref<512x64xf32, #tpu.memory_space<vmem>> -> memref<1x64xf32, #tpu.memory_space<vmem>>
      %get3A_287 = tpu.memref_squeeze %get3A_286 : memref<1x64xf32, #tpu.memory_space<vmem>> -> memref<64xf32, #tpu.memory_space<vmem>>
      %get3A_288 = arith.constant 0 : index
      %get3A_289 = tpu.vector_load %get3A_287[%get3A_288] {strides = array<i32>} : memref<64xf32, #tpu.memory_space<vmem>>, vector<16xf32>,
      %get3A_290 = vector.shape_cast %get3A_289 : vector<16xf32> to vector<16xf32>
      %get3A_291 = arith.constant 0 : i32
      %get3A_292 = tpu.memref_slice %arg10[%squeeze3A_280, %get3A_291] : memref<50x64xf32, #tpu.memory_space<vmem>> -> memref<1x64xf32, #tpu.memory_space<vmem>>
      %get3A_293 = tpu.memref_squeeze %get3A_292 : memref<1x64xf32, #tpu.memory_space<vmem>> -> memref<64xf32, #tpu.memory_space<vmem>>
      %get3A_294 = arith.constant 0 : index
      %get3A_295 = tpu.vector_load %get3A_293[%get3A_294] {strides = array<i32>} : memref<64xf32, #tpu.memory_space<vmem>>, vector<16xf32>,
      %get3A_296 = vector.shape_cast %get3A_295 : vector<16xf32> to vector<16xf32>
      %add3A_297 = arith.addf %get3A_290, %get3A_296 : vector<16xf32>
      %swap3A_298 = arith.constant 0 : i32
      %swap3A_299 = tpu.memref_slice %arg9[%add3A_284, %swap3A_298] : memref<512x64xf32, #tpu.memory_space<vmem>> -> memref<1x64xf32, #tpu.memory_space<vmem>>
      %swap3A_300 = tpu.memref_squeeze %swap3A_299 : memref<1x64xf32, #tpu.memory_space<vmem>> -> memref<64xf32, #tpu.memory_space<vmem>>
      %swap3A_301 = arith.constant 0 : index
      %swap3A_302 = tpu.vector_load %swap3A_300[%swap3A_301] {strides = array<i32>} : memref<64xf32, #tpu.memory_space<vmem>>, vector<16xf32>,
      %swap3A_303 = vector.shape_cast %swap3A_302 : vector<16xf32> to vector<16xf32>
      %swap3A_304 = vector.shape_cast %add3A_297 : vector<16xf32> to vector<16xf32>
      tpu.vector_store %swap3A_300[%swap3A_301], %swap3A_304 {strides = array<i32>} : memref<64xf32, #tpu.memory_space<vmem>>, vector<16xf32>,
      %get3A_305 = arith.constant 0 : i32
      %get3A_306 = tpu.memref_slice %arg9[%add3A_284, %get3A_305] : memref<512x64xf32, #tpu.memory_space<vmem>> -> memref<1x64xf32, #tpu.memory_space<vmem>>
      %get3A_307 = tpu.memref_squeeze %get3A_306 : memref<1x64xf32, #tpu.memory_space<vmem>> -> memref<64xf32, #tpu.memory_space<vmem>>
      %get3A_308 = arith.constant 16 : index
      %get3A_309 = tpu.vector_load %get3A_307[%get3A_308] {strides = array<i32>} : memref<64xf32, #tpu.memory_space<vmem>>, vector<16xf32>,
      %get3A_310 = vector.shape_cast %get3A_309 : vector<16xf32> to vector<16xf32>
      %get3A_311 = arith.constant 0 : i32
      %get3A_312 = tpu.memref_slice %arg10[%squeeze3A_280, %get3A_311] : memref<50x64xf32, #tpu.memory_space<vmem>> -> memref<1x64xf32, #tpu.memory_space<vmem>>
      %get3A_313 = tpu.memref_squeeze %get3A_312 : memref<1x64xf32, #tpu.memory_space<vmem>> -> memref<64xf32, #tpu.memory_space<vmem>>
      %get3A_314 = arith.constant 16 : index
      %get3A_315 = tpu.vector_load %get3A_313[%get3A_314] {strides = array<i32>} : memref<64xf32, #tpu.memory_space<vmem>>, vector<16xf32>,
      %get3A_316 = vector.shape_cast %get3A_315 : vector<16xf32> to vector<16xf32>
      %add3A_317 = arith.addf %get3A_310, %get3A_316 : vector<16xf32>
      %swap3A_318 = arith.constant 0 : i32
      %swap3A_319 = tpu.memref_slice %arg9[%add3A_284, %swap3A_318] : memref<512x64xf32, #tpu.memory_space<vmem>> -> memref<1x64xf32, #tpu.memory_space<vmem>>
      %swap3A_320 = tpu.memref_squeeze %swap3A_319 : memref<1x64xf32, #tpu.memory_space<vmem>> -> memref<64xf32, #tpu.memory_space<vmem>>
      %swap3A_321 = arith.constant 16 : index
      %swap3A_322 = tpu.vector_load %swap3A_320[%swap3A_321] {strides = array<i32>} : memref<64xf32, #tpu.memory_space<vmem>>, vector<16xf32>,
      %swap3A_323 = vector.shape_cast %swap3A_322 : vector<16xf32> to vector<16xf32>
      %swap3A_324 = vector.shape_cast %add3A_317 : vector<16xf32> to vector<16xf32>
      tpu.vector_store %swap3A_320[%swap3A_321], %swap3A_324 {strides = array<i32>} : memref<64xf32, #tpu.memory_space<vmem>>, vector<16xf32>,
      %get3A_325 = arith.constant 0 : i32
      %get3A_326 = tpu.memref_slice %arg9[%add3A_284, %get3A_325] : memref<512x64xf32, #tpu.memory_space<vmem>> -> memref<1x64xf32, #tpu.memory_space<vmem>>
      %get3A_327 = tpu.memref_squeeze %get3A_326 : memref<1x64xf32, #tpu.memory_space<vmem>> -> memref<64xf32, #tpu.memory_space<vmem>>
      %get3A_328 = arith.constant 32 : index
      %get3A_329 = tpu.vector_load %get3A_327[%get3A_328] {strides = array<i32>} : memref<64xf32, #tpu.memory_space<vmem>>, vector<16xf32>,
      %get3A_330 = vector.shape_cast %get3A_329 : vector<16xf32> to vector<16xf32>
      %get3A_331 = arith.constant 0 : i32
      %get3A_332 = tpu.memref_slice %arg10[%squeeze3A_280, %get3A_331] : memref<50x64xf32, #tpu.memory_space<vmem>> -> memref<1x64xf32, #tpu.memory_space<vmem>>
      %get3A_333 = tpu.memref_squeeze %get3A_332 : memref<1x64xf32, #tpu.memory_space<vmem>> -> memref<64xf32, #tpu.memory_space<vmem>>
      %get3A_334 = arith.constant 32 : index
      %get3A_335 = tpu.vector_load %get3A_333[%get3A_334] {strides = array<i32>} : memref<64xf32, #tpu.memory_space<vmem>>, vector<16xf32>,
      %get3A_336 = vector.shape_cast %get3A_335 : vector<16xf32> to vector<16xf32>
      %add3A_337 = arith.addf %get3A_330, %get3A_336 : vector<16xf32>
      %swap3A_338 = arith.constant 0 : i32
      %swap3A_339 = tpu.memref_slice %arg9[%add3A_284, %swap3A_338] : memref<512x64xf32, #tpu.memory_space<vmem>> -> memref<1x64xf32, #tpu.memory_space<vmem>>
      %swap3A_340 = tpu.memref_squeeze %swap3A_339 : memref<1x64xf32, #tpu.memory_space<vmem>> -> memref<64xf32, #tpu.memory_space<vmem>>
      %swap3A_341 = arith.constant 32 : index
      %swap3A_342 = tpu.vector_load %swap3A_340[%swap3A_341] {strides = array<i32>} : memref<64xf32, #tpu.memory_space<vmem>>, vector<16xf32>,
      %swap3A_343 = vector.shape_cast %swap3A_342 : vector<16xf32> to vector<16xf32>
      %swap3A_344 = vector.shape_cast %add3A_337 : vector<16xf32> to vector<16xf32>
      tpu.vector_store %swap3A_340[%swap3A_341], %swap3A_344 {strides = array<i32>} : memref<64xf32, #tpu.memory_space<vmem>>, vector<16xf32>,
      %get3A_345 = arith.constant 0 : i32
      %get3A_346 = tpu.memref_slice %arg9[%add3A_284, %get3A_345] : memref<512x64xf32, #tpu.memory_space<vmem>> -> memref<1x64xf32, #tpu.memory_space<vmem>>
      %get3A_347 = tpu.memref_squeeze %get3A_346 : memref<1x64xf32, #tpu.memory_space<vmem>> -> memref<64xf32, #tpu.memory_space<vmem>>
      %get3A_348 = arith.constant 48 : index
      %get3A_349 = tpu.vector_load %get3A_347[%get3A_348] {strides = array<i32>} : memref<64xf32, #tpu.memory_space<vmem>>, vector<16xf32>,
      %get3A_350 = vector.shape_cast %get3A_349 : vector<16xf32> to vector<16xf32>
      %get3A_351 = arith.constant 0 : i32
      %get3A_352 = tpu.memref_slice %arg10[%squeeze3A_280, %get3A_351] : memref<50x64xf32, #tpu.memory_space<vmem>> -> memref<1x64xf32, #tpu.memory_space<vmem>>
      %get3A_353 = tpu.memref_squeeze %get3A_352 : memref<1x64xf32, #tpu.memory_space<vmem>> -> memref<64xf32, #tpu.memory_space<vmem>>
      %get3A_354 = arith.constant 48 : index
      %get3A_355 = tpu.vector_load %get3A_353[%get3A_354] {strides = array<i32>} : memref<64xf32, #tpu.memory_space<vmem>>, vector<16xf32>,
      %get3A_356 = vector.shape_cast %get3A_355 : vector<16xf32> to vector<16xf32>
      %add3A_357 = arith.addf %get3A_350, %get3A_356 : vector<16xf32>
      %swap3A_358 = arith.constant 0 : i32
      %swap3A_359 = tpu.memref_slice %arg9[%add3A_284, %swap3A_358] : memref<512x64xf32, #tpu.memory_space<vmem>> -> memref<1x64xf32, #tpu.memory_space<vmem>>
      %swap3A_360 = tpu.memref_squeeze %swap3A_359 : memref<1x64xf32, #tpu.memory_space<vmem>> -> memref<64xf32, #tpu.memory_space<vmem>>
      %swap3A_361 = arith.constant 48 : index
      %swap3A_362 = tpu.vector_load %swap3A_360[%swap3A_361] {strides = array<i32>} : memref<64xf32, #tpu.memory_space<vmem>>, vector<16xf32>,
      %swap3A_363 = vector.shape_cast %swap3A_362 : vector<16xf32> to vector<16xf32>
      %swap3A_364 = vector.shape_cast %add3A_357 : vector<16xf32> to vector<16xf32>
      tpu.vector_store %swap3A_360[%swap3A_361], %swap3A_364 {strides = array<i32>} : memref<64xf32, #tpu.memory_space<vmem>>, vector<16xf32>,
      %slice3A_365 = vector.extract_strided_slice %get3A_23 {offsets = [4], sizes = [1], strides = [1]} : vector<16xi32> to vector<1xi32>
      %squeeze3A_366 = vector.extract %slice3A_365[0] : i32 from vector<1xi32>
      %mul3A_367 = arith.constant 16 : i32
      %mul3A_368 = arith.muli %scan3A_19, %mul3A_367 : i32
      %add3A_369 = arith.constant 4 : i32
      %add3A_370 = arith.addi %mul3A_368, %add3A_369 : i32
      %get3A_371 = arith.constant 0 : i32
      %get3A_372 = tpu.memref_slice %arg9[%add3A_370, %get3A_371] : memref<512x64xf32, #tpu.memory_space<vmem>> -> memref<1x64xf32, #tpu.memory_space<vmem>>
      %get3A_373 = tpu.memref_squeeze %get3A_372 : memref<1x64xf32, #tpu.memory_space<vmem>> -> memref<64xf32, #tpu.memory_space<vmem>>
      %get3A_374 = arith.constant 0 : index
      %get3A_375 = tpu.vector_load %get3A_373[%get3A_374] {strides = array<i32>} : memref<64xf32, #tpu.memory_space<vmem>>, vector<16xf32>,
      %get3A_376 = vector.shape_cast %get3A_375 : vector<16xf32> to vector<16xf32>
      %get3A_377 = arith.constant 0 : i32
      %get3A_378 = tpu.memref_slice %arg10[%squeeze3A_366, %get3A_377] : memref<50x64xf32, #tpu.memory_space<vmem>> -> memref<1x64xf32, #tpu.memory_space<vmem>>
      %get3A_379 = tpu.memref_squeeze %get3A_378 : memref<1x64xf32, #tpu.memory_space<vmem>> -> memref<64xf32, #tpu.memory_space<vmem>>
      %get3A_380 = arith.constant 0 : index
      %get3A_381 = tpu.vector_load %get3A_379[%get3A_380] {strides = array<i32>} : memref<64xf32, #tpu.memory_space<vmem>>, vector<16xf32>,
      %get3A_382 = vector.shape_cast %get3A_381 : vector<16xf32> to vector<16xf32>
      %add3A_383 = arith.addf %get3A_376, %get3A_382 : vector<16xf32>
      %swap3A_384 = arith.constant 0 : i32
      %swap3A_385 = tpu.memref_slice %arg9[%add3A_370, %swap3A_384] : memref<512x64xf32, #tpu.memory_space<vmem>> -> memref<1x64xf32, #tpu.memory_space<vmem>>
      %swap3A_386 = tpu.memref_squeeze %swap3A_385 : memref<1x64xf32, #tpu.memory_space<vmem>> -> memref<64xf32, #tpu.memory_space<vmem>>
      %swap3A_387 = arith.constant 0 : index
      %swap3A_388 = tpu.vector_load %swap3A_386[%swap3A_387] {strides = array<i32>} : memref<64xf32, #tpu.memory_space<vmem>>, vector<16xf32>,
      %swap3A_389 = vector.shape_cast %swap3A_388 : vector<16xf32> to vector<16xf32>
      %swap3A_390 = vector.shape_cast %add3A_383 : vector<16xf32> to vector<16xf32>
      tpu.vector_store %swap3A_386[%swap3A_387], %swap3A_390 {strides = array<i32>} : memref<64xf32, #tpu.memory_space<vmem>>, vector<16xf32>,
      %get3A_391 = arith.constant 0 : i32
      %get3A_392 = tpu.memref_slice %arg9[%add3A_370, %get3A_391] : memref<512x64xf32, #tpu.memory_space<vmem>> -> memref<1x64xf32, #tpu.memory_space<vmem>>
      %get3A_393 = tpu.memref_squeeze %get3A_392 : memref<1x64xf32, #tpu.memory_space<vmem>> -> memref<64xf32, #tpu.memory_space<vmem>>
      %get3A_394 = arith.constant 16 : index
      %get3A_395 = tpu.vector_load %get3A_393[%get3A_394] {strides = array<i32>} : memref<64xf32, #tpu.memory_space<vmem>>, vector<16xf32>,
      %get3A_396 = vector.shape_cast %get3A_395 : vector<16xf32> to vector<16xf32>
      %get3A_397 = arith.constant 0 : i32
      %get3A_398 = tpu.memref_slice %arg10[%squeeze3A_366, %get3A_397] : memref<50x64xf32, #tpu.memory_space<vmem>> -> memref<1x64xf32, #tpu.memory_space<vmem>>
      %get3A_399 = tpu.memref_squeeze %get3A_398 : memref<1x64xf32, #tpu.memory_space<vmem>> -> memref<64xf32, #tpu.memory_space<vmem>>
      %get3A_400 = arith.constant 16 : index
      %get3A_401 = tpu.vector_load %get3A_399[%get3A_400] {strides = array<i32>} : memref<64xf32, #tpu.memory_space<vmem>>, vector<16xf32>,
      %get3A_402 = vector.shape_cast %get3A_401 : vector<16xf32> to vector<16xf32>
      %add3A_403 = arith.addf %get3A_396, %get3A_402 : vector<16xf32>
      %swap3A_404 = arith.constant 0 : i32
      %swap3A_405 = tpu.memref_slice %arg9[%add3A_370, %swap3A_404] : memref<512x64xf32, #tpu.memory_space<vmem>> -> memref<1x64xf32, #tpu.memory_space<vmem>>
      %swap3A_406 = tpu.memref_squeeze %swap3A_405 : memref<1x64xf32, #tpu.memory_space<vmem>> -> memref<64xf32, #tpu.memory_space<vmem>>
      %swap3A_407 = arith.constant 16 : index
      %swap3A_408 = tpu.vector_load %swap3A_406[%swap3A_407] {strides = array<i32>} : memref<64xf32, #tpu.memory_space<vmem>>, vector<16xf32>,
      %swap3A_409 = vector.shape_cast %swap3A_408 : vector<16xf32> to vector<16xf32>
      %swap3A_410 = vector.shape_cast %add3A_403 : vector<16xf32> to vector<16xf32>
      tpu.vector_store %swap3A_406[%swap3A_407], %swap3A_410 {strides = array<i32>} : memref<64xf32, #tpu.memory_space<vmem>>, vector<16xf32>,
      %get3A_411 = arith.constant 0 : i32
      %get3A_412 = tpu.memref_slice %arg9[%add3A_370, %get3A_411] : memref<512x64xf32, #tpu.memory_space<vmem>> -> memref<1x64xf32, #tpu.memory_space<vmem>>
      %get3A_413 = tpu.memref_squeeze %get3A_412 : memref<1x64xf32, #tpu.memory_space<vmem>> -> memref<64xf32, #tpu.memory_space<vmem>>
      %get3A_414 = arith.constant 32 : index
      %get3A_415 = tpu.vector_load %get3A_413[%get3A_414] {strides = array<i32>} : memref<64xf32, #tpu.memory_space<vmem>>, vector<16xf32>,
      %get3A_416 = vector.shape_cast %get3A_415 : vector<16xf32> to vector<16xf32>
      %get3A_417 = arith.constant 0 : i32
      %get3A_418 = tpu.memref_slice %arg10[%squeeze3A_366, %get3A_417] : memref<50x64xf32, #tpu.memory_space<vmem>> -> memref<1x64xf32, #tpu.memory_space<vmem>>
      %get3A_419 = tpu.memref_squeeze %get3A_418 : memref<1x64xf32, #tpu.memory_space<vmem>> -> memref<64xf32, #tpu.memory_space<vmem>>
      %get3A_420 = arith.constant 32 : index
      %get3A_421 = tpu.vector_load %get3A_419[%get3A_420] {strides = array<i32>} : memref<64xf32, #tpu.memory_space<vmem>>, vector<16xf32>,
      %get3A_422 = vector.shape_cast %get3A_421 : vector<16xf32> to vector<16xf32>
      %add3A_423 = arith.addf %get3A_416, %get3A_422 : vector<16xf32>
      %swap3A_424 = arith.constant 0 : i32
      %swap3A_425 = tpu.memref_slice %arg9[%add3A_370, %swap3A_424] : memref<512x64xf32, #tpu.memory_space<vmem>> -> memref<1x64xf32, #tpu.memory_space<vmem>>
      %swap3A_426 = tpu.memref_squeeze %swap3A_425 : memref<1x64xf32, #tpu.memory_space<vmem>> -> memref<64xf32, #tpu.memory_space<vmem>>
      %swap3A_427 = arith.constant 32 : index
      %swap3A_428 = tpu.vector_load %swap3A_426[%swap3A_427] {strides = array<i32>} : memref<64xf32, #tpu.memory_space<vmem>>, vector<16xf32>,
      %swap3A_429 = vector.shape_cast %swap3A_428 : vector<16xf32> to vector<16xf32>
      %swap3A_430 = vector.shape_cast %add3A_423 : vector<16xf32> to vector<16xf32>
      tpu.vector_store %swap3A_426[%swap3A_427], %swap3A_430 {strides = array<i32>} : memref<64xf32, #tpu.memory_space<vmem>>, vector<16xf32>,
      %get3A_431 = arith.constant 0 : i32
      %get3A_432 = tpu.memref_slice %arg9[%add3A_370, %get3A_431] : memref<512x64xf32, #tpu.memory_space<vmem>> -> memref<1x64xf32, #tpu.memory_space<vmem>>
      %get3A_433 = tpu.memref_squeeze %get3A_432 : memref<1x64xf32, #tpu.memory_space<vmem>> -> memref<64xf32, #tpu.memory_space<vmem>>
      %get3A_434 = arith.constant 48 : index
      %get3A_435 = tpu.vector_load %get3A_433[%get3A_434] {strides = array<i32>} : memref<64xf32, #tpu.memory_space<vmem>>, vector<16xf32>,
      %get3A_436 = vector.shape_cast %get3A_435 : vector<16xf32> to vector<16xf32>
      %get3A_437 = arith.constant 0 : i32
      %get3A_438 = tpu.memref_slice %arg10[%squeeze3A_366, %get3A_437] : memref<50x64xf32, #tpu.memory_space<vmem>> -> memref<1x64xf32, #tpu.memory_space<vmem>>
      %get3A_439 = tpu.memref_squeeze %get3A_438 : memref<1x64xf32, #tpu.memory_space<vmem>> -> memref<64xf32, #tpu.memory_space<vmem>>
      %get3A_440 = arith.constant 48 : index
      %get3A_441 = tpu.vector_load %get3A_439[%get3A_440] {strides = array<i32>} : memref<64xf32, #tpu.memory_space<vmem>>, vector<16xf32>,
      %get3A_442 = vector.shape_cast %get3A_441 : vector<16xf32> to vector<16xf32>
      %add3A_443 = arith.addf %get3A_436, %get3A_442 : vector<16xf32>
      %swap3A_444 = arith.constant 0 : i32
      %swap3A_445 = tpu.memref_slice %arg9[%add3A_370, %swap3A_444] : memref<512x64xf32, #tpu.memory_space<vmem>> -> memref<1x64xf32, #tpu.memory_space<vmem>>
      %swap3A_446 = tpu.memref_squeeze %swap3A_445 : memref<1x64xf32, #tpu.memory_space<vmem>> -> memref<64xf32, #tpu.memory_space<vmem>>
      %swap3A_447 = arith.constant 48 : index
      %swap3A_448 = tpu.vector_load %swap3A_446[%swap3A_447] {strides = array<i32>} : memref<64xf32, #tpu.memory_space<vmem>>, vector<16xf32>,
      %swap3A_449 = vector.shape_cast %swap3A_448 : vector<16xf32> to vector<16xf32>
      %swap3A_450 = vector.shape_cast %add3A_443 : vector<16xf32> to vector<16xf32>
      tpu.vector_store %swap3A_446[%swap3A_447], %swap3A_450 {strides = array<i32>} : memref<64xf32, #tpu.memory_space<vmem>>, vector<16xf32>,
      %slice3A_451 = vector.extract_strided_slice %get3A_23 {offsets = [5], sizes = [1], strides = [1]} : vector<16xi32> to vector<1xi32>
      %squeeze3A_452 = vector.extract %slice3A_451[0] : i32 from vector<1xi32>
      %mul3A_453 = arith.constant 16 : i32
      %mul3A_454 = arith.muli %scan3A_19, %mul3A_453 : i32
      %add3A_455 = arith.constant 5 : i32
      %add3A_456 = arith.addi %mul3A_454, %add3A_455 : i32
      %get3A_457 = arith.constant 0 : i32
      %get3A_458 = tpu.memref_slice %arg9[%add3A_456, %get3A_457] : memref<512x64xf32, #tpu.memory_space<vmem>> -> memref<1x64xf32, #tpu.memory_space<vmem>>
      %get3A_459 = tpu.memref_squeeze %get3A_458 : memref<1x64xf32, #tpu.memory_space<vmem>> -> memref<64xf32, #tpu.memory_space<vmem>>
      %get3A_460 = arith.constant 0 : index
      %get3A_461 = tpu.vector_load %get3A_459[%get3A_460] {strides = array<i32>} : memref<64xf32, #tpu.memory_space<vmem>>, vector<16xf32>,
      %get3A_462 = vector.shape_cast %get3A_461 : vector<16xf32> to vector<16xf32>
      %get3A_463 = arith.constant 0 : i32
      %get3A_464 = tpu.memref_slice %arg10[%squeeze3A_452, %get3A_463] : memref<50x64xf32, #tpu.memory_space<vmem>> -> memref<1x64xf32, #tpu.memory_space<vmem>>
      %get3A_465 = tpu.memref_squeeze %get3A_464 : memref<1x64xf32, #tpu.memory_space<vmem>> -> memref<64xf32, #tpu.memory_space<vmem>>
      %get3A_466 = arith.constant 0 : index
      %get3A_467 = tpu.vector_load %get3A_465[%get3A_466] {strides = array<i32>} : memref<64xf32, #tpu.memory_space<vmem>>, vector<16xf32>,
      %get3A_468 = vector.shape_cast %get3A_467 : vector<16xf32> to vector<16xf32>
      %add3A_469 = arith.addf %get3A_462, %get3A_468 : vector<16xf32>
      %swap3A_470 = arith.constant 0 : i32
      %swap3A_471 = tpu.memref_slice %arg9[%add3A_456, %swap3A_470] : memref<512x64xf32, #tpu.memory_space<vmem>> -> memref<1x64xf32, #tpu.memory_space<vmem>>
      %swap3A_472 = tpu.memref_squeeze %swap3A_471 : memref<1x64xf32, #tpu.memory_space<vmem>> -> memref<64xf32, #tpu.memory_space<vmem>>
      %swap3A_473 = arith.constant 0 : index
      %swap3A_474 = tpu.vector_load %swap3A_472[%swap3A_473] {strides = array<i32>} : memref<64xf32, #tpu.memory_space<vmem>>, vector<16xf32>,
      %swap3A_475 = vector.shape_cast %swap3A_474 : vector<16xf32> to vector<16xf32>
      %swap3A_476 = vector.shape_cast %add3A_469 : vector<16xf32> to vector<16xf32>
      tpu.vector_store %swap3A_472[%swap3A_473], %swap3A_476 {strides = array<i32>} : memref<64xf32, #tpu.memory_space<vmem>>, vector<16xf32>,
      %get3A_477 = arith.constant 0 : i32
      %get3A_478 = tpu.memref_slice %arg9[%add3A_456, %get3A_477] : memref<512x64xf32, #tpu.memory_space<vmem>> -> memref<1x64xf32, #tpu.memory_space<vmem>>
      %get3A_479 = tpu.memref_squeeze %get3A_478 : memref<1x64xf32, #tpu.memory_space<vmem>> -> memref<64xf32, #tpu.memory_space<vmem>>
      %get3A_480 = arith.constant 16 : index
      %get3A_481 = tpu.vector_load %get3A_479[%get3A_480] {strides = array<i32>} : memref<64xf32, #tpu.memory_space<vmem>>, vector<16xf32>,
      %get3A_482 = vector.shape_cast %get3A_481 : vector<16xf32> to vector<16xf32>
      %get3A_483 = arith.constant 0 : i32
      %get3A_484 = tpu.memref_slice %arg10[%squeeze3A_452, %get3A_483] : memref<50x64xf32, #tpu.memory_space<vmem>> -> memref<1x64xf32, #tpu.memory_space<vmem>>
      %get3A_485 = tpu.memref_squeeze %get3A_484 : memref<1x64xf32, #tpu.memory_space<vmem>> -> memref<64xf32, #tpu.memory_space<vmem>>
      %get3A_486 = arith.constant 16 : index
      %get3A_487 = tpu.vector_load %get3A_485[%get3A_486] {strides = array<i32>} : memref<64xf32, #tpu.memory_space<vmem>>, vector<16xf32>,
      %get3A_488 = vector.shape_cast %get3A_487 : vector<16xf32> to vector<16xf32>
      %add3A_489 = arith.addf %get3A_482, %get3A_488 : vector<16xf32>
      %swap3A_490 = arith.constant 0 : i32
      %swap3A_491 = tpu.memref_slice %arg9[%add3A_456, %swap3A_490] : memref<512x64xf32, #tpu.memory_space<vmem>> -> memref<1x64xf32, #tpu.memory_space<vmem>>
      %swap3A_492 = tpu.memref_squeeze %swap3A_491 : memref<1x64xf32, #tpu.memory_space<vmem>> -> memref<64xf32, #tpu.memory_space<vmem>>
      %swap3A_493 = arith.constant 16 : index
      %swap3A_494 = tpu.vector_load %swap3A_492[%swap3A_493] {strides = array<i32>} : memref<64xf32, #tpu.memory_space<vmem>>, vector<16xf32>,
      %swap3A_495 = vector.shape_cast %swap3A_494 : vector<16xf32> to vector<16xf32>
      %swap3A_496 = vector.shape_cast %add3A_489 : vector<16xf32> to vector<16xf32>
      tpu.vector_store %swap3A_492[%swap3A_493], %swap3A_496 {strides = array<i32>} : memref<64xf32, #tpu.memory_space<vmem>>, vector<16xf32>,
      %get3A_497 = arith.constant 0 : i32
      %get3A_498 = tpu.memref_slice %arg9[%add3A_456, %get3A_497] : memref<512x64xf32, #tpu.memory_space<vmem>> -> memref<1x64xf32, #tpu.memory_space<vmem>>
      %get3A_499 = tpu.memref_squeeze %get3A_498 : memref<1x64xf32, #tpu.memory_space<vmem>> -> memref<64xf32, #tpu.memory_space<vmem>>
      %get3A_500 = arith.constant 32 : index
      %get3A_501 = tpu.vector_load %get3A_499[%get3A_500] {strides = array<i32>} : memref<64xf32, #tpu.memory_space<vmem>>, vector<16xf32>,
      %get3A_502 = vector.shape_cast %get3A_501 : vector<16xf32> to vector<16xf32>
      %get3A_503 = arith.constant 0 : i32
      %get3A_504 = tpu.memref_slice %arg10[%squeeze3A_452, %get3A_503] : memref<50x64xf32, #tpu.memory_space<vmem>> -> memref<1x64xf32, #tpu.memory_space<vmem>>
      %get3A_505 = tpu.memref_squeeze %get3A_504 : memref<1x64xf32, #tpu.memory_space<vmem>> -> memref<64xf32, #tpu.memory_space<vmem>>
      %get3A_506 = arith.constant 32 : index
      %get3A_507 = tpu.vector_load %get3A_505[%get3A_506] {strides = array<i32>} : memref<64xf32, #tpu.memory_space<vmem>>, vector<16xf32>,
      %get3A_508 = vector.shape_cast %get3A_507 : vector<16xf32> to vector<16xf32>
      %add3A_509 = arith.addf %get3A_502, %get3A_508 : vector<16xf32>
      %swap3A_510 = arith.constant 0 : i32
      %swap3A_511 = tpu.memref_slice %arg9[%add3A_456, %swap3A_510] : memref<512x64xf32, #tpu.memory_space<vmem>> -> memref<1x64xf32, #tpu.memory_space<vmem>>
      %swap3A_512 = tpu.memref_squeeze %swap3A_511 : memref<1x64xf32, #tpu.memory_space<vmem>> -> memref<64xf32, #tpu.memory_space<vmem>>
      %swap3A_513 = arith.constant 32 : index
      %swap3A_514 = tpu.vector_load %swap3A_512[%swap3A_513] {strides = array<i32>} : memref<64xf32, #tpu.memory_space<vmem>>, vector<16xf32>,
      %swap3A_515 = vector.shape_cast %swap3A_514 : vector<16xf32> to vector<16xf32>
      %swap3A_516 = vector.shape_cast %add3A_509 : vector<16xf32> to vector<16xf32>
      tpu.vector_store %swap3A_512[%swap3A_513], %swap3A_516 {strides = array<i32>} : memref<64xf32, #tpu.memory_space<vmem>>, vector<16xf32>,
      %get3A_517 = arith.constant 0 : i32
      %get3A_518 = tpu.memref_slice %arg9[%add3A_456, %get3A_517] : memref<512x64xf32, #tpu.memory_space<vmem>> -> memref<1x64xf32, #tpu.memory_space<vmem>>
      %get3A_519 = tpu.memref_squeeze %get3A_518 : memref<1x64xf32, #tpu.memory_space<vmem>> -> memref<64xf32, #tpu.memory_space<vmem>>
      %get3A_520 = arith.constant 48 : index
      %get3A_521 = tpu.vector_load %get3A_519[%get3A_520] {strides = array<i32>} : memref<64xf32, #tpu.memory_space<vmem>>, vector<16xf32>,
      %get3A_522 = vector.shape_cast %get3A_521 : vector<16xf32> to vector<16xf32>
      %get3A_523 = arith.constant 0 : i32
      %get3A_524 = tpu.memref_slice %arg10[%squeeze3A_452, %get3A_523] : memref<50x64xf32, #tpu.memory_space<vmem>> -> memref<1x64xf32, #tpu.memory_space<vmem>>
      %get3A_525 = tpu.memref_squeeze %get3A_524 : memref<1x64xf32, #tpu.memory_space<vmem>> -> memref<64xf32, #tpu.memory_space<vmem>>
      %get3A_526 = arith.constant 48 : index
      %get3A_527 = tpu.vector_load %get3A_525[%get3A_526] {strides = array<i32>} : memref<64xf32, #tpu.memory_space<vmem>>, vector<16xf32>,
      %get3A_528 = vector.shape_cast %get3A_527 : vector<16xf32> to vector<16xf32>
      %add3A_529 = arith.addf %get3A_522, %get3A_528 : vector<16xf32>
      %swap3A_530 = arith.constant 0 : i32
      %swap3A_531 = tpu.memref_slice %arg9[%add3A_456, %swap3A_530] : memref<512x64xf32, #tpu.memory_space<vmem>> -> memref<1x64xf32, #tpu.memory_space<vmem>>
      %swap3A_532 = tpu.memref_squeeze %swap3A_531 : memref<1x64xf32, #tpu.memory_space<vmem>> -> memref<64xf32, #tpu.memory_space<vmem>>
      %swap3A_533 = arith.constant 48 : index
      %swap3A_534 = tpu.vector_load %swap3A_532[%swap3A_533] {strides = array<i32>} : memref<64xf32, #tpu.memory_space<vmem>>, vector<16xf32>,
      %swap3A_535 = vector.shape_cast %swap3A_534 : vector<16xf32> to vector<16xf32>
      %swap3A_536 = vector.shape_cast %add3A_529 : vector<16xf32> to vector<16xf32>
      tpu.vector_store %swap3A_532[%swap3A_533], %swap3A_536 {strides = array<i32>} : memref<64xf32, #tpu.memory_space<vmem>>, vector<16xf32>,
      %slice3A_537 = vector.extract_strided_slice %get3A_23 {offsets = [6], sizes = [1], strides = [1]} : vector<16xi32> to vector<1xi32>
      %squeeze3A_538 = vector.extract %slice3A_537[0] : i32 from vector<1xi32>
      %mul3A_539 = arith.constant 16 : i32
      %mul3A_540 = arith.muli %scan3A_19, %mul3A_539 : i32
      %add3A_541 = arith.constant 6 : i32
      %add3A_542 = arith.addi %mul3A_540, %add3A_541 : i32
      %get3A_543 = arith.constant 0 : i32
      %get3A_544 = tpu.memref_slice %arg9[%add3A_542, %get3A_543] : memref<512x64xf32, #tpu.memory_space<vmem>> -> memref<1x64xf32, #tpu.memory_space<vmem>>
      %get3A_545 = tpu.memref_squeeze %get3A_544 : memref<1x64xf32, #tpu.memory_space<vmem>> -> memref<64xf32, #tpu.memory_space<vmem>>
      %get3A_546 = arith.constant 0 : index
      %get3A_547 = tpu.vector_load %get3A_545[%get3A_546] {strides = array<i32>} : memref<64xf32, #tpu.memory_space<vmem>>, vector<16xf32>,
      %get3A_548 = vector.shape_cast %get3A_547 : vector<16xf32> to vector<16xf32>
      %get3A_549 = arith.constant 0 : i32
      %get3A_550 = tpu.memref_slice %arg10[%squeeze3A_538, %get3A_549] : memref<50x64xf32, #tpu.memory_space<vmem>> -> memref<1x64xf32, #tpu.memory_space<vmem>>
      %get3A_551 = tpu.memref_squeeze %get3A_550 : memref<1x64xf32, #tpu.memory_space<vmem>> -> memref<64xf32, #tpu.memory_space<vmem>>
      %get3A_552 = arith.constant 0 : index
      %get3A_553 = tpu.vector_load %get3A_551[%get3A_552] {strides = array<i32>} : memref<64xf32, #tpu.memory_space<vmem>>, vector<16xf32>,
      %get3A_554 = vector.shape_cast %get3A_553 : vector<16xf32> to vector<16xf32>
      %add3A_555 = arith.addf %get3A_548, %get3A_554 : vector<16xf32>
      %swap3A_556 = arith.constant 0 : i32
      %swap3A_557 = tpu.memref_slice %arg9[%add3A_542, %swap3A_556] : memref<512x64xf32, #tpu.memory_space<vmem>> -> memref<1x64xf32, #tpu.memory_space<vmem>>
      %swap3A_558 = tpu.memref_squeeze %swap3A_557 : memref<1x64xf32, #tpu.memory_space<vmem>> -> memref<64xf32, #tpu.memory_space<vmem>>
      %swap3A_559 = arith.constant 0 : index
      %swap3A_560 = tpu.vector_load %swap3A_558[%swap3A_559] {strides = array<i32>} : memref<64xf32, #tpu.memory_space<vmem>>, vector<16xf32>,
      %swap3A_561 = vector.shape_cast %swap3A_560 : vector<16xf32> to vector<16xf32>
      %swap3A_562 = vector.shape_cast %add3A_555 : vector<16xf32> to vector<16xf32>
      tpu.vector_store %swap3A_558[%swap3A_559], %swap3A_562 {strides = array<i32>} : memref<64xf32, #tpu.memory_space<vmem>>, vector<16xf32>,
      %get3A_563 = arith.constant 0 : i32
      %get3A_564 = tpu.memref_slice %arg9[%add3A_542, %get3A_563] : memref<512x64xf32, #tpu.memory_space<vmem>> -> memref<1x64xf32, #tpu.memory_space<vmem>>
      %get3A_565 = tpu.memref_squeeze %get3A_564 : memref<1x64xf32, #tpu.memory_space<vmem>> -> memref<64xf32, #tpu.memory_space<vmem>>
      %get3A_566 = arith.constant 16 : index
      %get3A_567 = tpu.vector_load %get3A_565[%get3A_566] {strides = array<i32>} : memref<64xf32, #tpu.memory_space<vmem>>, vector<16xf32>,
      %get3A_568 = vector.shape_cast %get3A_567 : vector<16xf32> to vector<16xf32>
      %get3A_569 = arith.constant 0 : i32
      %get3A_570 = tpu.memref_slice %arg10[%squeeze3A_538, %get3A_569] : memref<50x64xf32, #tpu.memory_space<vmem>> -> memref<1x64xf32, #tpu.memory_space<vmem>>
      %get3A_571 = tpu.memref_squeeze %get3A_570 : memref<1x64xf32, #tpu.memory_space<vmem>> -> memref<64xf32, #tpu.memory_space<vmem>>
      %get3A_572 = arith.constant 16 : index
      %get3A_573 = tpu.vector_load %get3A_571[%get3A_572] {strides = array<i32>} : memref<64xf32, #tpu.memory_space<vmem>>, vector<16xf32>,
      %get3A_574 = vector.shape_cast %get3A_573 : vector<16xf32> to vector<16xf32>
      %add3A_575 = arith.addf %get3A_568, %get3A_574 : vector<16xf32>
      %swap3A_576 = arith.constant 0 : i32
      %swap3A_577 = tpu.memref_slice %arg9[%add3A_542, %swap3A_576] : memref<512x64xf32, #tpu.memory_space<vmem>> -> memref<1x64xf32, #tpu.memory_space<vmem>>
      %swap3A_578 = tpu.memref_squeeze %swap3A_577 : memref<1x64xf32, #tpu.memory_space<vmem>> -> memref<64xf32, #tpu.memory_space<vmem>>
      %swap3A_579 = arith.constant 16 : index
      %swap3A_580 = tpu.vector_load %swap3A_578[%swap3A_579] {strides = array<i32>} : memref<64xf32, #tpu.memory_space<vmem>>, vector<16xf32>,
      %swap3A_581 = vector.shape_cast %swap3A_580 : vector<16xf32> to vector<16xf32>
      %swap3A_582 = vector.shape_cast %add3A_575 : vector<16xf32> to vector<16xf32>
      tpu.vector_store %swap3A_578[%swap3A_579], %swap3A_582 {strides = array<i32>} : memref<64xf32, #tpu.memory_space<vmem>>, vector<16xf32>,
      %get3A_583 = arith.constant 0 : i32
      %get3A_584 = tpu.memref_slice %arg9[%add3A_542, %get3A_583] : memref<512x64xf32, #tpu.memory_space<vmem>> -> memref<1x64xf32, #tpu.memory_space<vmem>>
      %get3A_585 = tpu.memref_squeeze %get3A_584 : memref<1x64xf32, #tpu.memory_space<vmem>> -> memref<64xf32, #tpu.memory_space<vmem>>
      %get3A_586 = arith.constant 32 : index
      %get3A_587 = tpu.vector_load %get3A_585[%get3A_586] {strides = array<i32>} : memref<64xf32, #tpu.memory_space<vmem>>, vector<16xf32>,
      %get3A_588 = vector.shape_cast %get3A_587 : vector<16xf32> to vector<16xf32>
      %get3A_589 = arith.constant 0 : i32
      %get3A_590 = tpu.memref_slice %arg10[%squeeze3A_538, %get3A_589] : memref<50x64xf32, #tpu.memory_space<vmem>> -> memref<1x64xf32, #tpu.memory_space<vmem>>
      %get3A_591 = tpu.memref_squeeze %get3A_590 : memref<1x64xf32, #tpu.memory_space<vmem>> -> memref<64xf32, #tpu.memory_space<vmem>>
      %get3A_592 = arith.constant 32 : index
      %get3A_593 = tpu.vector_load %get3A_591[%get3A_592] {strides = array<i32>} : memref<64xf32, #tpu.memory_space<vmem>>, vector<16xf32>,
      %get3A_594 = vector.shape_cast %get3A_593 : vector<16xf32> to vector<16xf32>
      %add3A_595 = arith.addf %get3A_588, %get3A_594 : vector<16xf32>
      %swap3A_596 = arith.constant 0 : i32
      %swap3A_597 = tpu.memref_slice %arg9[%add3A_542, %swap3A_596] : memref<512x64xf32, #tpu.memory_space<vmem>> -> memref<1x64xf32, #tpu.memory_space<vmem>>
      %swap3A_598 = tpu.memref_squeeze %swap3A_597 : memref<1x64xf32, #tpu.memory_space<vmem>> -> memref<64xf32, #tpu.memory_space<vmem>>
      %swap3A_599 = arith.constant 32 : index
      %swap3A_600 = tpu.vector_load %swap3A_598[%swap3A_599] {strides = array<i32>} : memref<64xf32, #tpu.memory_space<vmem>>, vector<16xf32>,
      %swap3A_601 = vector.shape_cast %swap3A_600 : vector<16xf32> to vector<16xf32>
      %swap3A_602 = vector.shape_cast %add3A_595 : vector<16xf32> to vector<16xf32>
      tpu.vector_store %swap3A_598[%swap3A_599], %swap3A_602 {strides = array<i32>} : memref<64xf32, #tpu.memory_space<vmem>>, vector<16xf32>,
      %get3A_603 = arith.constant 0 : i32
      %get3A_604 = tpu.memref_slice %arg9[%add3A_542, %get3A_603] : memref<512x64xf32, #tpu.memory_space<vmem>> -> memref<1x64xf32, #tpu.memory_space<vmem>>
      %get3A_605 = tpu.memref_squeeze %get3A_604 : memref<1x64xf32, #tpu.memory_space<vmem>> -> memref<64xf32, #tpu.memory_space<vmem>>
      %get3A_606 = arith.constant 48 : index
      %get3A_607 = tpu.vector_load %get3A_605[%get3A_606] {strides = array<i32>} : memref<64xf32, #tpu.memory_space<vmem>>, vector<16xf32>,
      %get3A_608 = vector.shape_cast %get3A_607 : vector<16xf32> to vector<16xf32>
      %get3A_609 = arith.constant 0 : i32
      %get3A_610 = tpu.memref_slice %arg10[%squeeze3A_538, %get3A_609] : memref<50x64xf32, #tpu.memory_space<vmem>> -> memref<1x64xf32, #tpu.memory_space<vmem>>
      %get3A_611 = tpu.memref_squeeze %get3A_610 : memref<1x64xf32, #tpu.memory_space<vmem>> -> memref<64xf32, #tpu.memory_space<vmem>>
      %get3A_612 = arith.constant 48 : index
      %get3A_613 = tpu.vector_load %get3A_611[%get3A_612] {strides = array<i32>} : memref<64xf32, #tpu.memory_space<vmem>>, vector<16xf32>,
      %get3A_614 = vector.shape_cast %get3A_613 : vector<16xf32> to vector<16xf32>
      %add3A_615 = arith.addf %get3A_608, %get3A_614 : vector<16xf32>
      %swap3A_616 = arith.constant 0 : i32
      %swap3A_617 = tpu.memref_slice %arg9[%add3A_542, %swap3A_616] : memref<512x64xf32, #tpu.memory_space<vmem>> -> memref<1x64xf32, #tpu.memory_space<vmem>>
      %swap3A_618 = tpu.memref_squeeze %swap3A_617 : memref<1x64xf32, #tpu.memory_space<vmem>> -> memref<64xf32, #tpu.memory_space<vmem>>
      %swap3A_619 = arith.constant 48 : index
      %swap3A_620 = tpu.vector_load %swap3A_618[%swap3A_619] {strides = array<i32>} : memref<64xf32, #tpu.memory_space<vmem>>, vector<16xf32>,
      %swap3A_621 = vector.shape_cast %swap3A_620 : vector<16xf32> to vector<16xf32>
      %swap3A_622 = vector.shape_cast %add3A_615 : vector<16xf32> to vector<16xf32>
      tpu.vector_store %swap3A_618[%swap3A_619], %swap3A_622 {strides = array<i32>} : memref<64xf32, #tpu.memory_space<vmem>>, vector<16xf32>,
      %slice3A_623 = vector.extract_strided_slice %get3A_23 {offsets = [7], sizes = [1], strides = [1]} : vector<16xi32> to vector<1xi32>
      %squeeze3A_624 = vector.extract %slice3A_623[0] : i32 from vector<1xi32>
      %mul3A_625 = arith.constant 16 : i32
      %mul3A_626 = arith.muli %scan3A_19, %mul3A_625 : i32
      %add3A_627 = arith.constant 7 : i32
      %add3A_628 = arith.addi %mul3A_626, %add3A_627 : i32
      %get3A_629 = arith.constant 0 : i32
      %get3A_630 = tpu.memref_slice %arg9[%add3A_628, %get3A_629] : memref<512x64xf32, #tpu.memory_space<vmem>> -> memref<1x64xf32, #tpu.memory_space<vmem>>
      %get3A_631 = tpu.memref_squeeze %get3A_630 : memref<1x64xf32, #tpu.memory_space<vmem>> -> memref<64xf32, #tpu.memory_space<vmem>>
      %get3A_632 = arith.constant 0 : index
      %get3A_633 = tpu.vector_load %get3A_631[%get3A_632] {strides = array<i32>} : memref<64xf32, #tpu.memory_space<vmem>>, vector<16xf32>,
      %get3A_634 = vector.shape_cast %get3A_633 : vector<16xf32> to vector<16xf32>
      %get3A_635 = arith.constant 0 : i32
      %get3A_636 = tpu.memref_slice %arg10[%squeeze3A_624, %get3A_635] : memref<50x64xf32, #tpu.memory_space<vmem>> -> memref<1x64xf32, #tpu.memory_space<vmem>>
      %get3A_637 = tpu.memref_squeeze %get3A_636 : memref<1x64xf32, #tpu.memory_space<vmem>> -> memref<64xf32, #tpu.memory_space<vmem>>
      %get3A_638 = arith.constant 0 : index
      %get3A_639 = tpu.vector_load %get3A_637[%get3A_638] {strides = array<i32>} : memref<64xf32, #tpu.memory_space<vmem>>, vector<16xf32>,
      %get3A_640 = vector.shape_cast %get3A_639 : vector<16xf32> to vector<16xf32>
      %add3A_641 = arith.addf %get3A_634, %get3A_640 : vector<16xf32>
      %swap3A_642 = arith.constant 0 : i32
      %swap3A_643 = tpu.memref_slice %arg9[%add3A_628, %swap3A_642] : memref<512x64xf32, #tpu.memory_space<vmem>> -> memref<1x64xf32, #tpu.memory_space<vmem>>
      %swap3A_644 = tpu.memref_squeeze %swap3A_643 : memref<1x64xf32, #tpu.memory_space<vmem>> -> memref<64xf32, #tpu.memory_space<vmem>>
      %swap3A_645 = arith.constant 0 : index
      %swap3A_646 = tpu.vector_load %swap3A_644[%swap3A_645] {strides = array<i32>} : memref<64xf32, #tpu.memory_space<vmem>>, vector<16xf32>,
      %swap3A_647 = vector.shape_cast %swap3A_646 : vector<16xf32> to vector<16xf32>
      %swap3A_648 = vector.shape_cast %add3A_641 : vector<16xf32> to vector<16xf32>
      tpu.vector_store %swap3A_644[%swap3A_645], %swap3A_648 {strides = array<i32>} : memref<64xf32, #tpu.memory_space<vmem>>, vector<16xf32>,
      %get3A_649 = arith.constant 0 : i32
      %get3A_650 = tpu.memref_slice %arg9[%add3A_628, %get3A_649] : memref<512x64xf32, #tpu.memory_space<vmem>> -> memref<1x64xf32, #tpu.memory_space<vmem>>
      %get3A_651 = tpu.memref_squeeze %get3A_650 : memref<1x64xf32, #tpu.memory_space<vmem>> -> memref<64xf32, #tpu.memory_space<vmem>>
      %get3A_652 = arith.constant 16 : index
      %get3A_653 = tpu.vector_load %get3A_651[%get3A_652] {strides = array<i32>} : memref<64xf32, #tpu.memory_space<vmem>>, vector<16xf32>,
      %get3A_654 = vector.shape_cast %get3A_653 : vector<16xf32> to vector<16xf32>
      %get3A_655 = arith.constant 0 : i32
      %get3A_656 = tpu.memref_slice %arg10[%squeeze3A_624, %get3A_655] : memref<50x64xf32, #tpu.memory_space<vmem>> -> memref<1x64xf32, #tpu.memory_space<vmem>>
      %get3A_657 = tpu.memref_squeeze %get3A_656 : memref<1x64xf32, #tpu.memory_space<vmem>> -> memref<64xf32, #tpu.memory_space<vmem>>
      %get3A_658 = arith.constant 16 : index
      %get3A_659 = tpu.vector_load %get3A_657[%get3A_658] {strides = array<i32>} : memref<64xf32, #tpu.memory_space<vmem>>, vector<16xf32>,
      %get3A_660 = vector.shape_cast %get3A_659 : vector<16xf32> to vector<16xf32>
      %add3A_661 = arith.addf %get3A_654, %get3A_660 : vector<16xf32>
      %swap3A_662 = arith.constant 0 : i32
      %swap3A_663 = tpu.memref_slice %arg9[%add3A_628, %swap3A_662] : memref<512x64xf32, #tpu.memory_space<vmem>> -> memref<1x64xf32, #tpu.memory_space<vmem>>
      %swap3A_664 = tpu.memref_squeeze %swap3A_663 : memref<1x64xf32, #tpu.memory_space<vmem>> -> memref<64xf32, #tpu.memory_space<vmem>>
      %swap3A_665 = arith.constant 16 : index
      %swap3A_666 = tpu.vector_load %swap3A_664[%swap3A_665] {strides = array<i32>} : memref<64xf32, #tpu.memory_space<vmem>>, vector<16xf32>,
      %swap3A_667 = vector.shape_cast %swap3A_666 : vector<16xf32> to vector<16xf32>
      %swap3A_668 = vector.shape_cast %add3A_661 : vector<16xf32> to vector<16xf32>
      tpu.vector_store %swap3A_664[%swap3A_665], %swap3A_668 {strides = array<i32>} : memref<64xf32, #tpu.memory_space<vmem>>, vector<16xf32>,
      %get3A_669 = arith.constant 0 : i32
      %get3A_670 = tpu.memref_slice %arg9[%add3A_628, %get3A_669] : memref<512x64xf32, #tpu.memory_space<vmem>> -> memref<1x64xf32, #tpu.memory_space<vmem>>
      %get3A_671 = tpu.memref_squeeze %get3A_670 : memref<1x64xf32, #tpu.memory_space<vmem>> -> memref<64xf32, #tpu.memory_space<vmem>>
      %get3A_672 = arith.constant 32 : index
      %get3A_673 = tpu.vector_load %get3A_671[%get3A_672] {strides = array<i32>} : memref<64xf32, #tpu.memory_space<vmem>>, vector<16xf32>,
      %get3A_674 = vector.shape_cast %get3A_673 : vector<16xf32> to vector<16xf32>
      %get3A_675 = arith.constant 0 : i32
      %get3A_676 = tpu.memref_slice %arg10[%squeeze3A_624, %get3A_675] : memref<50x64xf32, #tpu.memory_space<vmem>> -> memref<1x64xf32, #tpu.memory_space<vmem>>
      %get3A_677 = tpu.memref_squeeze %get3A_676 : memref<1x64xf32, #tpu.memory_space<vmem>> -> memref<64xf32, #tpu.memory_space<vmem>>
      %get3A_678 = arith.constant 32 : index
      %get3A_679 = tpu.vector_load %get3A_677[%get3A_678] {strides = array<i32>} : memref<64xf32, #tpu.memory_space<vmem>>, vector<16xf32>,
      %get3A_680 = vector.shape_cast %get3A_679 : vector<16xf32> to vector<16xf32>
      %add3A_681 = arith.addf %get3A_674, %get3A_680 : vector<16xf32>
      %swap3A_682 = arith.constant 0 : i32
      %swap3A_683 = tpu.memref_slice %arg9[%add3A_628, %swap3A_682] : memref<512x64xf32, #tpu.memory_space<vmem>> -> memref<1x64xf32, #tpu.memory_space<vmem>>
      %swap3A_684 = tpu.memref_squeeze %swap3A_683 : memref<1x64xf32, #tpu.memory_space<vmem>> -> memref<64xf32, #tpu.memory_space<vmem>>
      %swap3A_685 = arith.constant 32 : index
      %swap3A_686 = tpu.vector_load %swap3A_684[%swap3A_685] {strides = array<i32>} : memref<64xf32, #tpu.memory_space<vmem>>, vector<16xf32>,
      %swap3A_687 = vector.shape_cast %swap3A_686 : vector<16xf32> to vector<16xf32>
      %swap3A_688 = vector.shape_cast %add3A_681 : vector<16xf32> to vector<16xf32>
      tpu.vector_store %swap3A_684[%swap3A_685], %swap3A_688 {strides = array<i32>} : memref<64xf32, #tpu.memory_space<vmem>>, vector<16xf32>,
      %get3A_689 = arith.constant 0 : i32
      %get3A_690 = tpu.memref_slice %arg9[%add3A_628, %get3A_689] : memref<512x64xf32, #tpu.memory_space<vmem>> -> memref<1x64xf32, #tpu.memory_space<vmem>>
      %get3A_691 = tpu.memref_squeeze %get3A_690 : memref<1x64xf32, #tpu.memory_space<vmem>> -> memref<64xf32, #tpu.memory_space<vmem>>
      %get3A_692 = arith.constant 48 : index
      %get3A_693 = tpu.vector_load %get3A_691[%get3A_692] {strides = array<i32>} : memref<64xf32, #tpu.memory_space<vmem>>, vector<16xf32>,
      %get3A_694 = vector.shape_cast %get3A_693 : vector<16xf32> to vector<16xf32>
      %get3A_695 = arith.constant 0 : i32
      %get3A_696 = tpu.memref_slice %arg10[%squeeze3A_624, %get3A_695] : memref<50x64xf32, #tpu.memory_space<vmem>> -> memref<1x64xf32, #tpu.memory_space<vmem>>
      %get3A_697 = tpu.memref_squeeze %get3A_696 : memref<1x64xf32, #tpu.memory_space<vmem>> -> memref<64xf32, #tpu.memory_space<vmem>>
      %get3A_698 = arith.constant 48 : index
      %get3A_699 = tpu.vector_load %get3A_697[%get3A_698] {strides = array<i32>} : memref<64xf32, #tpu.memory_space<vmem>>, vector<16xf32>,
      %get3A_700 = vector.shape_cast %get3A_699 : vector<16xf32> to vector<16xf32>
      %add3A_701 = arith.addf %get3A_694, %get3A_700 : vector<16xf32>
      %swap3A_702 = arith.constant 0 : i32
      %swap3A_703 = tpu.memref_slice %arg9[%add3A_628, %swap3A_702] : memref<512x64xf32, #tpu.memory_space<vmem>> -> memref<1x64xf32, #tpu.memory_space<vmem>>
      %swap3A_704 = tpu.memref_squeeze %swap3A_703 : memref<1x64xf32, #tpu.memory_space<vmem>> -> memref<64xf32, #tpu.memory_space<vmem>>
      %swap3A_705 = arith.constant 48 : index
      %swap3A_706 = tpu.vector_load %swap3A_704[%swap3A_705] {strides = array<i32>} : memref<64xf32, #tpu.memory_space<vmem>>, vector<16xf32>,
      %swap3A_707 = vector.shape_cast %swap3A_706 : vector<16xf32> to vector<16xf32>
      %swap3A_708 = vector.shape_cast %add3A_701 : vector<16xf32> to vector<16xf32>
      tpu.vector_store %swap3A_704[%swap3A_705], %swap3A_708 {strides = array<i32>} : memref<64xf32, #tpu.memory_space<vmem>>, vector<16xf32>,
      %slice3A_709 = vector.extract_strided_slice %get3A_23 {offsets = [8], sizes = [1], strides = [1]} : vector<16xi32> to vector<1xi32>
      %squeeze3A_710 = vector.extract %slice3A_709[0] : i32 from vector<1xi32>
      %mul3A_711 = arith.constant 16 : i32
      %mul3A_712 = arith.muli %scan3A_19, %mul3A_711 : i32
      %add3A_713 = arith.constant 8 : i32
      %add3A_714 = arith.addi %mul3A_712, %add3A_713 : i32
      %get3A_715 = arith.constant 0 : i32
      %get3A_716 = tpu.memref_slice %arg9[%add3A_714, %get3A_715] : memref<512x64xf32, #tpu.memory_space<vmem>> -> memref<1x64xf32, #tpu.memory_space<vmem>>
      %get3A_717 = tpu.memref_squeeze %get3A_716 : memref<1x64xf32, #tpu.memory_space<vmem>> -> memref<64xf32, #tpu.memory_space<vmem>>
      %get3A_718 = arith.constant 0 : index
      %get3A_719 = tpu.vector_load %get3A_717[%get3A_718] {strides = array<i32>} : memref<64xf32, #tpu.memory_space<vmem>>, vector<16xf32>,
      %get3A_720 = vector.shape_cast %get3A_719 : vector<16xf32> to vector<16xf32>
      %get3A_721 = arith.constant 0 : i32
      %get3A_722 = tpu.memref_slice %arg10[%squeeze3A_710, %get3A_721] : memref<50x64xf32, #tpu.memory_space<vmem>> -> memref<1x64xf32, #tpu.memory_space<vmem>>
      %get3A_723 = tpu.memref_squeeze %get3A_722 : memref<1x64xf32, #tpu.memory_space<vmem>> -> memref<64xf32, #tpu.memory_space<vmem>>
      %get3A_724 = arith.constant 0 : index
      %get3A_725 = tpu.vector_load %get3A_723[%get3A_724] {strides = array<i32>} : memref<64xf32, #tpu.memory_space<vmem>>, vector<16xf32>,
      %get3A_726 = vector.shape_cast %get3A_725 : vector<16xf32> to vector<16xf32>
      %add3A_727 = arith.addf %get3A_720, %get3A_726 : vector<16xf32>
      %swap3A_728 = arith.constant 0 : i32
      %swap3A_729 = tpu.memref_slice %arg9[%add3A_714, %swap3A_728] : memref<512x64xf32, #tpu.memory_space<vmem>> -> memref<1x64xf32, #tpu.memory_space<vmem>>
      %swap3A_730 = tpu.memref_squeeze %swap3A_729 : memref<1x64xf32, #tpu.memory_space<vmem>> -> memref<64xf32, #tpu.memory_space<vmem>>
      %swap3A_731 = arith.constant 0 : index
      %swap3A_732 = tpu.vector_load %swap3A_730[%swap3A_731] {strides = array<i32>} : memref<64xf32, #tpu.memory_space<vmem>>, vector<16xf32>,
      %swap3A_733 = vector.shape_cast %swap3A_732 : vector<16xf32> to vector<16xf32>
      %swap3A_734 = vector.shape_cast %add3A_727 : vector<16xf32> to vector<16xf32>
      tpu.vector_store %swap3A_730[%swap3A_731], %swap3A_734 {strides = array<i32>} : memref<64xf32, #tpu.memory_space<vmem>>, vector<16xf32>,
      %get3A_735 = arith.constant 0 : i32
      %get3A_736 = tpu.memref_slice %arg9[%add3A_714, %get3A_735] : memref<512x64xf32, #tpu.memory_space<vmem>> -> memref<1x64xf32, #tpu.memory_space<vmem>>
      %get3A_737 = tpu.memref_squeeze %get3A_736 : memref<1x64xf32, #tpu.memory_space<vmem>> -> memref<64xf32, #tpu.memory_space<vmem>>
      %get3A_738 = arith.constant 16 : index
      %get3A_739 = tpu.vector_load %get3A_737[%get3A_738] {strides = array<i32>} : memref<64xf32, #tpu.memory_space<vmem>>, vector<16xf32>,
      %get3A_740 = vector.shape_cast %get3A_739 : vector<16xf32> to vector<16xf32>
      %get3A_741 = arith.constant 0 : i32
      %get3A_742 = tpu.memref_slice %arg10[%squeeze3A_710, %get3A_741] : memref<50x64xf32, #tpu.memory_space<vmem>> -> memref<1x64xf32, #tpu.memory_space<vmem>>
      %get3A_743 = tpu.memref_squeeze %get3A_742 : memref<1x64xf32, #tpu.memory_space<vmem>> -> memref<64xf32, #tpu.memory_space<vmem>>
      %get3A_744 = arith.constant 16 : index
      %get3A_745 = tpu.vector_load %get3A_743[%get3A_744] {strides = array<i32>} : memref<64xf32, #tpu.memory_space<vmem>>, vector<16xf32>,
      %get3A_746 = vector.shape_cast %get3A_745 : vector<16xf32> to vector<16xf32>
      %add3A_747 = arith.addf %get3A_740, %get3A_746 : vector<16xf32>
      %swap3A_748 = arith.constant 0 : i32
      %swap3A_749 = tpu.memref_slice %arg9[%add3A_714, %swap3A_748] : memref<512x64xf32, #tpu.memory_space<vmem>> -> memref<1x64xf32, #tpu.memory_space<vmem>>
      %swap3A_750 = tpu.memref_squeeze %swap3A_749 : memref<1x64xf32, #tpu.memory_space<vmem>> -> memref<64xf32, #tpu.memory_space<vmem>>
      %swap3A_751 = arith.constant 16 : index
      %swap3A_752 = tpu.vector_load %swap3A_750[%swap3A_751] {strides = array<i32>} : memref<64xf32, #tpu.memory_space<vmem>>, vector<16xf32>,
      %swap3A_753 = vector.shape_cast %swap3A_752 : vector<16xf32> to vector<16xf32>
      %swap3A_754 = vector.shape_cast %add3A_747 : vector<16xf32> to vector<16xf32>
      tpu.vector_store %swap3A_750[%swap3A_751], %swap3A_754 {strides = array<i32>} : memref<64xf32, #tpu.memory_space<vmem>>, vector<16xf32>,
      %get3A_755 = arith.constant 0 : i32
      %get3A_756 = tpu.memref_slice %arg9[%add3A_714, %get3A_755] : memref<512x64xf32, #tpu.memory_space<vmem>> -> memref<1x64xf32, #tpu.memory_space<vmem>>
      %get3A_757 = tpu.memref_squeeze %get3A_756 : memref<1x64xf32, #tpu.memory_space<vmem>> -> memref<64xf32, #tpu.memory_space<vmem>>
      %get3A_758 = arith.constant 32 : index
      %get3A_759 = tpu.vector_load %get3A_757[%get3A_758] {strides = array<i32>} : memref<64xf32, #tpu.memory_space<vmem>>, vector<16xf32>,
      %get3A_760 = vector.shape_cast %get3A_759 : vector<16xf32> to vector<16xf32>
      %get3A_761 = arith.constant 0 : i32
      %get3A_762 = tpu.memref_slice %arg10[%squeeze3A_710, %get3A_761] : memref<50x64xf32, #tpu.memory_space<vmem>> -> memref<1x64xf32, #tpu.memory_space<vmem>>
      %get3A_763 = tpu.memref_squeeze %get3A_762 : memref<1x64xf32, #tpu.memory_space<vmem>> -> memref<64xf32, #tpu.memory_space<vmem>>
      %get3A_764 = arith.constant 32 : index
      %get3A_765 = tpu.vector_load %get3A_763[%get3A_764] {strides = array<i32>} : memref<64xf32, #tpu.memory_space<vmem>>, vector<16xf32>,
      %get3A_766 = vector.shape_cast %get3A_765 : vector<16xf32> to vector<16xf32>
      %add3A_767 = arith.addf %get3A_760, %get3A_766 : vector<16xf32>
      %swap3A_768 = arith.constant 0 : i32
      %swap3A_769 = tpu.memref_slice %arg9[%add3A_714, %swap3A_768] : memref<512x64xf32, #tpu.memory_space<vmem>> -> memref<1x64xf32, #tpu.memory_space<vmem>>
      %swap3A_770 = tpu.memref_squeeze %swap3A_769 : memref<1x64xf32, #tpu.memory_space<vmem>> -> memref<64xf32, #tpu.memory_space<vmem>>
      %swap3A_771 = arith.constant 32 : index
      %swap3A_772 = tpu.vector_load %swap3A_770[%swap3A_771] {strides = array<i32>} : memref<64xf32, #tpu.memory_space<vmem>>, vector<16xf32>,
      %swap3A_773 = vector.shape_cast %swap3A_772 : vector<16xf32> to vector<16xf32>
      %swap3A_774 = vector.shape_cast %add3A_767 : vector<16xf32> to vector<16xf32>
      tpu.vector_store %swap3A_770[%swap3A_771], %swap3A_774 {strides = array<i32>} : memref<64xf32, #tpu.memory_space<vmem>>, vector<16xf32>,
      %get3A_775 = arith.constant 0 : i32
      %get3A_776 = tpu.memref_slice %arg9[%add3A_714, %get3A_775] : memref<512x64xf32, #tpu.memory_space<vmem>> -> memref<1x64xf32, #tpu.memory_space<vmem>>
      %get3A_777 = tpu.memref_squeeze %get3A_776 : memref<1x64xf32, #tpu.memory_space<vmem>> -> memref<64xf32, #tpu.memory_space<vmem>>
      %get3A_778 = arith.constant 48 : index
      %get3A_779 = tpu.vector_load %get3A_777[%get3A_778] {strides = array<i32>} : memref<64xf32, #tpu.memory_space<vmem>>, vector<16xf32>,
      %get3A_780 = vector.shape_cast %get3A_779 : vector<16xf32> to vector<16xf32>
      %get3A_781 = arith.constant 0 : i32
      %get3A_782 = tpu.memref_slice %arg10[%squeeze3A_710, %get3A_781] : memref<50x64xf32, #tpu.memory_space<vmem>> -> memref<1x64xf32, #tpu.memory_space<vmem>>
      %get3A_783 = tpu.memref_squeeze %get3A_782 : memref<1x64xf32, #tpu.memory_space<vmem>> -> memref<64xf32, #tpu.memory_space<vmem>>
      %get3A_784 = arith.constant 48 : index
      %get3A_785 = tpu.vector_load %get3A_783[%get3A_784] {strides = array<i32>} : memref<64xf32, #tpu.memory_space<vmem>>, vector<16xf32>,
      %get3A_786 = vector.shape_cast %get3A_785 : vector<16xf32> to vector<16xf32>
      %add3A_787 = arith.addf %get3A_780, %get3A_786 : vector<16xf32>
      %swap3A_788 = arith.constant 0 : i32
      %swap3A_789 = tpu.memref_slice %arg9[%add3A_714, %swap3A_788] : memref<512x64xf32, #tpu.memory_space<vmem>> -> memref<1x64xf32, #tpu.memory_space<vmem>>
      %swap3A_790 = tpu.memref_squeeze %swap3A_789 : memref<1x64xf32, #tpu.memory_space<vmem>> -> memref<64xf32, #tpu.memory_space<vmem>>
      %swap3A_791 = arith.constant 48 : index
      %swap3A_792 = tpu.vector_load %swap3A_790[%swap3A_791] {strides = array<i32>} : memref<64xf32, #tpu.memory_space<vmem>>, vector<16xf32>,
      %swap3A_793 = vector.shape_cast %swap3A_792 : vector<16xf32> to vector<16xf32>
      %swap3A_794 = vector.shape_cast %add3A_787 : vector<16xf32> to vector<16xf32>
      tpu.vector_store %swap3A_790[%swap3A_791], %swap3A_794 {strides = array<i32>} : memref<64xf32, #tpu.memory_space<vmem>>, vector<16xf32>,
      %slice3A_795 = vector.extract_strided_slice %get3A_23 {offsets = [9], sizes = [1], strides = [1]} : vector<16xi32> to vector<1xi32>
      %squeeze3A_796 = vector.extract %slice3A_795[0] : i32 from vector<1xi32>
      %mul3A_797 = arith.constant 16 : i32
      %mul3A_798 = arith.muli %scan3A_19, %mul3A_797 : i32
      %add3A_799 = arith.constant 9 : i32
      %add3A_800 = arith.addi %mul3A_798, %add3A_799 : i32
      %get3A_801 = arith.constant 0 : i32
      %get3A_802 = tpu.memref_slice %arg9[%add3A_800, %get3A_801] : memref<512x64xf32, #tpu.memory_space<vmem>> -> memref<1x64xf32, #tpu.memory_space<vmem>>
      %get3A_803 = tpu.memref_squeeze %get3A_802 : memref<1x64xf32, #tpu.memory_space<vmem>> -> memref<64xf32, #tpu.memory_space<vmem>>
      %get3A_804 = arith.constant 0 : index
      %get3A_805 = tpu.vector_load %get3A_803[%get3A_804] {strides = array<i32>} : memref<64xf32, #tpu.memory_space<vmem>>, vector<16xf32>,
      %get3A_806 = vector.shape_cast %get3A_805 : vector<16xf32> to vector<16xf32>
      %get3A_807 = arith.constant 0 : i32
      %get3A_808 = tpu.memref_slice %arg10[%squeeze3A_796, %get3A_807] : memref<50x64xf32, #tpu.memory_space<vmem>> -> memref<1x64xf32, #tpu.memory_space<vmem>>
      %get3A_809 = tpu.memref_squeeze %get3A_808 : memref<1x64xf32, #tpu.memory_space<vmem>> -> memref<64xf32, #tpu.memory_space<vmem>>
      %get3A_810 = arith.constant 0 : index
      %get3A_811 = tpu.vector_load %get3A_809[%get3A_810] {strides = array<i32>} : memref<64xf32, #tpu.memory_space<vmem>>, vector<16xf32>,
      %get3A_812 = vector.shape_cast %get3A_811 : vector<16xf32> to vector<16xf32>
      %add3A_813 = arith.addf %get3A_806, %get3A_812 : vector<16xf32>
      %swap3A_814 = arith.constant 0 : i32
      %swap3A_815 = tpu.memref_slice %arg9[%add3A_800, %swap3A_814] : memref<512x64xf32, #tpu.memory_space<vmem>> -> memref<1x64xf32, #tpu.memory_space<vmem>>
      %swap3A_816 = tpu.memref_squeeze %swap3A_815 : memref<1x64xf32, #tpu.memory_space<vmem>> -> memref<64xf32, #tpu.memory_space<vmem>>
      %swap3A_817 = arith.constant 0 : index
      %swap3A_818 = tpu.vector_load %swap3A_816[%swap3A_817] {strides = array<i32>} : memref<64xf32, #tpu.memory_space<vmem>>, vector<16xf32>,
      %swap3A_819 = vector.shape_cast %swap3A_818 : vector<16xf32> to vector<16xf32>
      %swap3A_820 = vector.shape_cast %add3A_813 : vector<16xf32> to vector<16xf32>
      tpu.vector_store %swap3A_816[%swap3A_817], %swap3A_820 {strides = array<i32>} : memref<64xf32, #tpu.memory_space<vmem>>, vector<16xf32>,
      %get3A_821 = arith.constant 0 : i32
      %get3A_822 = tpu.memref_slice %arg9[%add3A_800, %get3A_821] : memref<512x64xf32, #tpu.memory_space<vmem>> -> memref<1x64xf32, #tpu.memory_space<vmem>>
      %get3A_823 = tpu.memref_squeeze %get3A_822 : memref<1x64xf32, #tpu.memory_space<vmem>> -> memref<64xf32, #tpu.memory_space<vmem>>
      %get3A_824 = arith.constant 16 : index
      %get3A_825 = tpu.vector_load %get3A_823[%get3A_824] {strides = array<i32>} : memref<64xf32, #tpu.memory_space<vmem>>, vector<16xf32>,
      %get3A_826 = vector.shape_cast %get3A_825 : vector<16xf32> to vector<16xf32>
      %get3A_827 = arith.constant 0 : i32
      %get3A_828 = tpu.memref_slice %arg10[%squeeze3A_796, %get3A_827] : memref<50x64xf32, #tpu.memory_space<vmem>> -> memref<1x64xf32, #tpu.memory_space<vmem>>
      %get3A_829 = tpu.memref_squeeze %get3A_828 : memref<1x64xf32, #tpu.memory_space<vmem>> -> memref<64xf32, #tpu.memory_space<vmem>>
      %get3A_830 = arith.constant 16 : index
      %get3A_831 = tpu.vector_load %get3A_829[%get3A_830] {strides = array<i32>} : memref<64xf32, #tpu.memory_space<vmem>>, vector<16xf32>,
      %get3A_832 = vector.shape_cast %get3A_831 : vector<16xf32> to vector<16xf32>
      %add3A_833 = arith.addf %get3A_826, %get3A_832 : vector<16xf32>
      %swap3A_834 = arith.constant 0 : i32
      %swap3A_835 = tpu.memref_slice %arg9[%add3A_800, %swap3A_834] : memref<512x64xf32, #tpu.memory_space<vmem>> -> memref<1x64xf32, #tpu.memory_space<vmem>>
      %swap3A_836 = tpu.memref_squeeze %swap3A_835 : memref<1x64xf32, #tpu.memory_space<vmem>> -> memref<64xf32, #tpu.memory_space<vmem>>
      %swap3A_837 = arith.constant 16 : index
      %swap3A_838 = tpu.vector_load %swap3A_836[%swap3A_837] {strides = array<i32>} : memref<64xf32, #tpu.memory_space<vmem>>, vector<16xf32>,
      %swap3A_839 = vector.shape_cast %swap3A_838 : vector<16xf32> to vector<16xf32>
      %swap3A_840 = vector.shape_cast %add3A_833 : vector<16xf32> to vector<16xf32>
      tpu.vector_store %swap3A_836[%swap3A_837], %swap3A_840 {strides = array<i32>} : memref<64xf32, #tpu.memory_space<vmem>>, vector<16xf32>,
      %get3A_841 = arith.constant 0 : i32
      %get3A_842 = tpu.memref_slice %arg9[%add3A_800, %get3A_841] : memref<512x64xf32, #tpu.memory_space<vmem>> -> memref<1x64xf32, #tpu.memory_space<vmem>>
      %get3A_843 = tpu.memref_squeeze %get3A_842 : memref<1x64xf32, #tpu.memory_space<vmem>> -> memref<64xf32, #tpu.memory_space<vmem>>
      %get3A_844 = arith.constant 32 : index
      %get3A_845 = tpu.vector_load %get3A_843[%get3A_844] {strides = array<i32>} : memref<64xf32, #tpu.memory_space<vmem>>, vector<16xf32>,
      %get3A_846 = vector.shape_cast %get3A_845 : vector<16xf32> to vector<16xf32>
      %get3A_847 = arith.constant 0 : i32
      %get3A_848 = tpu.memref_slice %arg10[%squeeze3A_796, %get3A_847] : memref<50x64xf32, #tpu.memory_space<vmem>> -> memref<1x64xf32, #tpu.memory_space<vmem>>
      %get3A_849 = tpu.memref_squeeze %get3A_848 : memref<1x64xf32, #tpu.memory_space<vmem>> -> memref<64xf32, #tpu.memory_space<vmem>>
      %get3A_850 = arith.constant 32 : index
      %get3A_851 = tpu.vector_load %get3A_849[%get3A_850] {strides = array<i32>} : memref<64xf32, #tpu.memory_space<vmem>>, vector<16xf32>,
      %get3A_852 = vector.shape_cast %get3A_851 : vector<16xf32> to vector<16xf32>
      %add3A_853 = arith.addf %get3A_846, %get3A_852 : vector<16xf32>
      %swap3A_854 = arith.constant 0 : i32
      %swap3A_855 = tpu.memref_slice %arg9[%add3A_800, %swap3A_854] : memref<512x64xf32, #tpu.memory_space<vmem>> -> memref<1x64xf32, #tpu.memory_space<vmem>>
      %swap3A_856 = tpu.memref_squeeze %swap3A_855 : memref<1x64xf32, #tpu.memory_space<vmem>> -> memref<64xf32, #tpu.memory_space<vmem>>
      %swap3A_857 = arith.constant 32 : index
      %swap3A_858 = tpu.vector_load %swap3A_856[%swap3A_857] {strides = array<i32>} : memref<64xf32, #tpu.memory_space<vmem>>, vector<16xf32>,
      %swap3A_859 = vector.shape_cast %swap3A_858 : vector<16xf32> to vector<16xf32>
      %swap3A_860 = vector.shape_cast %add3A_853 : vector<16xf32> to vector<16xf32>
      tpu.vector_store %swap3A_856[%swap3A_857], %swap3A_860 {strides = array<i32>} : memref<64xf32, #tpu.memory_space<vmem>>, vector<16xf32>,
      %get3A_861 = arith.constant 0 : i32
      %get3A_862 = tpu.memref_slice %arg9[%add3A_800, %get3A_861] : memref<512x64xf32, #tpu.memory_space<vmem>> -> memref<1x64xf32, #tpu.memory_space<vmem>>
      %get3A_863 = tpu.memref_squeeze %get3A_862 : memref<1x64xf32, #tpu.memory_space<vmem>> -> memref<64xf32, #tpu.memory_space<vmem>>
      %get3A_864 = arith.constant 48 : index
      %get3A_865 = tpu.vector_load %get3A_863[%get3A_864] {strides = array<i32>} : memref<64xf32, #tpu.memory_space<vmem>>, vector<16xf32>,
      %get3A_866 = vector.shape_cast %get3A_865 : vector<16xf32> to vector<16xf32>
      %get3A_867 = arith.constant 0 : i32
      %get3A_868 = tpu.memref_slice %arg10[%squeeze3A_796, %get3A_867] : memref<50x64xf32, #tpu.memory_space<vmem>> -> memref<1x64xf32, #tpu.memory_space<vmem>>
      %get3A_869 = tpu.memref_squeeze %get3A_868 : memref<1x64xf32, #tpu.memory_space<vmem>> -> memref<64xf32, #tpu.memory_space<vmem>>
      %get3A_870 = arith.constant 48 : index
      %get3A_871 = tpu.vector_load %get3A_869[%get3A_870] {strides = array<i32>} : memref<64xf32, #tpu.memory_space<vmem>>, vector<16xf32>,
      %get3A_872 = vector.shape_cast %get3A_871 : vector<16xf32> to vector<16xf32>
      %add3A_873 = arith.addf %get3A_866, %get3A_872 : vector<16xf32>
      %swap3A_874 = arith.constant 0 : i32
      %swap3A_875 = tpu.memref_slice %arg9[%add3A_800, %swap3A_874] : memref<512x64xf32, #tpu.memory_space<vmem>> -> memref<1x64xf32, #tpu.memory_space<vmem>>
      %swap3A_876 = tpu.memref_squeeze %swap3A_875 : memref<1x64xf32, #tpu.memory_space<vmem>> -> memref<64xf32, #tpu.memory_space<vmem>>
      %swap3A_877 = arith.constant 48 : index
      %swap3A_878 = tpu.vector_load %swap3A_876[%swap3A_877] {strides = array<i32>} : memref<64xf32, #tpu.memory_space<vmem>>, vector<16xf32>,
      %swap3A_879 = vector.shape_cast %swap3A_878 : vector<16xf32> to vector<16xf32>
      %swap3A_880 = vector.shape_cast %add3A_873 : vector<16xf32> to vector<16xf32>
      tpu.vector_store %swap3A_876[%swap3A_877], %swap3A_880 {strides = array<i32>} : memref<64xf32, #tpu.memory_space<vmem>>, vector<16xf32>,
      %slice3A_881 = vector.extract_strided_slice %get3A_23 {offsets = [10], sizes = [1], strides = [1]} : vector<16xi32> to vector<1xi32>
      %squeeze3A_882 = vector.extract %slice3A_881[0] : i32 from vector<1xi32>
      %mul3A_883 = arith.constant 16 : i32
      %mul3A_884 = arith.muli %scan3A_19, %mul3A_883 : i32
      %add3A_885 = arith.constant 10 : i32
      %add3A_886 = arith.addi %mul3A_884, %add3A_885 : i32
      %get3A_887 = arith.constant 0 : i32
      %get3A_888 = tpu.memref_slice %arg9[%add3A_886, %get3A_887] : memref<512x64xf32, #tpu.memory_space<vmem>> -> memref<1x64xf32, #tpu.memory_space<vmem>>
      %get3A_889 = tpu.memref_squeeze %get3A_888 : memref<1x64xf32, #tpu.memory_space<vmem>> -> memref<64xf32, #tpu.memory_space<vmem>>
      %get3A_890 = arith.constant 0 : index
      %get3A_891 = tpu.vector_load %get3A_889[%get3A_890] {strides = array<i32>} : memref<64xf32, #tpu.memory_space<vmem>>, vector<16xf32>,
      %get3A_892 = vector.shape_cast %get3A_891 : vector<16xf32> to vector<16xf32>
      %get3A_893 = arith.constant 0 : i32
      %get3A_894 = tpu.memref_slice %arg10[%squeeze3A_882, %get3A_893] : memref<50x64xf32, #tpu.memory_space<vmem>> -> memref<1x64xf32, #tpu.memory_space<vmem>>
      %get3A_895 = tpu.memref_squeeze %get3A_894 : memref<1x64xf32, #tpu.memory_space<vmem>> -> memref<64xf32, #tpu.memory_space<vmem>>
      %get3A_896 = arith.constant 0 : index
      %get3A_897 = tpu.vector_load %get3A_895[%get3A_896] {strides = array<i32>} : memref<64xf32, #tpu.memory_space<vmem>>, vector<16xf32>,
      %get3A_898 = vector.shape_cast %get3A_897 : vector<16xf32> to vector<16xf32>
      %add3A_899 = arith.addf %get3A_892, %get3A_898 : vector<16xf32>
      %swap3A_900 = arith.constant 0 : i32
      %swap3A_901 = tpu.memref_slice %arg9[%add3A_886, %swap3A_900] : memref<512x64xf32, #tpu.memory_space<vmem>> -> memref<1x64xf32, #tpu.memory_space<vmem>>
      %swap3A_902 = tpu.memref_squeeze %swap3A_901 : memref<1x64xf32, #tpu.memory_space<vmem>> -> memref<64xf32, #tpu.memory_space<vmem>>
      %swap3A_903 = arith.constant 0 : index
      %swap3A_904 = tpu.vector_load %swap3A_902[%swap3A_903] {strides = array<i32>} : memref<64xf32, #tpu.memory_space<vmem>>, vector<16xf32>,
      %swap3A_905 = vector.shape_cast %swap3A_904 : vector<16xf32> to vector<16xf32>
      %swap3A_906 = vector.shape_cast %add3A_899 : vector<16xf32> to vector<16xf32>
      tpu.vector_store %swap3A_902[%swap3A_903], %swap3A_906 {strides = array<i32>} : memref<64xf32, #tpu.memory_space<vmem>>, vector<16xf32>,
      %get3A_907 = arith.constant 0 : i32
      %get3A_908 = tpu.memref_slice %arg9[%add3A_886, %get3A_907] : memref<512x64xf32, #tpu.memory_space<vmem>> -> memref<1x64xf32, #tpu.memory_space<vmem>>
      %get3A_909 = tpu.memref_squeeze %get3A_908 : memref<1x64xf32, #tpu.memory_space<vmem>> -> memref<64xf32, #tpu.memory_space<vmem>>
      %get3A_910 = arith.constant 16 : index
      %get3A_911 = tpu.vector_load %get3A_909[%get3A_910] {strides = array<i32>} : memref<64xf32, #tpu.memory_space<vmem>>, vector<16xf32>,
      %get3A_912 = vector.shape_cast %get3A_911 : vector<16xf32> to vector<16xf32>
      %get3A_913 = arith.constant 0 : i32
      %get3A_914 = tpu.memref_slice %arg10[%squeeze3A_882, %get3A_913] : memref<50x64xf32, #tpu.memory_space<vmem>> -> memref<1x64xf32, #tpu.memory_space<vmem>>
      %get3A_915 = tpu.memref_squeeze %get3A_914 : memref<1x64xf32, #tpu.memory_space<vmem>> -> memref<64xf32, #tpu.memory_space<vmem>>
      %get3A_916 = arith.constant 16 : index
      %get3A_917 = tpu.vector_load %get3A_915[%get3A_916] {strides = array<i32>} : memref<64xf32, #tpu.memory_space<vmem>>, vector<16xf32>,
      %get3A_918 = vector.shape_cast %get3A_917 : vector<16xf32> to vector<16xf32>
      %add3A_919 = arith.addf %get3A_912, %get3A_918 : vector<16xf32>
      %swap3A_920 = arith.constant 0 : i32
      %swap3A_921 = tpu.memref_slice %arg9[%add3A_886, %swap3A_920] : memref<512x64xf32, #tpu.memory_space<vmem>> -> memref<1x64xf32, #tpu.memory_space<vmem>>
      %swap3A_922 = tpu.memref_squeeze %swap3A_921 : memref<1x64xf32, #tpu.memory_space<vmem>> -> memref<64xf32, #tpu.memory_space<vmem>>
      %swap3A_923 = arith.constant 16 : index
      %swap3A_924 = tpu.vector_load %swap3A_922[%swap3A_923] {strides = array<i32>} : memref<64xf32, #tpu.memory_space<vmem>>, vector<16xf32>,
      %swap3A_925 = vector.shape_cast %swap3A_924 : vector<16xf32> to vector<16xf32>
      %swap3A_926 = vector.shape_cast %add3A_919 : vector<16xf32> to vector<16xf32>
      tpu.vector_store %swap3A_922[%swap3A_923], %swap3A_926 {strides = array<i32>} : memref<64xf32, #tpu.memory_space<vmem>>, vector<16xf32>,
      %get3A_927 = arith.constant 0 : i32
      %get3A_928 = tpu.memref_slice %arg9[%add3A_886, %get3A_927] : memref<512x64xf32, #tpu.memory_space<vmem>> -> memref<1x64xf32, #tpu.memory_space<vmem>>
      %get3A_929 = tpu.memref_squeeze %get3A_928 : memref<1x64xf32, #tpu.memory_space<vmem>> -> memref<64xf32, #tpu.memory_space<vmem>>
      %get3A_930 = arith.constant 32 : index
      %get3A_931 = tpu.vector_load %get3A_929[%get3A_930] {strides = array<i32>} : memref<64xf32, #tpu.memory_space<vmem>>, vector<16xf32>,
      %get3A_932 = vector.shape_cast %get3A_931 : vector<16xf32> to vector<16xf32>
      %get3A_933 = arith.constant 0 : i32
      %get3A_934 = tpu.memref_slice %arg10[%squeeze3A_882, %get3A_933] : memref<50x64xf32, #tpu.memory_space<vmem>> -> memref<1x64xf32, #tpu.memory_space<vmem>>
      %get3A_935 = tpu.memref_squeeze %get3A_934 : memref<1x64xf32, #tpu.memory_space<vmem>> -> memref<64xf32, #tpu.memory_space<vmem>>
      %get3A_936 = arith.constant 32 : index
      %get3A_937 = tpu.vector_load %get3A_935[%get3A_936] {strides = array<i32>} : memref<64xf32, #tpu.memory_space<vmem>>, vector<16xf32>,
      %get3A_938 = vector.shape_cast %get3A_937 : vector<16xf32> to vector<16xf32>
      %add3A_939 = arith.addf %get3A_932, %get3A_938 : vector<16xf32>
      %swap3A_940 = arith.constant 0 : i32
      %swap3A_941 = tpu.memref_slice %arg9[%add3A_886, %swap3A_940] : memref<512x64xf32, #tpu.memory_space<vmem>> -> memref<1x64xf32, #tpu.memory_space<vmem>>
      %swap3A_942 = tpu.memref_squeeze %swap3A_941 : memref<1x64xf32, #tpu.memory_space<vmem>> -> memref<64xf32, #tpu.memory_space<vmem>>
      %swap3A_943 = arith.constant 32 : index
      %swap3A_944 = tpu.vector_load %swap3A_942[%swap3A_943] {strides = array<i32>} : memref<64xf32, #tpu.memory_space<vmem>>, vector<16xf32>,
      %swap3A_945 = vector.shape_cast %swap3A_944 : vector<16xf32> to vector<16xf32>
      %swap3A_946 = vector.shape_cast %add3A_939 : vector<16xf32> to vector<16xf32>
      tpu.vector_store %swap3A_942[%swap3A_943], %swap3A_946 {strides = array<i32>} : memref<64xf32, #tpu.memory_space<vmem>>, vector<16xf32>,
      %get3A_947 = arith.constant 0 : i32
      %get3A_948 = tpu.memref_slice %arg9[%add3A_886, %get3A_947] : memref<512x64xf32, #tpu.memory_space<vmem>> -> memref<1x64xf32, #tpu.memory_space<vmem>>
      %get3A_949 = tpu.memref_squeeze %get3A_948 : memref<1x64xf32, #tpu.memory_space<vmem>> -> memref<64xf32, #tpu.memory_space<vmem>>
      %get3A_950 = arith.constant 48 : index
      %get3A_951 = tpu.vector_load %get3A_949[%get3A_950] {strides = array<i32>} : memref<64xf32, #tpu.memory_space<vmem>>, vector<16xf32>,
      %get3A_952 = vector.shape_cast %get3A_951 : vector<16xf32> to vector<16xf32>
      %get3A_953 = arith.constant 0 : i32
      %get3A_954 = tpu.memref_slice %arg10[%squeeze3A_882, %get3A_953] : memref<50x64xf32, #tpu.memory_space<vmem>> -> memref<1x64xf32, #tpu.memory_space<vmem>>
      %get3A_955 = tpu.memref_squeeze %get3A_954 : memref<1x64xf32, #tpu.memory_space<vmem>> -> memref<64xf32, #tpu.memory_space<vmem>>
      %get3A_956 = arith.constant 48 : index
      %get3A_957 = tpu.vector_load %get3A_955[%get3A_956] {strides = array<i32>} : memref<64xf32, #tpu.memory_space<vmem>>, vector<16xf32>,
      %get3A_958 = vector.shape_cast %get3A_957 : vector<16xf32> to vector<16xf32>
      %add3A_959 = arith.addf %get3A_952, %get3A_958 : vector<16xf32>
      %swap3A_960 = arith.constant 0 : i32
      %swap3A_961 = tpu.memref_slice %arg9[%add3A_886, %swap3A_960] : memref<512x64xf32, #tpu.memory_space<vmem>> -> memref<1x64xf32, #tpu.memory_space<vmem>>
      %swap3A_962 = tpu.memref_squeeze %swap3A_961 : memref<1x64xf32, #tpu.memory_space<vmem>> -> memref<64xf32, #tpu.memory_space<vmem>>
      %swap3A_963 = arith.constant 48 : index
      %swap3A_964 = tpu.vector_load %swap3A_962[%swap3A_963] {strides = array<i32>} : memref<64xf32, #tpu.memory_space<vmem>>, vector<16xf32>,
      %swap3A_965 = vector.shape_cast %swap3A_964 : vector<16xf32> to vector<16xf32>
      %swap3A_966 = vector.shape_cast %add3A_959 : vector<16xf32> to vector<16xf32>
      tpu.vector_store %swap3A_962[%swap3A_963], %swap3A_966 {strides = array<i32>} : memref<64xf32, #tpu.memory_space<vmem>>, vector<16xf32>,
      %slice3A_967 = vector.extract_strided_slice %get3A_23 {offsets = [11], sizes = [1], strides = [1]} : vector<16xi32> to vector<1xi32>
      %squeeze3A_968 = vector.extract %slice3A_967[0] : i32 from vector<1xi32>
      %mul3A_969 = arith.constant 16 : i32
      %mul3A_970 = arith.muli %scan3A_19, %mul3A_969 : i32
      %add3A_971 = arith.constant 11 : i32
      %add3A_972 = arith.addi %mul3A_970, %add3A_971 : i32
      %get3A_973 = arith.constant 0 : i32
      %get3A_974 = tpu.memref_slice %arg9[%add3A_972, %get3A_973] : memref<512x64xf32, #tpu.memory_space<vmem>> -> memref<1x64xf32, #tpu.memory_space<vmem>>
      %get3A_975 = tpu.memref_squeeze %get3A_974 : memref<1x64xf32, #tpu.memory_space<vmem>> -> memref<64xf32, #tpu.memory_space<vmem>>
      %get3A_976 = arith.constant 0 : index
      %get3A_977 = tpu.vector_load %get3A_975[%get3A_976] {strides = array<i32>} : memref<64xf32, #tpu.memory_space<vmem>>, vector<16xf32>,
      %get3A_978 = vector.shape_cast %get3A_977 : vector<16xf32> to vector<16xf32>
      %get3A_979 = arith.constant 0 : i32
      %get3A_980 = tpu.memref_slice %arg10[%squeeze3A_968, %get3A_979] : memref<50x64xf32, #tpu.memory_space<vmem>> -> memref<1x64xf32, #tpu.memory_space<vmem>>
      %get3A_981 = tpu.memref_squeeze %get3A_980 : memref<1x64xf32, #tpu.memory_space<vmem>> -> memref<64xf32, #tpu.memory_space<vmem>>
      %get3A_982 = arith.constant 0 : index
      %get3A_983 = tpu.vector_load %get3A_981[%get3A_982] {strides = array<i32>} : memref<64xf32, #tpu.memory_space<vmem>>, vector<16xf32>,
      %get3A_984 = vector.shape_cast %get3A_983 : vector<16xf32> to vector<16xf32>
      %add3A_985 = arith.addf %get3A_978, %get3A_984 : vector<16xf32>
      %swap3A_986 = arith.constant 0 : i32
      %swap3A_987 = tpu.memref_slice %arg9[%add3A_972, %swap3A_986] : memref<512x64xf32, #tpu.memory_space<vmem>> -> memref<1x64xf32, #tpu.memory_space<vmem>>
      %swap3A_988 = tpu.memref_squeeze %swap3A_987 : memref<1x64xf32, #tpu.memory_space<vmem>> -> memref<64xf32, #tpu.memory_space<vmem>>
      %swap3A_989 = arith.constant 0 : index
      %swap3A_990 = tpu.vector_load %swap3A_988[%swap3A_989] {strides = array<i32>} : memref<64xf32, #tpu.memory_space<vmem>>, vector<16xf32>,
      %swap3A_991 = vector.shape_cast %swap3A_990 : vector<16xf32> to vector<16xf32>
      %swap3A_992 = vector.shape_cast %add3A_985 : vector<16xf32> to vector<16xf32>
      tpu.vector_store %swap3A_988[%swap3A_989], %swap3A_992 {strides = array<i32>} : memref<64xf32, #tpu.memory_space<vmem>>, vector<16xf32>,
      %get3A_993 = arith.constant 0 : i32
      %get3A_994 = tpu.memref_slice %arg9[%add3A_972, %get3A_993] : memref<512x64xf32, #tpu.memory_space<vmem>> -> memref<1x64xf32, #tpu.memory_space<vmem>>
      %get3A_995 = tpu.memref_squeeze %get3A_994 : memref<1x64xf32, #tpu.memory_space<vmem>> -> memref<64xf32, #tpu.memory_space<vmem>>
      %get3A_996 = arith.constant 16 : index
      %get3A_997 = tpu.vector_load %get3A_995[%get3A_996] {strides = array<i32>} : memref<64xf32, #tpu.memory_space<vmem>>, vector<16xf32>,
      %get3A_998 = vector.shape_cast %get3A_997 : vector<16xf32> to vector<16xf32>
      %get3A_999 = arith.constant 0 : i32
      %get3A_1000 = tpu.memref_slice %arg10[%squeeze3A_968, %get3A_999] : memref<50x64xf32, #tpu.memory_space<vmem>> -> memref<1x64xf32, #tpu.memory_space<vmem>>
      %get3A_1001 = tpu.memref_squeeze %get3A_1000 : memref<1x64xf32, #tpu.memory_space<vmem>> -> memref<64xf32, #tpu.memory_space<vmem>>
      %get3A_1002 = arith.constant 16 : index
      %get3A_1003 = tpu.vector_load %get3A_1001[%get3A_1002] {strides = array<i32>} : memref<64xf32, #tpu.memory_space<vmem>>, vector<16xf32>,
      %get3A_1004 = vector.shape_cast %get3A_1003 : vector<16xf32> to vector<16xf32>
      %add3A_1005 = arith.addf %get3A_998, %get3A_1004 : vector<16xf32>
      %swap3A_1006 = arith.constant 0 : i32
      %swap3A_1007 = tpu.memref_slice %arg9[%add3A_972, %swap3A_1006] : memref<512x64xf32, #tpu.memory_space<vmem>> -> memref<1x64xf32, #tpu.memory_space<vmem>>
      %swap3A_1008 = tpu.memref_squeeze %swap3A_1007 : memref<1x64xf32, #tpu.memory_space<vmem>> -> memref<64xf32, #tpu.memory_space<vmem>>
      %swap3A_1009 = arith.constant 16 : index
      %swap3A_1010 = tpu.vector_load %swap3A_1008[%swap3A_1009] {strides = array<i32>} : memref<64xf32, #tpu.memory_space<vmem>>, vector<16xf32>,
      %swap3A_1011 = vector.shape_cast %swap3A_1010 : vector<16xf32> to vector<16xf32>
      %swap3A_1012 = vector.shape_cast %add3A_1005 : vector<16xf32> to vector<16xf32>
      tpu.vector_store %swap3A_1008[%swap3A_1009], %swap3A_1012 {strides = array<i32>} : memref<64xf32, #tpu.memory_space<vmem>>, vector<16xf32>,
      %get3A_1013 = arith.constant 0 : i32
      %get3A_1014 = tpu.memref_slice %arg9[%add3A_972, %get3A_1013] : memref<512x64xf32, #tpu.memory_space<vmem>> -> memref<1x64xf32, #tpu.memory_space<vmem>>
      %get3A_1015 = tpu.memref_squeeze %get3A_1014 : memref<1x64xf32, #tpu.memory_space<vmem>> -> memref<64xf32, #tpu.memory_space<vmem>>
      %get3A_1016 = arith.constant 32 : index
      %get3A_1017 = tpu.vector_load %get3A_1015[%get3A_1016] {strides = array<i32>} : memref<64xf32, #tpu.memory_space<vmem>>, vector<16xf32>,
      %get3A_1018 = vector.shape_cast %get3A_1017 : vector<16xf32> to vector<16xf32>
      %get3A_1019 = arith.constant 0 : i32
      %get3A_1020 = tpu.memref_slice %arg10[%squeeze3A_968, %get3A_1019] : memref<50x64xf32, #tpu.memory_space<vmem>> -> memref<1x64xf32, #tpu.memory_space<vmem>>
      %get3A_1021 = tpu.memref_squeeze %get3A_1020 : memref<1x64xf32, #tpu.memory_space<vmem>> -> memref<64xf32, #tpu.memory_space<vmem>>
      %get3A_1022 = arith.constant 32 : index
      %get3A_1023 = tpu.vector_load %get3A_1021[%get3A_1022] {strides = array<i32>} : memref<64xf32, #tpu.memory_space<vmem>>, vector<16xf32>,
      %get3A_1024 = vector.shape_cast %get3A_1023 : vector<16xf32> to vector<16xf32>
      %add3A_1025 = arith.addf %get3A_1018, %get3A_1024 : vector<16xf32>
      %swap3A_1026 = arith.constant 0 : i32
      %swap3A_1027 = tpu.memref_slice %arg9[%add3A_972, %swap3A_1026] : memref<512x64xf32, #tpu.memory_space<vmem>> -> memref<1x64xf32, #tpu.memory_space<vmem>>
      %swap3A_1028 = tpu.memref_squeeze %swap3A_1027 : memref<1x64xf32, #tpu.memory_space<vmem>> -> memref<64xf32, #tpu.memory_space<vmem>>
      %swap3A_1029 = arith.constant 32 : index
      %swap3A_1030 = tpu.vector_load %swap3A_1028[%swap3A_1029] {strides = array<i32>} : memref<64xf32, #tpu.memory_space<vmem>>, vector<16xf32>,
      %swap3A_1031 = vector.shape_cast %swap3A_1030 : vector<16xf32> to vector<16xf32>
      %swap3A_1032 = vector.shape_cast %add3A_1025 : vector<16xf32> to vector<16xf32>
      tpu.vector_store %swap3A_1028[%swap3A_1029], %swap3A_1032 {strides = array<i32>} : memref<64xf32, #tpu.memory_space<vmem>>, vector<16xf32>,
      %get3A_1033 = arith.constant 0 : i32
      %get3A_1034 = tpu.memref_slice %arg9[%add3A_972, %get3A_1033] : memref<512x64xf32, #tpu.memory_space<vmem>> -> memref<1x64xf32, #tpu.memory_space<vmem>>
      %get3A_1035 = tpu.memref_squeeze %get3A_1034 : memref<1x64xf32, #tpu.memory_space<vmem>> -> memref<64xf32, #tpu.memory_space<vmem>>
      %get3A_1036 = arith.constant 48 : index
      %get3A_1037 = tpu.vector_load %get3A_1035[%get3A_1036] {strides = array<i32>} : memref<64xf32, #tpu.memory_space<vmem>>, vector<16xf32>,
      %get3A_1038 = vector.shape_cast %get3A_1037 : vector<16xf32> to vector<16xf32>
      %get3A_1039 = arith.constant 0 : i32
      %get3A_1040 = tpu.memref_slice %arg10[%squeeze3A_968, %get3A_1039] : memref<50x64xf32, #tpu.memory_space<vmem>> -> memref<1x64xf32, #tpu.memory_space<vmem>>
      %get3A_1041 = tpu.memref_squeeze %get3A_1040 : memref<1x64xf32, #tpu.memory_space<vmem>> -> memref<64xf32, #tpu.memory_space<vmem>>
      %get3A_1042 = arith.constant 48 : index
      %get3A_1043 = tpu.vector_load %get3A_1041[%get3A_1042] {strides = array<i32>} : memref<64xf32, #tpu.memory_space<vmem>>, vector<16xf32>,
      %get3A_1044 = vector.shape_cast %get3A_1043 : vector<16xf32> to vector<16xf32>
      %add3A_1045 = arith.addf %get3A_1038, %get3A_1044 : vector<16xf32>
      %swap3A_1046 = arith.constant 0 : i32
      %swap3A_1047 = tpu.memref_slice %arg9[%add3A_972, %swap3A_1046] : memref<512x64xf32, #tpu.memory_space<vmem>> -> memref<1x64xf32, #tpu.memory_space<vmem>>
      %swap3A_1048 = tpu.memref_squeeze %swap3A_1047 : memref<1x64xf32, #tpu.memory_space<vmem>> -> memref<64xf32, #tpu.memory_space<vmem>>
      %swap3A_1049 = arith.constant 48 : index
      %swap3A_1050 = tpu.vector_load %swap3A_1048[%swap3A_1049] {strides = array<i32>} : memref<64xf32, #tpu.memory_space<vmem>>, vector<16xf32>,
      %swap3A_1051 = vector.shape_cast %swap3A_1050 : vector<16xf32> to vector<16xf32>
      %swap3A_1052 = vector.shape_cast %add3A_1045 : vector<16xf32> to vector<16xf32>
      tpu.vector_store %swap3A_1048[%swap3A_1049], %swap3A_1052 {strides = array<i32>} : memref<64xf32, #tpu.memory_space<vmem>>, vector<16xf32>,
      %slice3A_1053 = vector.extract_strided_slice %get3A_23 {offsets = [12], sizes = [1], strides = [1]} : vector<16xi32> to vector<1xi32>
      %squeeze3A_1054 = vector.extract %slice3A_1053[0] : i32 from vector<1xi32>
      %mul3A_1055 = arith.constant 16 : i32
      %mul3A_1056 = arith.muli %scan3A_19, %mul3A_1055 : i32
      %add3A_1057 = arith.constant 12 : i32
      %add3A_1058 = arith.addi %mul3A_1056, %add3A_1057 : i32
      %get3A_1059 = arith.constant 0 : i32
      %get3A_1060 = tpu.memref_slice %arg9[%add3A_1058, %get3A_1059] : memref<512x64xf32, #tpu.memory_space<vmem>> -> memref<1x64xf32, #tpu.memory_space<vmem>>
      %get3A_1061 = tpu.memref_squeeze %get3A_1060 : memref<1x64xf32, #tpu.memory_space<vmem>> -> memref<64xf32, #tpu.memory_space<vmem>>
      %get3A_1062 = arith.constant 0 : index
      %get3A_1063 = tpu.vector_load %get3A_1061[%get3A_1062] {strides = array<i32>} : memref<64xf32, #tpu.memory_space<vmem>>, vector<16xf32>,
      %get3A_1064 = vector.shape_cast %get3A_1063 : vector<16xf32> to vector<16xf32>
      %get3A_1065 = arith.constant 0 : i32
      %get3A_1066 = tpu.memref_slice %arg10[%squeeze3A_1054, %get3A_1065] : memref<50x64xf32, #tpu.memory_space<vmem>> -> memref<1x64xf32, #tpu.memory_space<vmem>>
      %get3A_1067 = tpu.memref_squeeze %get3A_1066 : memref<1x64xf32, #tpu.memory_space<vmem>> -> memref<64xf32, #tpu.memory_space<vmem>>
      %get3A_1068 = arith.constant 0 : index
      %get3A_1069 = tpu.vector_load %get3A_1067[%get3A_1068] {strides = array<i32>} : memref<64xf32, #tpu.memory_space<vmem>>, vector<16xf32>,
      %get3A_1070 = vector.shape_cast %get3A_1069 : vector<16xf32> to vector<16xf32>
      %add3A_1071 = arith.addf %get3A_1064, %get3A_1070 : vector<16xf32>
      %swap3A_1072 = arith.constant 0 : i32
      %swap3A_1073 = tpu.memref_slice %arg9[%add3A_1058, %swap3A_1072] : memref<512x64xf32, #tpu.memory_space<vmem>> -> memref<1x64xf32, #tpu.memory_space<vmem>>
      %swap3A_1074 = tpu.memref_squeeze %swap3A_1073 : memref<1x64xf32, #tpu.memory_space<vmem>> -> memref<64xf32, #tpu.memory_space<vmem>>
      %swap3A_1075 = arith.constant 0 : index
      %swap3A_1076 = tpu.vector_load %swap3A_1074[%swap3A_1075] {strides = array<i32>} : memref<64xf32, #tpu.memory_space<vmem>>, vector<16xf32>,
      %swap3A_1077 = vector.shape_cast %swap3A_1076 : vector<16xf32> to vector<16xf32>
      %swap3A_1078 = vector.shape_cast %add3A_1071 : vector<16xf32> to vector<16xf32>
      tpu.vector_store %swap3A_1074[%swap3A_1075], %swap3A_1078 {strides = array<i32>} : memref<64xf32, #tpu.memory_space<vmem>>, vector<16xf32>,
      %get3A_1079 = arith.constant 0 : i32
      %get3A_1080 = tpu.memref_slice %arg9[%add3A_1058, %get3A_1079] : memref<512x64xf32, #tpu.memory_space<vmem>> -> memref<1x64xf32, #tpu.memory_space<vmem>>
      %get3A_1081 = tpu.memref_squeeze %get3A_1080 : memref<1x64xf32, #tpu.memory_space<vmem>> -> memref<64xf32, #tpu.memory_space<vmem>>
      %get3A_1082 = arith.constant 16 : index
      %get3A_1083 = tpu.vector_load %get3A_1081[%get3A_1082] {strides = array<i32>} : memref<64xf32, #tpu.memory_space<vmem>>, vector<16xf32>,
      %get3A_1084 = vector.shape_cast %get3A_1083 : vector<16xf32> to vector<16xf32>
      %get3A_1085 = arith.constant 0 : i32
      %get3A_1086 = tpu.memref_slice %arg10[%squeeze3A_1054, %get3A_1085] : memref<50x64xf32, #tpu.memory_space<vmem>> -> memref<1x64xf32, #tpu.memory_space<vmem>>
      %get3A_1087 = tpu.memref_squeeze %get3A_1086 : memref<1x64xf32, #tpu.memory_space<vmem>> -> memref<64xf32, #tpu.memory_space<vmem>>
      %get3A_1088 = arith.constant 16 : index
      %get3A_1089 = tpu.vector_load %get3A_1087[%get3A_1088] {strides = array<i32>} : memref<64xf32, #tpu.memory_space<vmem>>, vector<16xf32>,
      %get3A_1090 = vector.shape_cast %get3A_1089 : vector<16xf32> to vector<16xf32>
      %add3A_1091 = arith.addf %get3A_1084, %get3A_1090 : vector<16xf32>
      %swap3A_1092 = arith.constant 0 : i32
      %swap3A_1093 = tpu.memref_slice %arg9[%add3A_1058, %swap3A_1092] : memref<512x64xf32, #tpu.memory_space<vmem>> -> memref<1x64xf32, #tpu.memory_space<vmem>>
      %swap3A_1094 = tpu.memref_squeeze %swap3A_1093 : memref<1x64xf32, #tpu.memory_space<vmem>> -> memref<64xf32, #tpu.memory_space<vmem>>
      %swap3A_1095 = arith.constant 16 : index
      %swap3A_1096 = tpu.vector_load %swap3A_1094[%swap3A_1095] {strides = array<i32>} : memref<64xf32, #tpu.memory_space<vmem>>, vector<16xf32>,
      %swap3A_1097 = vector.shape_cast %swap3A_1096 : vector<16xf32> to vector<16xf32>
      %swap3A_1098 = vector.shape_cast %add3A_1091 : vector<16xf32> to vector<16xf32>
      tpu.vector_store %swap3A_1094[%swap3A_1095], %swap3A_1098 {strides = array<i32>} : memref<64xf32, #tpu.memory_space<vmem>>, vector<16xf32>,
      %get3A_1099 = arith.constant 0 : i32
      %get3A_1100 = tpu.memref_slice %arg9[%add3A_1058, %get3A_1099] : memref<512x64xf32, #tpu.memory_space<vmem>> -> memref<1x64xf32, #tpu.memory_space<vmem>>
      %get3A_1101 = tpu.memref_squeeze %get3A_1100 : memref<1x64xf32, #tpu.memory_space<vmem>> -> memref<64xf32, #tpu.memory_space<vmem>>
      %get3A_1102 = arith.constant 32 : index
      %get3A_1103 = tpu.vector_load %get3A_1101[%get3A_1102] {strides = array<i32>} : memref<64xf32, #tpu.memory_space<vmem>>, vector<16xf32>,
      %get3A_1104 = vector.shape_cast %get3A_1103 : vector<16xf32> to vector<16xf32>
      %get3A_1105 = arith.constant 0 : i32
      %get3A_1106 = tpu.memref_slice %arg10[%squeeze3A_1054, %get3A_1105] : memref<50x64xf32, #tpu.memory_space<vmem>> -> memref<1x64xf32, #tpu.memory_space<vmem>>
      %get3A_1107 = tpu.memref_squeeze %get3A_1106 : memref<1x64xf32, #tpu.memory_space<vmem>> -> memref<64xf32, #tpu.memory_space<vmem>>
      %get3A_1108 = arith.constant 32 : index
      %get3A_1109 = tpu.vector_load %get3A_1107[%get3A_1108] {strides = array<i32>} : memref<64xf32, #tpu.memory_space<vmem>>, vector<16xf32>,
      %get3A_1110 = vector.shape_cast %get3A_1109 : vector<16xf32> to vector<16xf32>
      %add3A_1111 = arith.addf %get3A_1104, %get3A_1110 : vector<16xf32>
      %swap3A_1112 = arith.constant 0 : i32
      %swap3A_1113 = tpu.memref_slice %arg9[%add3A_1058, %swap3A_1112] : memref<512x64xf32, #tpu.memory_space<vmem>> -> memref<1x64xf32, #tpu.memory_space<vmem>>
      %swap3A_1114 = tpu.memref_squeeze %swap3A_1113 : memref<1x64xf32, #tpu.memory_space<vmem>> -> memref<64xf32, #tpu.memory_space<vmem>>
      %swap3A_1115 = arith.constant 32 : index
      %swap3A_1116 = tpu.vector_load %swap3A_1114[%swap3A_1115] {strides = array<i32>} : memref<64xf32, #tpu.memory_space<vmem>>, vector<16xf32>,
      %swap3A_1117 = vector.shape_cast %swap3A_1116 : vector<16xf32> to vector<16xf32>
      %swap3A_1118 = vector.shape_cast %add3A_1111 : vector<16xf32> to vector<16xf32>
      tpu.vector_store %swap3A_1114[%swap3A_1115], %swap3A_1118 {strides = array<i32>} : memref<64xf32, #tpu.memory_space<vmem>>, vector<16xf32>,
      %get3A_1119 = arith.constant 0 : i32
      %get3A_1120 = tpu.memref_slice %arg9[%add3A_1058, %get3A_1119] : memref<512x64xf32, #tpu.memory_space<vmem>> -> memref<1x64xf32, #tpu.memory_space<vmem>>
      %get3A_1121 = tpu.memref_squeeze %get3A_1120 : memref<1x64xf32, #tpu.memory_space<vmem>> -> memref<64xf32, #tpu.memory_space<vmem>>
      %get3A_1122 = arith.constant 48 : index
      %get3A_1123 = tpu.vector_load %get3A_1121[%get3A_1122] {strides = array<i32>} : memref<64xf32, #tpu.memory_space<vmem>>, vector<16xf32>,
      %get3A_1124 = vector.shape_cast %get3A_1123 : vector<16xf32> to vector<16xf32>
      %get3A_1125 = arith.constant 0 : i32
      %get3A_1126 = tpu.memref_slice %arg10[%squeeze3A_1054, %get3A_1125] : memref<50x64xf32, #tpu.memory_space<vmem>> -> memref<1x64xf32, #tpu.memory_space<vmem>>
      %get3A_1127 = tpu.memref_squeeze %get3A_1126 : memref<1x64xf32, #tpu.memory_space<vmem>> -> memref<64xf32, #tpu.memory_space<vmem>>
      %get3A_1128 = arith.constant 48 : index
      %get3A_1129 = tpu.vector_load %get3A_1127[%get3A_1128] {strides = array<i32>} : memref<64xf32, #tpu.memory_space<vmem>>, vector<16xf32>,
      %get3A_1130 = vector.shape_cast %get3A_1129 : vector<16xf32> to vector<16xf32>
      %add3A_1131 = arith.addf %get3A_1124, %get3A_1130 : vector<16xf32>
      %swap3A_1132 = arith.constant 0 : i32
      %swap3A_1133 = tpu.memref_slice %arg9[%add3A_1058, %swap3A_1132] : memref<512x64xf32, #tpu.memory_space<vmem>> -> memref<1x64xf32, #tpu.memory_space<vmem>>
      %swap3A_1134 = tpu.memref_squeeze %swap3A_1133 : memref<1x64xf32, #tpu.memory_space<vmem>> -> memref<64xf32, #tpu.memory_space<vmem>>
      %swap3A_1135 = arith.constant 48 : index
      %swap3A_1136 = tpu.vector_load %swap3A_1134[%swap3A_1135] {strides = array<i32>} : memref<64xf32, #tpu.memory_space<vmem>>, vector<16xf32>,
      %swap3A_1137 = vector.shape_cast %swap3A_1136 : vector<16xf32> to vector<16xf32>
      %swap3A_1138 = vector.shape_cast %add3A_1131 : vector<16xf32> to vector<16xf32>
      tpu.vector_store %swap3A_1134[%swap3A_1135], %swap3A_1138 {strides = array<i32>} : memref<64xf32, #tpu.memory_space<vmem>>, vector<16xf32>,
      %slice3A_1139 = vector.extract_strided_slice %get3A_23 {offsets = [13], sizes = [1], strides = [1]} : vector<16xi32> to vector<1xi32>
      %squeeze3A_1140 = vector.extract %slice3A_1139[0] : i32 from vector<1xi32>
      %mul3A_1141 = arith.constant 16 : i32
      %mul3A_1142 = arith.muli %scan3A_19, %mul3A_1141 : i32
      %add3A_1143 = arith.constant 13 : i32
      %add3A_1144 = arith.addi %mul3A_1142, %add3A_1143 : i32
      %get3A_1145 = arith.constant 0 : i32
      %get3A_1146 = tpu.memref_slice %arg9[%add3A_1144, %get3A_1145] : memref<512x64xf32, #tpu.memory_space<vmem>> -> memref<1x64xf32, #tpu.memory_space<vmem>>
      %get3A_1147 = tpu.memref_squeeze %get3A_1146 : memref<1x64xf32, #tpu.memory_space<vmem>> -> memref<64xf32, #tpu.memory_space<vmem>>
      %get3A_1148 = arith.constant 0 : index
      %get3A_1149 = tpu.vector_load %get3A_1147[%get3A_1148] {strides = array<i32>} : memref<64xf32, #tpu.memory_space<vmem>>, vector<16xf32>,
      %get3A_1150 = vector.shape_cast %get3A_1149 : vector<16xf32> to vector<16xf32>
      %get3A_1151 = arith.constant 0 : i32
      %get3A_1152 = tpu.memref_slice %arg10[%squeeze3A_1140, %get3A_1151] : memref<50x64xf32, #tpu.memory_space<vmem>> -> memref<1x64xf32, #tpu.memory_space<vmem>>
      %get3A_1153 = tpu.memref_squeeze %get3A_1152 : memref<1x64xf32, #tpu.memory_space<vmem>> -> memref<64xf32, #tpu.memory_space<vmem>>
      %get3A_1154 = arith.constant 0 : index
      %get3A_1155 = tpu.vector_load %get3A_1153[%get3A_1154] {strides = array<i32>} : memref<64xf32, #tpu.memory_space<vmem>>, vector<16xf32>,
      %get3A_1156 = vector.shape_cast %get3A_1155 : vector<16xf32> to vector<16xf32>
      %add3A_1157 = arith.addf %get3A_1150, %get3A_1156 : vector<16xf32>
      %swap3A_1158 = arith.constant 0 : i32
      %swap3A_1159 = tpu.memref_slice %arg9[%add3A_1144, %swap3A_1158] : memref<512x64xf32, #tpu.memory_space<vmem>> -> memref<1x64xf32, #tpu.memory_space<vmem>>
      %swap3A_1160 = tpu.memref_squeeze %swap3A_1159 : memref<1x64xf32, #tpu.memory_space<vmem>> -> memref<64xf32, #tpu.memory_space<vmem>>
      %swap3A_1161 = arith.constant 0 : index
      %swap3A_1162 = tpu.vector_load %swap3A_1160[%swap3A_1161] {strides = array<i32>} : memref<64xf32, #tpu.memory_space<vmem>>, vector<16xf32>,
      %swap3A_1163 = vector.shape_cast %swap3A_1162 : vector<16xf32> to vector<16xf32>
      %swap3A_1164 = vector.shape_cast %add3A_1157 : vector<16xf32> to vector<16xf32>
      tpu.vector_store %swap3A_1160[%swap3A_1161], %swap3A_1164 {strides = array<i32>} : memref<64xf32, #tpu.memory_space<vmem>>, vector<16xf32>,
      %get3A_1165 = arith.constant 0 : i32
      %get3A_1166 = tpu.memref_slice %arg9[%add3A_1144, %get3A_1165] : memref<512x64xf32, #tpu.memory_space<vmem>> -> memref<1x64xf32, #tpu.memory_space<vmem>>
      %get3A_1167 = tpu.memref_squeeze %get3A_1166 : memref<1x64xf32, #tpu.memory_space<vmem>> -> memref<64xf32, #tpu.memory_space<vmem>>
      %get3A_1168 = arith.constant 16 : index
      %get3A_1169 = tpu.vector_load %get3A_1167[%get3A_1168] {strides = array<i32>} : memref<64xf32, #tpu.memory_space<vmem>>, vector<16xf32>,
      %get3A_1170 = vector.shape_cast %get3A_1169 : vector<16xf32> to vector<16xf32>
      %get3A_1171 = arith.constant 0 : i32
      %get3A_1172 = tpu.memref_slice %arg10[%squeeze3A_1140, %get3A_1171] : memref<50x64xf32, #tpu.memory_space<vmem>> -> memref<1x64xf32, #tpu.memory_space<vmem>>
      %get3A_1173 = tpu.memref_squeeze %get3A_1172 : memref<1x64xf32, #tpu.memory_space<vmem>> -> memref<64xf32, #tpu.memory_space<vmem>>
      %get3A_1174 = arith.constant 16 : index
      %get3A_1175 = tpu.vector_load %get3A_1173[%get3A_1174] {strides = array<i32>} : memref<64xf32, #tpu.memory_space<vmem>>, vector<16xf32>,
      %get3A_1176 = vector.shape_cast %get3A_1175 : vector<16xf32> to vector<16xf32>
      %add3A_1177 = arith.addf %get3A_1170, %get3A_1176 : vector<16xf32>
      %swap3A_1178 = arith.constant 0 : i32
      %swap3A_1179 = tpu.memref_slice %arg9[%add3A_1144, %swap3A_1178] : memref<512x64xf32, #tpu.memory_space<vmem>> -> memref<1x64xf32, #tpu.memory_space<vmem>>
      %swap3A_1180 = tpu.memref_squeeze %swap3A_1179 : memref<1x64xf32, #tpu.memory_space<vmem>> -> memref<64xf32, #tpu.memory_space<vmem>>
      %swap3A_1181 = arith.constant 16 : index
      %swap3A_1182 = tpu.vector_load %swap3A_1180[%swap3A_1181] {strides = array<i32>} : memref<64xf32, #tpu.memory_space<vmem>>, vector<16xf32>,
      %swap3A_1183 = vector.shape_cast %swap3A_1182 : vector<16xf32> to vector<16xf32>
      %swap3A_1184 = vector.shape_cast %add3A_1177 : vector<16xf32> to vector<16xf32>
      tpu.vector_store %swap3A_1180[%swap3A_1181], %swap3A_1184 {strides = array<i32>} : memref<64xf32, #tpu.memory_space<vmem>>, vector<16xf32>,
      %get3A_1185 = arith.constant 0 : i32
      %get3A_1186 = tpu.memref_slice %arg9[%add3A_1144, %get3A_1185] : memref<512x64xf32, #tpu.memory_space<vmem>> -> memref<1x64xf32, #tpu.memory_space<vmem>>
      %get3A_1187 = tpu.memref_squeeze %get3A_1186 : memref<1x64xf32, #tpu.memory_space<vmem>> -> memref<64xf32, #tpu.memory_space<vmem>>
      %get3A_1188 = arith.constant 32 : index
      %get3A_1189 = tpu.vector_load %get3A_1187[%get3A_1188] {strides = array<i32>} : memref<64xf32, #tpu.memory_space<vmem>>, vector<16xf32>,
      %get3A_1190 = vector.shape_cast %get3A_1189 : vector<16xf32> to vector<16xf32>
      %get3A_1191 = arith.constant 0 : i32
      %get3A_1192 = tpu.memref_slice %arg10[%squeeze3A_1140, %get3A_1191] : memref<50x64xf32, #tpu.memory_space<vmem>> -> memref<1x64xf32, #tpu.memory_space<vmem>>
      %get3A_1193 = tpu.memref_squeeze %get3A_1192 : memref<1x64xf32, #tpu.memory_space<vmem>> -> memref<64xf32, #tpu.memory_space<vmem>>
      %get3A_1194 = arith.constant 32 : index
      %get3A_1195 = tpu.vector_load %get3A_1193[%get3A_1194] {strides = array<i32>} : memref<64xf32, #tpu.memory_space<vmem>>, vector<16xf32>,
      %get3A_1196 = vector.shape_cast %get3A_1195 : vector<16xf32> to vector<16xf32>
      %add3A_1197 = arith.addf %get3A_1190, %get3A_1196 : vector<16xf32>
      %swap3A_1198 = arith.constant 0 : i32
      %swap3A_1199 = tpu.memref_slice %arg9[%add3A_1144, %swap3A_1198] : memref<512x64xf32, #tpu.memory_space<vmem>> -> memref<1x64xf32, #tpu.memory_space<vmem>>
      %swap3A_1200 = tpu.memref_squeeze %swap3A_1199 : memref<1x64xf32, #tpu.memory_space<vmem>> -> memref<64xf32, #tpu.memory_space<vmem>>
      %swap3A_1201 = arith.constant 32 : index
      %swap3A_1202 = tpu.vector_load %swap3A_1200[%swap3A_1201] {strides = array<i32>} : memref<64xf32, #tpu.memory_space<vmem>>, vector<16xf32>,
      %swap3A_1203 = vector.shape_cast %swap3A_1202 : vector<16xf32> to vector<16xf32>
      %swap3A_1204 = vector.shape_cast %add3A_1197 : vector<16xf32> to vector<16xf32>
      tpu.vector_store %swap3A_1200[%swap3A_1201], %swap3A_1204 {strides = array<i32>} : memref<64xf32, #tpu.memory_space<vmem>>, vector<16xf32>,
      %get3A_1205 = arith.constant 0 : i32
      %get3A_1206 = tpu.memref_slice %arg9[%add3A_1144, %get3A_1205] : memref<512x64xf32, #tpu.memory_space<vmem>> -> memref<1x64xf32, #tpu.memory_space<vmem>>
      %get3A_1207 = tpu.memref_squeeze %get3A_1206 : memref<1x64xf32, #tpu.memory_space<vmem>> -> memref<64xf32, #tpu.memory_space<vmem>>
      %get3A_1208 = arith.constant 48 : index
      %get3A_1209 = tpu.vector_load %get3A_1207[%get3A_1208] {strides = array<i32>} : memref<64xf32, #tpu.memory_space<vmem>>, vector<16xf32>,
      %get3A_1210 = vector.shape_cast %get3A_1209 : vector<16xf32> to vector<16xf32>
      %get3A_1211 = arith.constant 0 : i32
      %get3A_1212 = tpu.memref_slice %arg10[%squeeze3A_1140, %get3A_1211] : memref<50x64xf32, #tpu.memory_space<vmem>> -> memref<1x64xf32, #tpu.memory_space<vmem>>
      %get3A_1213 = tpu.memref_squeeze %get3A_1212 : memref<1x64xf32, #tpu.memory_space<vmem>> -> memref<64xf32, #tpu.memory_space<vmem>>
      %get3A_1214 = arith.constant 48 : index
      %get3A_1215 = tpu.vector_load %get3A_1213[%get3A_1214] {strides = array<i32>} : memref<64xf32, #tpu.memory_space<vmem>>, vector<16xf32>,
      %get3A_1216 = vector.shape_cast %get3A_1215 : vector<16xf32> to vector<16xf32>
      %add3A_1217 = arith.addf %get3A_1210, %get3A_1216 : vector<16xf32>
      %swap3A_1218 = arith.constant 0 : i32
      %swap3A_1219 = tpu.memref_slice %arg9[%add3A_1144, %swap3A_1218] : memref<512x64xf32, #tpu.memory_space<vmem>> -> memref<1x64xf32, #tpu.memory_space<vmem>>
      %swap3A_1220 = tpu.memref_squeeze %swap3A_1219 : memref<1x64xf32, #tpu.memory_space<vmem>> -> memref<64xf32, #tpu.memory_space<vmem>>
      %swap3A_1221 = arith.constant 48 : index
      %swap3A_1222 = tpu.vector_load %swap3A_1220[%swap3A_1221] {strides = array<i32>} : memref<64xf32, #tpu.memory_space<vmem>>, vector<16xf32>,
      %swap3A_1223 = vector.shape_cast %swap3A_1222 : vector<16xf32> to vector<16xf32>
      %swap3A_1224 = vector.shape_cast %add3A_1217 : vector<16xf32> to vector<16xf32>
      tpu.vector_store %swap3A_1220[%swap3A_1221], %swap3A_1224 {strides = array<i32>} : memref<64xf32, #tpu.memory_space<vmem>>, vector<16xf32>,
      %slice3A_1225 = vector.extract_strided_slice %get3A_23 {offsets = [14], sizes = [1], strides = [1]} : vector<16xi32> to vector<1xi32>
      %squeeze3A_1226 = vector.extract %slice3A_1225[0] : i32 from vector<1xi32>
      %mul3A_1227 = arith.constant 16 : i32
      %mul3A_1228 = arith.muli %scan3A_19, %mul3A_1227 : i32
      %add3A_1229 = arith.constant 14 : i32
      %add3A_1230 = arith.addi %mul3A_1228, %add3A_1229 : i32
      %get3A_1231 = arith.constant 0 : i32
      %get3A_1232 = tpu.memref_slice %arg9[%add3A_1230, %get3A_1231] : memref<512x64xf32, #tpu.memory_space<vmem>> -> memref<1x64xf32, #tpu.memory_space<vmem>>
      %get3A_1233 = tpu.memref_squeeze %get3A_1232 : memref<1x64xf32, #tpu.memory_space<vmem>> -> memref<64xf32, #tpu.memory_space<vmem>>
      %get3A_1234 = arith.constant 0 : index
      %get3A_1235 = tpu.vector_load %get3A_1233[%get3A_1234] {strides = array<i32>} : memref<64xf32, #tpu.memory_space<vmem>>, vector<16xf32>,
      %get3A_1236 = vector.shape_cast %get3A_1235 : vector<16xf32> to vector<16xf32>
      %get3A_1237 = arith.constant 0 : i32
      %get3A_1238 = tpu.memref_slice %arg10[%squeeze3A_1226, %get3A_1237] : memref<50x64xf32, #tpu.memory_space<vmem>> -> memref<1x64xf32, #tpu.memory_space<vmem>>
      %get3A_1239 = tpu.memref_squeeze %get3A_1238 : memref<1x64xf32, #tpu.memory_space<vmem>> -> memref<64xf32, #tpu.memory_space<vmem>>
      %get3A_1240 = arith.constant 0 : index
      %get3A_1241 = tpu.vector_load %get3A_1239[%get3A_1240] {strides = array<i32>} : memref<64xf32, #tpu.memory_space<vmem>>, vector<16xf32>,
      %get3A_1242 = vector.shape_cast %get3A_1241 : vector<16xf32> to vector<16xf32>
      %add3A_1243 = arith.addf %get3A_1236, %get3A_1242 : vector<16xf32>
      %swap3A_1244 = arith.constant 0 : i32
      %swap3A_1245 = tpu.memref_slice %arg9[%add3A_1230, %swap3A_1244] : memref<512x64xf32, #tpu.memory_space<vmem>> -> memref<1x64xf32, #tpu.memory_space<vmem>>
      %swap3A_1246 = tpu.memref_squeeze %swap3A_1245 : memref<1x64xf32, #tpu.memory_space<vmem>> -> memref<64xf32, #tpu.memory_space<vmem>>
      %swap3A_1247 = arith.constant 0 : index
      %swap3A_1248 = tpu.vector_load %swap3A_1246[%swap3A_1247] {strides = array<i32>} : memref<64xf32, #tpu.memory_space<vmem>>, vector<16xf32>,
      %swap3A_1249 = vector.shape_cast %swap3A_1248 : vector<16xf32> to vector<16xf32>
      %swap3A_1250 = vector.shape_cast %add3A_1243 : vector<16xf32> to vector<16xf32>
      tpu.vector_store %swap3A_1246[%swap3A_1247], %swap3A_1250 {strides = array<i32>} : memref<64xf32, #tpu.memory_space<vmem>>, vector<16xf32>,
      %get3A_1251 = arith.constant 0 : i32
      %get3A_1252 = tpu.memref_slice %arg9[%add3A_1230, %get3A_1251] : memref<512x64xf32, #tpu.memory_space<vmem>> -> memref<1x64xf32, #tpu.memory_space<vmem>>
      %get3A_1253 = tpu.memref_squeeze %get3A_1252 : memref<1x64xf32, #tpu.memory_space<vmem>> -> memref<64xf32, #tpu.memory_space<vmem>>
      %get3A_1254 = arith.constant 16 : index
      %get3A_1255 = tpu.vector_load %get3A_1253[%get3A_1254] {strides = array<i32>} : memref<64xf32, #tpu.memory_space<vmem>>, vector<16xf32>,
      %get3A_1256 = vector.shape_cast %get3A_1255 : vector<16xf32> to vector<16xf32>
      %get3A_1257 = arith.constant 0 : i32
      %get3A_1258 = tpu.memref_slice %arg10[%squeeze3A_1226, %get3A_1257] : memref<50x64xf32, #tpu.memory_space<vmem>> -> memref<1x64xf32, #tpu.memory_space<vmem>>
      %get3A_1259 = tpu.memref_squeeze %get3A_1258 : memref<1x64xf32, #tpu.memory_space<vmem>> -> memref<64xf32, #tpu.memory_space<vmem>>
      %get3A_1260 = arith.constant 16 : index
      %get3A_1261 = tpu.vector_load %get3A_1259[%get3A_1260] {strides = array<i32>} : memref<64xf32, #tpu.memory_space<vmem>>, vector<16xf32>,
      %get3A_1262 = vector.shape_cast %get3A_1261 : vector<16xf32> to vector<16xf32>
      %add3A_1263 = arith.addf %get3A_1256, %get3A_1262 : vector<16xf32>
      %swap3A_1264 = arith.constant 0 : i32
      %swap3A_1265 = tpu.memref_slice %arg9[%add3A_1230, %swap3A_1264] : memref<512x64xf32, #tpu.memory_space<vmem>> -> memref<1x64xf32, #tpu.memory_space<vmem>>
      %swap3A_1266 = tpu.memref_squeeze %swap3A_1265 : memref<1x64xf32, #tpu.memory_space<vmem>> -> memref<64xf32, #tpu.memory_space<vmem>>
      %swap3A_1267 = arith.constant 16 : index
      %swap3A_1268 = tpu.vector_load %swap3A_1266[%swap3A_1267] {strides = array<i32>} : memref<64xf32, #tpu.memory_space<vmem>>, vector<16xf32>,
      %swap3A_1269 = vector.shape_cast %swap3A_1268 : vector<16xf32> to vector<16xf32>
      %swap3A_1270 = vector.shape_cast %add3A_1263 : vector<16xf32> to vector<16xf32>
      tpu.vector_store %swap3A_1266[%swap3A_1267], %swap3A_1270 {strides = array<i32>} : memref<64xf32, #tpu.memory_space<vmem>>, vector<16xf32>,
      %get3A_1271 = arith.constant 0 : i32
      %get3A_1272 = tpu.memref_slice %arg9[%add3A_1230, %get3A_1271] : memref<512x64xf32, #tpu.memory_space<vmem>> -> memref<1x64xf32, #tpu.memory_space<vmem>>
      %get3A_1273 = tpu.memref_squeeze %get3A_1272 : memref<1x64xf32, #tpu.memory_space<vmem>> -> memref<64xf32, #tpu.memory_space<vmem>>
      %get3A_1274 = arith.constant 32 : index
      %get3A_1275 = tpu.vector_load %get3A_1273[%get3A_1274] {strides = array<i32>} : memref<64xf32, #tpu.memory_space<vmem>>, vector<16xf32>,
      %get3A_1276 = vector.shape_cast %get3A_1275 : vector<16xf32> to vector<16xf32>
      %get3A_1277 = arith.constant 0 : i32
      %get3A_1278 = tpu.memref_slice %arg10[%squeeze3A_1226, %get3A_1277] : memref<50x64xf32, #tpu.memory_space<vmem>> -> memref<1x64xf32, #tpu.memory_space<vmem>>
      %get3A_1279 = tpu.memref_squeeze %get3A_1278 : memref<1x64xf32, #tpu.memory_space<vmem>> -> memref<64xf32, #tpu.memory_space<vmem>>
      %get3A_1280 = arith.constant 32 : index
      %get3A_1281 = tpu.vector_load %get3A_1279[%get3A_1280] {strides = array<i32>} : memref<64xf32, #tpu.memory_space<vmem>>, vector<16xf32>,
      %get3A_1282 = vector.shape_cast %get3A_1281 : vector<16xf32> to vector<16xf32>
      %add3A_1283 = arith.addf %get3A_1276, %get3A_1282 : vector<16xf32>
      %swap3A_1284 = arith.constant 0 : i32
      %swap3A_1285 = tpu.memref_slice %arg9[%add3A_1230, %swap3A_1284] : memref<512x64xf32, #tpu.memory_space<vmem>> -> memref<1x64xf32, #tpu.memory_space<vmem>>
      %swap3A_1286 = tpu.memref_squeeze %swap3A_1285 : memref<1x64xf32, #tpu.memory_space<vmem>> -> memref<64xf32, #tpu.memory_space<vmem>>
      %swap3A_1287 = arith.constant 32 : index
      %swap3A_1288 = tpu.vector_load %swap3A_1286[%swap3A_1287] {strides = array<i32>} : memref<64xf32, #tpu.memory_space<vmem>>, vector<16xf32>,
      %swap3A_1289 = vector.shape_cast %swap3A_1288 : vector<16xf32> to vector<16xf32>
      %swap3A_1290 = vector.shape_cast %add3A_1283 : vector<16xf32> to vector<16xf32>
      tpu.vector_store %swap3A_1286[%swap3A_1287], %swap3A_1290 {strides = array<i32>} : memref<64xf32, #tpu.memory_space<vmem>>, vector<16xf32>,
      %get3A_1291 = arith.constant 0 : i32
      %get3A_1292 = tpu.memref_slice %arg9[%add3A_1230, %get3A_1291] : memref<512x64xf32, #tpu.memory_space<vmem>> -> memref<1x64xf32, #tpu.memory_space<vmem>>
      %get3A_1293 = tpu.memref_squeeze %get3A_1292 : memref<1x64xf32, #tpu.memory_space<vmem>> -> memref<64xf32, #tpu.memory_space<vmem>>
      %get3A_1294 = arith.constant 48 : index
      %get3A_1295 = tpu.vector_load %get3A_1293[%get3A_1294] {strides = array<i32>} : memref<64xf32, #tpu.memory_space<vmem>>, vector<16xf32>,
      %get3A_1296 = vector.shape_cast %get3A_1295 : vector<16xf32> to vector<16xf32>
      %get3A_1297 = arith.constant 0 : i32
      %get3A_1298 = tpu.memref_slice %arg10[%squeeze3A_1226, %get3A_1297] : memref<50x64xf32, #tpu.memory_space<vmem>> -> memref<1x64xf32, #tpu.memory_space<vmem>>
      %get3A_1299 = tpu.memref_squeeze %get3A_1298 : memref<1x64xf32, #tpu.memory_space<vmem>> -> memref<64xf32, #tpu.memory_space<vmem>>
      %get3A_1300 = arith.constant 48 : index
      %get3A_1301 = tpu.vector_load %get3A_1299[%get3A_1300] {strides = array<i32>} : memref<64xf32, #tpu.memory_space<vmem>>, vector<16xf32>,
      %get3A_1302 = vector.shape_cast %get3A_1301 : vector<16xf32> to vector<16xf32>
      %add3A_1303 = arith.addf %get3A_1296, %get3A_1302 : vector<16xf32>
      %swap3A_1304 = arith.constant 0 : i32
      %swap3A_1305 = tpu.memref_slice %arg9[%add3A_1230, %swap3A_1304] : memref<512x64xf32, #tpu.memory_space<vmem>> -> memref<1x64xf32, #tpu.memory_space<vmem>>
      %swap3A_1306 = tpu.memref_squeeze %swap3A_1305 : memref<1x64xf32, #tpu.memory_space<vmem>> -> memref<64xf32, #tpu.memory_space<vmem>>
      %swap3A_1307 = arith.constant 48 : index
      %swap3A_1308 = tpu.vector_load %swap3A_1306[%swap3A_1307] {strides = array<i32>} : memref<64xf32, #tpu.memory_space<vmem>>, vector<16xf32>,
      %swap3A_1309 = vector.shape_cast %swap3A_1308 : vector<16xf32> to vector<16xf32>
      %swap3A_1310 = vector.shape_cast %add3A_1303 : vector<16xf32> to vector<16xf32>
      tpu.vector_store %swap3A_1306[%swap3A_1307], %swap3A_1310 {strides = array<i32>} : memref<64xf32, #tpu.memory_space<vmem>>, vector<16xf32>,
      %slice3A_1311 = vector.extract_strided_slice %get3A_23 {offsets = [15], sizes = [1], strides = [1]} : vector<16xi32> to vector<1xi32>
      %squeeze3A_1312 = vector.extract %slice3A_1311[0] : i32 from vector<1xi32>
      %mul3A_1313 = arith.constant 16 : i32
      %mul3A_1314 = arith.muli %scan3A_19, %mul3A_1313 : i32
      %add3A_1315 = arith.constant 15 : i32
      %add3A_1316 = arith.addi %mul3A_1314, %add3A_1315 : i32
      %get3A_1317 = arith.constant 0 : i32
      %get3A_1318 = tpu.memref_slice %arg9[%add3A_1316, %get3A_1317] : memref<512x64xf32, #tpu.memory_space<vmem>> -> memref<1x64xf32, #tpu.memory_space<vmem>>
      %get3A_1319 = tpu.memref_squeeze %get3A_1318 : memref<1x64xf32, #tpu.memory_space<vmem>> -> memref<64xf32, #tpu.memory_space<vmem>>
      %get3A_1320 = arith.constant 0 : index
      %get3A_1321 = tpu.vector_load %get3A_1319[%get3A_1320] {strides = array<i32>} : memref<64xf32, #tpu.memory_space<vmem>>, vector<16xf32>,
      %get3A_1322 = vector.shape_cast %get3A_1321 : vector<16xf32> to vector<16xf32>
      %get3A_1323 = arith.constant 0 : i32
      %get3A_1324 = tpu.memref_slice %arg10[%squeeze3A_1312, %get3A_1323] : memref<50x64xf32, #tpu.memory_space<vmem>> -> memref<1x64xf32, #tpu.memory_space<vmem>>
      %get3A_1325 = tpu.memref_squeeze %get3A_1324 : memref<1x64xf32, #tpu.memory_space<vmem>> -> memref<64xf32, #tpu.memory_space<vmem>>
      %get3A_1326 = arith.constant 0 : index
      %get3A_1327 = tpu.vector_load %get3A_1325[%get3A_1326] {strides = array<i32>} : memref<64xf32, #tpu.memory_space<vmem>>, vector<16xf32>,
      %get3A_1328 = vector.shape_cast %get3A_1327 : vector<16xf32> to vector<16xf32>
      %add3A_1329 = arith.addf %get3A_1322, %get3A_1328 : vector<16xf32>
      %swap3A_1330 = arith.constant 0 : i32
      %swap3A_1331 = tpu.memref_slice %arg9[%add3A_1316, %swap3A_1330] : memref<512x64xf32, #tpu.memory_space<vmem>> -> memref<1x64xf32, #tpu.memory_space<vmem>>
      %swap3A_1332 = tpu.memref_squeeze %swap3A_1331 : memref<1x64xf32, #tpu.memory_space<vmem>> -> memref<64xf32, #tpu.memory_space<vmem>>
      %swap3A_1333 = arith.constant 0 : index
      %swap3A_1334 = tpu.vector_load %swap3A_1332[%swap3A_1333] {strides = array<i32>} : memref<64xf32, #tpu.memory_space<vmem>>, vector<16xf32>,
      %swap3A_1335 = vector.shape_cast %swap3A_1334 : vector<16xf32> to vector<16xf32>
      %swap3A_1336 = vector.shape_cast %add3A_1329 : vector<16xf32> to vector<16xf32>
      tpu.vector_store %swap3A_1332[%swap3A_1333], %swap3A_1336 {strides = array<i32>} : memref<64xf32, #tpu.memory_space<vmem>>, vector<16xf32>,
      %get3A_1337 = arith.constant 0 : i32
      %get3A_1338 = tpu.memref_slice %arg9[%add3A_1316, %get3A_1337] : memref<512x64xf32, #tpu.memory_space<vmem>> -> memref<1x64xf32, #tpu.memory_space<vmem>>
      %get3A_1339 = tpu.memref_squeeze %get3A_1338 : memref<1x64xf32, #tpu.memory_space<vmem>> -> memref<64xf32, #tpu.memory_space<vmem>>
      %get3A_1340 = arith.constant 16 : index
      %get3A_1341 = tpu.vector_load %get3A_1339[%get3A_1340] {strides = array<i32>} : memref<64xf32, #tpu.memory_space<vmem>>, vector<16xf32>,
      %get3A_1342 = vector.shape_cast %get3A_1341 : vector<16xf32> to vector<16xf32>
      %get3A_1343 = arith.constant 0 : i32
      %get3A_1344 = tpu.memref_slice %arg10[%squeeze3A_1312, %get3A_1343] : memref<50x64xf32, #tpu.memory_space<vmem>> -> memref<1x64xf32, #tpu.memory_space<vmem>>
      %get3A_1345 = tpu.memref_squeeze %get3A_1344 : memref<1x64xf32, #tpu.memory_space<vmem>> -> memref<64xf32, #tpu.memory_space<vmem>>
      %get3A_1346 = arith.constant 16 : index
      %get3A_1347 = tpu.vector_load %get3A_1345[%get3A_1346] {strides = array<i32>} : memref<64xf32, #tpu.memory_space<vmem>>, vector<16xf32>,
      %get3A_1348 = vector.shape_cast %get3A_1347 : vector<16xf32> to vector<16xf32>
      %add3A_1349 = arith.addf %get3A_1342, %get3A_1348 : vector<16xf32>
      %swap3A_1350 = arith.constant 0 : i32
      %swap3A_1351 = tpu.memref_slice %arg9[%add3A_1316, %swap3A_1350] : memref<512x64xf32, #tpu.memory_space<vmem>> -> memref<1x64xf32, #tpu.memory_space<vmem>>
      %swap3A_1352 = tpu.memref_squeeze %swap3A_1351 : memref<1x64xf32, #tpu.memory_space<vmem>> -> memref<64xf32, #tpu.memory_space<vmem>>
      %swap3A_1353 = arith.constant 16 : index
      %swap3A_1354 = tpu.vector_load %swap3A_1352[%swap3A_1353] {strides = array<i32>} : memref<64xf32, #tpu.memory_space<vmem>>, vector<16xf32>,
      %swap3A_1355 = vector.shape_cast %swap3A_1354 : vector<16xf32> to vector<16xf32>
      %swap3A_1356 = vector.shape_cast %add3A_1349 : vector<16xf32> to vector<16xf32>
      tpu.vector_store %swap3A_1352[%swap3A_1353], %swap3A_1356 {strides = array<i32>} : memref<64xf32, #tpu.memory_space<vmem>>, vector<16xf32>,
      %get3A_1357 = arith.constant 0 : i32
      %get3A_1358 = tpu.memref_slice %arg9[%add3A_1316, %get3A_1357] : memref<512x64xf32, #tpu.memory_space<vmem>> -> memref<1x64xf32, #tpu.memory_space<vmem>>
      %get3A_1359 = tpu.memref_squeeze %get3A_1358 : memref<1x64xf32, #tpu.memory_space<vmem>> -> memref<64xf32, #tpu.memory_space<vmem>>
      %get3A_1360 = arith.constant 32 : index
      %get3A_1361 = tpu.vector_load %get3A_1359[%get3A_1360] {strides = array<i32>} : memref<64xf32, #tpu.memory_space<vmem>>, vector<16xf32>,
      %get3A_1362 = vector.shape_cast %get3A_1361 : vector<16xf32> to vector<16xf32>
      %get3A_1363 = arith.constant 0 : i32
      %get3A_1364 = tpu.memref_slice %arg10[%squeeze3A_1312, %get3A_1363] : memref<50x64xf32, #tpu.memory_space<vmem>> -> memref<1x64xf32, #tpu.memory_space<vmem>>
      %get3A_1365 = tpu.memref_squeeze %get3A_1364 : memref<1x64xf32, #tpu.memory_space<vmem>> -> memref<64xf32, #tpu.memory_space<vmem>>
      %get3A_1366 = arith.constant 32 : index
      %get3A_1367 = tpu.vector_load %get3A_1365[%get3A_1366] {strides = array<i32>} : memref<64xf32, #tpu.memory_space<vmem>>, vector<16xf32>,
      %get3A_1368 = vector.shape_cast %get3A_1367 : vector<16xf32> to vector<16xf32>
      %add3A_1369 = arith.addf %get3A_1362, %get3A_1368 : vector<16xf32>
      %swap3A_1370 = arith.constant 0 : i32
      %swap3A_1371 = tpu.memref_slice %arg9[%add3A_1316, %swap3A_1370] : memref<512x64xf32, #tpu.memory_space<vmem>> -> memref<1x64xf32, #tpu.memory_space<vmem>>
      %swap3A_1372 = tpu.memref_squeeze %swap3A_1371 : memref<1x64xf32, #tpu.memory_space<vmem>> -> memref<64xf32, #tpu.memory_space<vmem>>
      %swap3A_1373 = arith.constant 32 : index
      %swap3A_1374 = tpu.vector_load %swap3A_1372[%swap3A_1373] {strides = array<i32>} : memref<64xf32, #tpu.memory_space<vmem>>, vector<16xf32>,
      %swap3A_1375 = vector.shape_cast %swap3A_1374 : vector<16xf32> to vector<16xf32>
      %swap3A_1376 = vector.shape_cast %add3A_1369 : vector<16xf32> to vector<16xf32>
      tpu.vector_store %swap3A_1372[%swap3A_1373], %swap3A_1376 {strides = array<i32>} : memref<64xf32, #tpu.memory_space<vmem>>, vector<16xf32>,
      %get3A_1377 = arith.constant 0 : i32
      %get3A_1378 = tpu.memref_slice %arg9[%add3A_1316, %get3A_1377] : memref<512x64xf32, #tpu.memory_space<vmem>> -> memref<1x64xf32, #tpu.memory_space<vmem>>
      %get3A_1379 = tpu.memref_squeeze %get3A_1378 : memref<1x64xf32, #tpu.memory_space<vmem>> -> memref<64xf32, #tpu.memory_space<vmem>>
      %get3A_1380 = arith.constant 48 : index
      %get3A_1381 = tpu.vector_load %get3A_1379[%get3A_1380] {strides = array<i32>} : memref<64xf32, #tpu.memory_space<vmem>>, vector<16xf32>,
      %get3A_1382 = vector.shape_cast %get3A_1381 : vector<16xf32> to vector<16xf32>
      %get3A_1383 = arith.constant 0 : i32
      %get3A_1384 = tpu.memref_slice %arg10[%squeeze3A_1312, %get3A_1383] : memref<50x64xf32, #tpu.memory_space<vmem>> -> memref<1x64xf32, #tpu.memory_space<vmem>>
      %get3A_1385 = tpu.memref_squeeze %get3A_1384 : memref<1x64xf32, #tpu.memory_space<vmem>> -> memref<64xf32, #tpu.memory_space<vmem>>
      %get3A_1386 = arith.constant 48 : index
      %get3A_1387 = tpu.vector_load %get3A_1385[%get3A_1386] {strides = array<i32>} : memref<64xf32, #tpu.memory_space<vmem>>, vector<16xf32>,
      %get3A_1388 = vector.shape_cast %get3A_1387 : vector<16xf32> to vector<16xf32>
      %add3A_1389 = arith.addf %get3A_1382, %get3A_1388 : vector<16xf32>
      %swap3A_1390 = arith.constant 0 : i32
      %swap3A_1391 = tpu.memref_slice %arg9[%add3A_1316, %swap3A_1390] : memref<512x64xf32, #tpu.memory_space<vmem>> -> memref<1x64xf32, #tpu.memory_space<vmem>>
      %swap3A_1392 = tpu.memref_squeeze %swap3A_1391 : memref<1x64xf32, #tpu.memory_space<vmem>> -> memref<64xf32, #tpu.memory_space<vmem>>
      %swap3A_1393 = arith.constant 48 : index
      %swap3A_1394 = tpu.vector_load %swap3A_1392[%swap3A_1393] {strides = array<i32>} : memref<64xf32, #tpu.memory_space<vmem>>, vector<16xf32>,
      %swap3A_1395 = vector.shape_cast %swap3A_1394 : vector<16xf32> to vector<16xf32>
      %swap3A_1396 = vector.shape_cast %add3A_1389 : vector<16xf32> to vector<16xf32>
      tpu.vector_store %swap3A_1392[%swap3A_1393], %swap3A_1396 {strides = array<i32>} : memref<64xf32, #tpu.memory_space<vmem>>, vector<16xf32>,
    }
    %scan3A_18 = arith.constant 32 : i32
    "tpu.region"() ({
      %run_scoped3A = tpu.sem_alloc : memref<!tpu.dma_semaphore, #tpu.memory_space<semaphore_mem>>
      %dma_start3A = arith.constant 0 : i32
      %dma_start3A_19 = tpu.memref_slice %arg6[%mul3A_2, %dma_start3A] : memref<16384x64xf32, #tpu.memory_space<hbm>> -> memref<512x64xf32, #tpu.memory_space<hbm>>
      %dma_start3A_20 = arith.constant 0 : i32
      %dma_start3A_21 = tpu.memref_slice %arg6[%mul3A_2, %dma_start3A_20] : memref<16384x64xf32, #tpu.memory_space<hbm>> -> memref<512x64xf32, #tpu.memory_space<hbm>>
      tpu.enqueue_dma source(%arg9 : memref<512x64xf32, #tpu.memory_space<vmem>>) target(%dma_start3A_21 : memref<512x64xf32, #tpu.memory_space<hbm>>) target_semaphore(%run_scoped3A : memref<!tpu.dma_semaphore, #tpu.memory_space<semaphore_mem>>)
      %dma_wait3A_22 = arith.constant 0 : i32
      %dma_wait3A_23 = tpu.memref_slice %arg6[%mul3A_2, %dma_wait3A_22] : memref<16384x64xf32, #tpu.memory_space<hbm>> -> memref<512x64xf32, #tpu.memory_space<hbm>>
      %dma_wait3A_24 = arith.constant 0 : i32
      %dma_wait3A_25 = tpu.memref_slice %arg6[%mul3A_2, %dma_wait3A_24] : memref<16384x64xf32, #tpu.memory_space<hbm>> -> memref<512x64xf32, #tpu.memory_space<hbm>>
      tpu.wait_dma2 semaphore(%run_scoped3A : memref<!tpu.dma_semaphore, #tpu.memory_space<semaphore_mem>>) src(%arg9 : memref<512x64xf32, #tpu.memory_space<vmem>>) dst(%dma_wait3A_25 : memref<512x64xf32, #tpu.memory_space<hbm>>)
      tpu.yield
    }) : () -> ()
    return
  }
}

module attributes {stable_mosaic.version = 14 : i64} {
  func.func @_proj_body(%arg0: i32, %arg1: memref<50x20480xf32, #tpu.memory_space<vmem>>, %arg2: memref<64x65xf32, #tpu.memory_space<vmem>>, %arg3: memref<50x15xf32, #tpu.memory_space<vmem>>, %arg4: memref<1x64xf32, #tpu.memory_space<vmem>>, %arg5: memref<20480x64xf32, #tpu.memory_space<vmem>>, %arg6: memref<50x64xf32, #tpu.memory_space<vmem>>) attributes {dimension_semantics = [#tpu.dimension_semantics<arbitrary>], iteration_bounds = array<i64: 49>, scalar_prefetch = 0 : i64, scratch_operands = 0 : i64, tpu.core_type = #tpu.core_type<tc>, window_params = [{transform_indices = @transform_0, window_bounds = array<i64: 50, 20480>}, {pipeline_mode = #tpu.pipeline_mode<synchronous>, transform_indices = @transform_1, window_bounds = array<i64: 64, 65>}, {pipeline_mode = #tpu.pipeline_mode<synchronous>, transform_indices = @transform_2, window_bounds = array<i64: 50, 15>}, {pipeline_mode = #tpu.pipeline_mode<synchronous>, transform_indices = @transform_3, window_bounds = array<i64: 1, 64>}, {transform_indices = @transform_4, window_bounds = array<i64: 20480, 64>}, {pipeline_mode = #tpu.pipeline_mode<synchronous>, transform_indices = @transform_5, window_bounds = array<i64: 50, 64>}]} {
    %get3A = arith.constant 0 : index
    %get3A_0 = arith.constant 0 : index
    %get3A_1 = vector.load %arg1[%get3A, %get3A_0] : memref<50x20480xf32, #tpu.memory_space<vmem>>, vector<50x20480xf32>
    %get3A_2 = arith.constant 0 : index
    %get3A_3 = arith.constant 0 : index
    %get3A_4 = vector.load %arg2[%get3A_2, %get3A_3] : memref<64x65xf32, #tpu.memory_space<vmem>>, vector<64x65xf32>
    %slice3A = vector.extract_strided_slice %get3A_4 {offsets = [0, 0], sizes = [64, 50], strides = [1, 1]} : vector<64x65xf32> to vector<64x50xf32>
    %convert_element_type3A = arith.truncf %get3A_1 : vector<50x20480xf32> to vector<50x20480xbf16>
    %convert_element_type3A_5 = arith.truncf %slice3A : vector<64x50xf32> to vector<64x50xbf16>
    %dot_general3A = arith.constant dense<0.000000e+00> : vector<20480x64xf32>
    %dot_general3A_6 = tpu.matmul %convert_element_type3A, %convert_element_type3A_5, %dot_general3A {dimension_numbers = #tpu.dot_dimension_numbers<[0], [1], [1], [0], [0, 1, 1, 0], [], []>, transpose_lhs_hint = false} : vector<50x20480xbf16>, vector<64x50xbf16>, vector<20480x64xf32> -> vector<20480x64xf32>
    %get3A_7 = arith.constant 0 : index
    %get3A_8 = arith.constant 0 : index
    %get3A_9 = vector.load %arg4[%get3A_7, %get3A_8] : memref<1x64xf32, #tpu.memory_space<vmem>>, vector<1x64xf32>
    %add3A = vector.broadcast %get3A_9 : vector<1x64xf32> to vector<20480x64xf32>
    %add3A_10 = arith.addf %dot_general3A_6, %add3A : vector<20480x64xf32>
    %swap3A = arith.constant 0 : index
    %swap3A_11 = arith.constant 0 : index
    %swap3A_12 = vector.load %arg5[%swap3A, %swap3A_11] : memref<20480x64xf32, #tpu.memory_space<vmem>>, vector<20480x64xf32>
    tpu.vector_store %arg5[%swap3A, %swap3A_11], %add3A_10 {strides = array<i32>} : memref<20480x64xf32, #tpu.memory_space<vmem>>, vector<20480x64xf32>,
    %eq3A = arith.constant 0 : i32
    %eq3A_13 = arith.cmpi eq, %arg0, %eq3A : i32
    %convert_element_type3A_14 = arith.extui %eq3A_13 : i1 to i32
    %cond3A = arith.constant 0 : i32
    %cond3A_15 = arith.cmpi ne, %convert_element_type3A_14, %cond3A : i32
    scf.if %cond3A_15 {
      %slice3A_16 = vector.extract_strided_slice %get3A_4 {offsets = [0, 50], sizes = [64, 15], strides = [1, 1]} : vector<64x65xf32> to vector<64x15xf32>
      %get3A_17 = arith.constant 0 : index
      %get3A_18 = arith.constant 0 : index
      %get3A_19 = vector.load %arg3[%get3A_17, %get3A_18] : memref<50x15xf32, #tpu.memory_space<vmem>>, vector<50x15xf32>
      %dot_general3A_20 = arith.constant dense<0.000000e+00> : vector<50x64xf32>
      %dot_general3A_21 = tpu.matmul %get3A_19, %slice3A_16, %dot_general3A_20 {dimension_numbers = #tpu.dot_dimension_numbers<[1], [1], [0], [0], [0, 0, 1, 0], [], []>, precision = #tpu.contract_precision<fp32>, transpose_lhs_hint = false} : vector<50x15xf32>, vector<64x15xf32>, vector<50x64xf32> -> vector<50x64xf32>
      %swap3A_22 = arith.constant 0 : index
      %swap3A_23 = arith.constant 0 : index
      %swap3A_24 = vector.load %arg6[%swap3A_22, %swap3A_23] : memref<50x64xf32, #tpu.memory_space<vmem>>, vector<50x64xf32>
      tpu.vector_store %arg6[%swap3A_22, %swap3A_23], %dot_general3A_21 {strides = array<i32>} : memref<50x64xf32, #tpu.memory_space<vmem>>, vector<50x64xf32>,
    } else {
    }
    return
  }
  func.func @transform_0(%arg0: i32) -> (i32, i32) {
    %c0_i32 = arith.constant 0 : i32
    %c0_i32_0 = arith.constant 0 : i32
    return %c0_i32, %arg0 : i32, i32
  }
  func.func @transform_1(%arg0: i32) -> (i32, i32) {
    %c0_i32 = arith.constant 0 : i32
    %c0_i32_0 = arith.constant 0 : i32
    %c0_i32_1 = arith.constant 0 : i32
    return %c0_i32, %c0_i32_0 : i32, i32
  }
  func.func @transform_2(%arg0: i32) -> (i32, i32) {
    %c0_i32 = arith.constant 0 : i32
    %c0_i32_0 = arith.constant 0 : i32
    %c0_i32_1 = arith.constant 0 : i32
    return %c0_i32, %c0_i32_0 : i32, i32
  }
  func.func @transform_3(%arg0: i32) -> (i32, i32) {
    %c0_i32 = arith.constant 0 : i32
    %c0_i32_0 = arith.constant 0 : i32
    %c0_i32_1 = arith.constant 0 : i32
    return %c0_i32, %c0_i32_0 : i32, i32
  }
  func.func @transform_4(%arg0: i32) -> (i32, i32) {
    %c0_i32 = arith.constant 0 : i32
    %c0_i32_0 = arith.constant 0 : i32
    return %arg0, %c0_i32 : i32, i32
  }
  func.func @transform_5(%arg0: i32) -> (i32, i32) {
    %c0_i32 = arith.constant 0 : i32
    %c0_i32_0 = arith.constant 0 : i32
    %c0_i32_1 = arith.constant 0 : i32
    return %c0_i32, %c0_i32_0 : i32, i32
  }
}

</mosaic_0001>

<sc_bundles>
// kernel: kernel.4.cloned.1.call-start
scs
__scs_entry_jumppad:
0x0: {  	(pc) =	sbr.rel $0x88, $3  }
0x1: {  	(tag) =	ssettag $0x0;
	lr =	simm.s32 $0x1  }
0x2: {  	[smem:$0x3F9B] =	sst lr;
	_ =	strace $0xD0000000  }
0x3: {  	_ = 	snop  }
0x4: {  	_ = 	snop  }
0x5: {  	_ = 	snop  }
0x6: {  	_ = 	snop  }
0x7: {  	_ = 	snop  }
__scs_overlays_trampoline_lowered:
0x8: {  	[smem:$0x3FAA] =	sst s0  }
0x9: {  	[smem:$0x3FAB] =	sst s1  }
0xa: {  	[smem:$0x3FAC] =	sst s2  }
0xb: {  	[smem:$0x3FAD] =	sst s3  }
0xc: {  	[smem:$0x3FAE] =	sst s4  }
0xd: {  	[smem:$0x3FAF] =	sst s5  }
0xe: {  	[smem:$0x3FB0] =	sst s6  }
0xf: {  	[smem:$0x3FB1] =	sst s7  }
0x10: {  	[smem:$0x3FB2] =	sst s8  }
0x11: {  	[smem:$0x3FB3] =	sst s9;
	s0 =	simm.s32 @!p0 $0x0  }
0x12: {  	s1 =	sld [smem:$0x3F99];
	s0 =	simm.s32 @p0 $0x1  }
0x13: {  	[smem:$0x3FB4] =	sst s0;
	s0 =	simm.s32 @!p1 $0x0  }
0x14: {  	s2 =	sld [smem:$0x3F98];
	s0 =	simm.s32 @p1 $0x1  }
0x15: {  	[smem:$0x3FB5] =	sst s0;
	s0 =	simm.s32 @!p2 $0x0  }
0x16: {  	s3 =	sld [smem:$0x3FDB];
	s0 =	simm.s32 @p2 $0x1  }
0x17: {  	s4 =	simm.s32 $0x1BF5;
	[smem:$0x3FB7] =	sst s0  }
0x18: {  	s0 =	sld [smem:$0x3F9A];
	_ =	swait.ge [sflag:s4], $0x0  }
0x19: {  	s7 =	sld [smem:$0x3F9B]  }
0x1a: {  	s8 =	sadd.s32 $0xFFFFE003, lr  }
0x1b: {  	s9 =	sadd.s32 $0xFFFFFEF7, lr;
	s5 =	simm.s32 $0xFFFFFFFF;
	p2 =	slt.u32 s8, $0xFFFFF086  }
0x1c: {  	p1 =	slt.u32 s9, $0xF7A;
	s5 =	simm.s32 @!p2 $0x0  }
0x1d: {  	s5 =	simm.s32 @p1 $0x1;
	p0 =	seq.s32 s7, s2  }
0x1e: {  	s7 =	smul.u32 @!p0 $0xF7A, s2;
	p2 =	seq.s32 @!p0 s5, $0x0  }
0x1f: {  	s9 =	smul.u32 $0xF7A, s1;
	s8 =	simm.s32 @!p0 $0x1BF5;
	p2 =	por !p2, p0  }
0x20: {  	[sflag:s8] =	ssyncset.s32 @!p0 $0xFFFFF086;
	s6 =	sadd.s32 @!p0 s3, s7;
	s7 =	simm.s32 @!p0 $0x108  }
0x21: {  	s3 =	sadd.s32 s3, s9;
	s6 =	sadd.s32 @!p0 $0x88, s6;
	s7 =	simm.s32 @p2 $0x1082  }
0x22: {  	[simem:s7], [sflag:s8] =	dma.local @!p0 [hbm:s6], $0xF7A  }
0x23: {  	s9 =	sor.u32 $0xD0000000, s2;
	s6 =	simm.s32 $0x108;
	_ =	swait.ge @!p0 [sflag:s8], $0x0  }
0x24: {  	s3 =	sadd.s32 $0x88, s3;
	s6 =	simm.s32 @!p1 $0x1082;
	[sflag:s4] =	ssyncset.s32 $0xFFFFF086  }
0x25: {  	[simem:s6], [sflag:s4] =	dma.local [hbm:s3], $0xF7A  }
0x26: {  	[smem:$0x3F9B] =	sst s1;
	(tag) =	ssettag s2;
	_ =	strace s9  }
0x27: {  	s1 =	sld [smem:$0x3FAB]  }
0x28: {  	s2 =	sld [smem:$0x3FAC]  }
0x29: {  	s4 =	sld [smem:$0x3FAE]  }
0x2a: {  	p0 =	seq.s32 s5, $0x0;
	s5 =	sld [smem:$0x3FAF]  }
0x2b: {  	s6 =	sld [smem:$0x3FB0]  }
0x2c: {  	s7 =	sld [smem:$0x3FB1]  }
0x2d: {  	s3 =	simm.s32 $0x108;
	s8 =	sld [smem:$0x3FB2]  }
0x2e: {  	s3 =	simm.s32 @!p0 $0x1082;
	s9 =	sld [smem:$0x3FB3]  }
0x2f: {  	lr =	sadd.s32 s0, s3;
	s0 =	sld [smem:$0x3FAA]  }
0x30: {  	s3 =	sld [smem:$0x3FAD]  }
0x31: {  	[smem:$0x3FB6] =	sst s10  }
0x32: {  	s10 =	sld [smem:$0x3FB4];
	_ =	sdelay $0x3  }
0x33: {  	p0 =	seq.s32 s10, $0x1;
	s10 =	sld [smem:$0x3FB6];
	_ =	sdelay $0x3  }
0x34: {  	[smem:$0x3FB6] =	sst s10  }
0x35: {  	s10 =	sld [smem:$0x3FB5];
	_ =	sdelay $0x3  }
0x36: {  	p1 =	seq.s32 s10, $0x1;
	s10 =	sld [smem:$0x3FB6];
	_ =	sdelay $0x3  }
0x37: {  	[smem:$0x3FB6] =	sst s10  }
0x38: {  	s10 =	sld [smem:$0x3FB7]  }
0x39: {  	_ = 	snop;
	(pc) =	sbr.ind lr, $3  }
0x3a: {  	_ = 	snop  }
0x3b: {  	_ = 	snop  }
0x3c: {  	p2 =	seq.s32 s10, $0x1;
	s10 =	sld [smem:$0x3FB6]  }
0x3d: {  	_ =	shalt  }
0x3e: {  	_ =	shalt  }
0x3f: {  	_ =	shalt  }
0x40: {  	_ =	shalt  }
0x41: {  	_ =	shalt  }
0x42: {  	_ =	shalt  }
0x43: {  	_ =	shalt  }
0x44: {  	_ =	shalt  }
0x45: {  	_ =	shalt  }
0x46: {  	_ =	shalt  }
0x47: {  	_ =	shalt  }
0x48: {  	_ =	shalt  }
0x49: {  	_ =	shalt  }
0x4a: {  	_ =	shalt  }
0x4b: {  	_ =	shalt  }
0x4c: {  	_ =	shalt  }
0x4d: {  	_ =	shalt  }
0x4e: {  	_ =	shalt  }
0x4f: {  	_ =	shalt  }
0x50: {  	_ =	shalt  }
0x51: {  	_ =	shalt  }
0x52: {  	_ =	shalt  }
0x53: {  	_ =	shalt  }
0x54: {  	_ =	shalt  }
0x55: {  	_ =	shalt  }
0x56: {  	_ =	shalt  }
0x57: {  	_ =	shalt  }
0x58: {  	_ =	shalt  }
0x59: {  	_ =	shalt  }
0x5a: {  	_ =	shalt  }
0x5b: {  	_ =	shalt  }
0x5c: {  	_ =	shalt  }
0x5d: {  	_ =	shalt  }
0x5e: {  	_ =	shalt  }
0x5f: {  	_ =	shalt  }
0x60: {  	_ =	shalt  }
0x61: {  	_ =	shalt  }
0x62: {  	_ =	shalt  }
0x63: {  	_ =	shalt  }
0x64: {  	_ =	shalt  }
0x65: {  	_ =	shalt  }
0x66: {  	_ =	shalt  }
0x67: {  	_ =	shalt  }
0x68: {  	_ =	shalt  }
0x69: {  	_ =	shalt  }
0x6a: {  	_ =	shalt  }
0x6b: {  	_ =	shalt  }
0x6c: {  	_ =	shalt  }
0x6d: {  	_ =	shalt  }
0x6e: {  	_ =	shalt  }
0x6f: {  	_ =	shalt  }
0x70: {  	_ =	shalt  }
0x71: {  	_ =	shalt  }
0x72: {  	_ =	shalt  }
0x73: {  	_ =	shalt  }
0x74: {  	_ =	shalt  }
0x75: {  	_ =	shalt  }
0x76: {  	_ =	shalt  }
0x77: {  	_ =	shalt  }
0x78: {  	_ =	shalt  }
0x79: {  	_ =	shalt  }
0x7a: {  	_ =	shalt  }
0x7b: {  	_ =	shalt  }
0x7c: {  	_ =	shalt  }
0x7d: {  	_ =	shalt  }
0x7e: {  	_ =	shalt  }
0x7f: {  	_ =	shalt  }
0x80: {  	_ =	shalt  }
0x81: {  	_ =	shalt  }
0x82: {  	_ =	shalt  }
0x83: {  	_ =	shalt  }
0x84: {  	_ =	shalt  }
0x85: {  	_ =	shalt  }
0x86: {  	_ =	shalt  }
0x87: {  	_ =	shalt  }
.Lfunc_end0:
.L_simem_size_0:
called_computation_lowered:
.L_overlay_start_0:
0x88: {  	s2 =	sld [smem:$0x3FD9]  }
0x89: {  	s3 =	sld [smem:$0x3FFE];
	_ =	sdelay $0x1  }
0x8a: {  	s1 =	srdreg.scid  }
0x8b: {  	s0 =	sand.u32 $0x1, s1  }
0x8c: {  	s17 =	sshll.u32 s0, $0xA;
	s2 =	sadd.s32 s3, s2  }
0x8d: {  	s2 =	sadd.s32 s2, s17  }
0x8e: {  	[smem:$0x3FC2] =	sst s2  }
0x8f: {  	_ = 	snop  }
0x90: {  	s2 =	sld [smem:$0x3FC9]  }
0x91: {  	s18 =	sld [smem:$0x3FC8]  }
0x92: {  	s4 =	sld [smem:$0x3FD0];
	(tm) =	ssettm $0x1  }
0x93: {  	s5 =	sld [smem:$0x3FFB];
	_ =	sdelay $0x3  }
0x94: {  	_ =	strace s5  }
0x95: {  	s5 =	sld [smem:$0x3FFC];
	_ =	sdelay $0x3  }
0x96: {  	_ =	strace s5  }
0x97: {  	s5 =	sld [smem:$0x3FFD];
	_ =	sdelay $0x3  }
0x98: {  	_ =	strace s5  }
0x99: {  	_ =	strace $0x8FFFFFFF  }
0x9a: {  	s19 =	sld [smem:$0x3FDB];
	_ =	sdelay $0x1  }
0x9b: {  	s6 =	simm.s32 $_scs_section_size  }
0x9c: {  	s7 =	simm.s32 $_size__tile_overlayer_lowered;
	s8 =	simm.s32 $_tile_overlayer_lowered  }
0x9d: {  	s22 =	simm.s32 $0x1BFF;
	s21 =	sshll.u32 s8, $0x1;
	s5 =	sadd.s32 s6, s19  }
0x9e: {  	s9 =	simm.s32 $0x0;
	s20 =	sshll.u32 s7, $0x1;
	s7 =	sadd.s32 s21, s5  }
0x9f: {  	[timem:s9], [sflag:s22] =	dma.local [hbm:s7], s20  }
0xa0: {  	_ =	swait.ge [sflag:s22], s20  }
0xa1: {  	s6 =	ssub.s32 $0x0, s20;
	[sflag:s22] =	ssyncset.done $0x0  }
0xa2: {  	[sflag:s22] =	ssyncadd.s32 s6;
	_ =	sdelay $0x1  }
0xa3: {  	s23 =	simm.s32 $0x1B8B  }
0xa4: {  	_ =	swait.ge [sflag:s23], $0x1  }
0xa5: {  	[sflag:s23] =	ssyncset.done $0x0  }
0xa6: {  	s25 =	simm.s32 $0x1B8E;
	s24 =	sld [smem:$0x3FFE];
	[sflag:s23] =	ssyncadd.s32 $0xFFFFFFFF  }
0xa7: {  	s26 =	simm.s32 $execute0_lowered;
	[smem:$0x3FD2] =	sst s25  }
0xa8: {  	s7 =	sshll.u32 s26, $0x1;
	_ =	strace $0x80000046;
	[dreg:$0x1] =	wrdreg $0xFFFFFFFF  }
0xa9: {  	s28 =	simm.s32 $_size_execute0_lowered;
	s5 =	sadd.s32 s5, s7;
	[dreg:$0x0] =	wrdreg $0x0  }
0xaa: {  	s7 =	sshll.u32 s28, $0x1;
	[dreg:$0x2] =	wrdreg s5  }
0xab: {  	[dreg:$0x3] =	wrdreg s7  }
0xac: {  	[dreg:$0x4] =	wrdreg $0xC0  }
0xad: {  	_ =	task [dreg:s9], $0x5FFFF  }
0xae: {  	[dreg:$0x1] =	wrdreg $0xFFFFFFFF  }
0xaf: {  	[dreg:$0x0] =	wrdreg $0x60  }
0xb0: {  	[dreg:$0x2] =	wrdreg s24  }
0xb1: {  	[dreg:$0x3] =	wrdreg s4  }
0xb2: {  	[dreg:$0x4] =	wrdreg s2  }
0xb3: {  	[dreg:$0x5] =	wrdreg s18  }
0xb4: {  	[dreg:$0x6] =	wrdreg $0x9  }
0xb5: {  	_ =	task.clear_ibuf [dreg:s9], $0x7FFFF;
	_ =	strace $0x90000046  }
0xb6: {  	s29 =	simm.s32 $0x9;
	_ =	strace $0x80000048  }
0xb7: {  	_ =	swait.ge [sflag:s29], $0x1  }
0xb8: {  	[sflag:s29] =	ssyncadd.s32 $0xFFFFFFFF  }
0xb9: {  	_ =	strace $0x90000048  }
0xba: {  	_ =	sfence  }
0xbb: {  	s30 =	sld [smem:$0x0];
	_ =	sdelay $0x2  }
0xbc: {  	s31 =	sshll.u32 s1, $0xD;
	s1 =	sshrl.u32 s1, $0x2  }
0xbd: {  	s3 =	sand.u32 $0x4000, s31;
	s1 =	sadd.s32 s1, s30  }
0xbe: {  	s0 =	sor.u32 s3, s0;
	s1 =	sshll.u32 s1, $0x11  }
0xbf: {  	s0 =	sor.u32 s1, s0  }
0xc0: {  	s0 =	sadd.s32 $0x8F2B, s0  }
0xc1: {  	[sflag:s0] =	ssyncadd.remote.s32 $0x1  }
0xc2: {  	_ =	sfence.sel $0xFFFF  }
0xc3: {  	[dreg:$0x0] =	wrdreg $0xFFFFFFFF;
	(pc) =	sbr.abs _section_cstart, $3  }
0xc4: {  	[dreg:$0x1] =	wrdreg $0xFFFFFFFF  }
0xc5: {  	_ =	task.clear_ibuf [dreg:s9], $0x2FFFF;
	_ =	strace $0x9FFFFFFF  }
0xc6: {  	(tm) =	ssettm $0x7FFFFFFF  }
0xc7: {  	_ =	shalt  }
tec
execute0_lowered:
.L_overlay_start_1:
0x0: {  	(tag) =	ssettag $0x1  }
0x1: {  	s5 =	rddreg [dreg:$0x0]  }
0x2: {  	s6 =	rddreg [dreg:$0x2]  }
0x3: {  	s7 =	rddreg [dreg:$0x3];
	s3 =	simm.s32 $0x0  }
0x4: {  	s4 =	srdreg.scid;
	s0 =	stileid.u32;
	s12 =	simm.s32 $0x1  }
0x5: {  	s13 =	simm.s32 $0x400;
	s14 =	simm.s32 $0x0;
	s8 =	sand.u32 $0x1, s4  }
0x6: {  	[smem:$0x7FF] =	sst s3;
	s9 =	sshll.u32 s0, $0xA;
	s10 =	sshll.u32 s8, $0x9  }
0x7: {  	s4 =	sadd.s32 $0x800, s5;
	s8 =	ssub.s32 $0x2, s8;
	s9 =	sor.u32 s10, s9  }
0x8: {  	_ =	strace $0x80000047;
	s11 =	sshrl.u32 s8, $0x1;
	s10 =	sshll.u32 s9, $0x4  }
0x9: {  	s9 =	sshrl.u32 s9, $0x3;
	s8 =	ssub.s32 s8, s11;
	s11 =	simm.s32 $0x10400  }
0xa: {  	s10 =	sadd.s32 s10, s5;
	s5 =	sadd.s32 s6, s9;
	s6 =	sadd.s32 s7, s9  }
0xb: {  	s8 =	smax.u32 s8, $0x1;
	s9 =	simm.s32 $0x2;
	s7 =	sadd.s32 $0xF42C00, s10  }
.LBB2_1:
0xc: {  	[tilespmem:s3], [sflag:$0x2] =	stream.linear.gather [hbm4b:s5+s3], $0x200, $0x38;
	[tilespmem:$0x12000] =	vst v63  }
0xd: {  	_ =	swait.ge [sflag:s9], $0x200  }
0xe: {  	[sflag:s9] =	ssyncset.done $0x0  }
0xf: {  	s0 =	simm.s32 $0x200;
	[sflag:s9] =	ssyncadd.s32 $0xFFFFFE00  }
0x10: {  	[tilespmem:s0], [sflag:$0x2] =	stream.linear.gather [hbm4b:s6+s3], $0x200, $0x38;
	[tilespmem:$0x12000] =	vst v63  }
0x11: {  	_ =	swait.ge [sflag:s9], $0x200  }
0x12: {  	[sflag:s9] =	ssyncset.done $0x0  }
0x13: {  	[sflag:s9] =	ssyncadd.s32 $0xFFFFFE00  }
0x14: {  	s31 =	rddreg [dreg:$0x1]  }
0x15: {  	[tilespmem:s11], [sflag:$0x2] =	stream.linear.gather [hbm4b:s31+s3], $0x1900, $0x38;
	[tilespmem:$0x12000] =	vst v63  }
0x16: {  	_ =	swait.ge [sflag:s9], $0x1900  }
0x17: {  	[sflag:s9] =	ssyncset.done $0x0  }
0x18: {  	[sflag:s9] =	ssyncadd.s32 $0xFFFFE700  }
0x19: {  	v0 =	vld [tilespmem:s3+$0x0];
	_ =	sdelay $0x4  }
0x1a: {  	v0 =	vshll.u32 v0, $0x4  }
0x1b: {  	(v2sf) =	vpush v0, $0x0  }
0x1c: {  	(v2sf) =	vpush v0, $0x1  }
0x1d: {  	(v2sf) =	vpush v0, $0x2;
	_ =	sdelay $0x1  }
0x1e: {  	(v2sf) =	vpush v0, $0x4;
	_ =	sdelay $0x1  }
0x1f: {  	(v2sf) =	vpush v0, $0x3  }
0x20: {  	(v2sf) =	vpush v0, $0x5  }
0x21: {  	s16 =	simm.s32 $0x2000;
	s15 =	simm.s32 $0x0;
	s17 =	simm.s32 $0x0;
	(v2sf) =	vpush v0, $0x6  }
.LBB2_2:
0x22: {  	p0 =	sne.s32 s16, $0x3E000  }
0x23: {  	s28 =	sadd.s32 $0x480, s15;
	s21 =	sadd.s32 $0x980, s15;
	s18 =	smov.u32 s16  }
0x24: {  	s16 =	sadd.s32 $0x2000, s16;
	s24 =	sadd.s32 $0x780, s15;
	s19 =	sadd.s32 $0xA00, s15;
	(v2sf) =	vpush v0, $0x7  }
0x25: {  	s26 =	sadd.s32 $0x680, s15;
	s23 =	sadd.s32 $0x800, s15;
	s20 =	sadd.s32 $0xA80, s15  }
0x26: {  	s29 =	sadd.s32 $0x400, s15;
	s30 =	sadd.s32 $0x600, s15;
	(v2sf) =	vpush v0, $0x8  }
0x27: {  	s31 =	sadd.s32 $0x700, s15;
	s17 =	sadd.s32 $0x10, s17  }
0x28: {  	s0 =	sadd.s32 $0x500, s15;
	s22 =	sadd.s32 $0x900, s15;
	s25 =	spop (v2sf);
	(v2sf) =	vpush v0, $0x9  }
0x29: {  	s2 =	sand.u32 $0x1FFFFFF0, s25;
	s25 =	sadd.s32 $0x880, s15;
	s1 =	spop (v2sf)  }
0x2a: {  	s2 =	sadd.s32 s4, s2;
	s1 =	sand.u32 $0x1FFFFFF0, s1;
	s10 =	spop (v2sf);
	(v2sf) =	vpush v0, $0xA  }
0x2b: {  	[tilespmem:s29], [sflag:$0x1] =	stream.linear.gather [hbm4b:s2+s3], $0x80, $0x38;
	[tilespmem:$0x12000] =	vst v63  }
0x2c: {  	s1 =	sadd.s32 s4, s1;
	s2 =	sadd.s32 $0x580, s15;
	s29 =	spop (v2sf);
	(v2sf) =	vpush v0, $0xB  }
0x2d: {  	[tilespmem:s28], [sflag:$0x1] =	stream.linear.gather [hbm4b:s1+s3], $0x80, $0x38;
	[tilespmem:$0x12000] =	vst v63  }
0x2e: {  	s1 =	sand.u32 $0x1FFFFFF0, s10;
	s10 =	sand.u32 $0x1FFFFFF0, s29;
	s28 =	spop (v2sf);
	(v2sf) =	vpush v0, $0xC  }
0x2f: {  	s1 =	sadd.s32 s4, s1;
	s28 =	sand.u32 $0x1FFFFFF0, s28;
	s29 =	spop (v2sf)  }
0x30: {  	[tilespmem:s0], [sflag:$0x1] =	stream.linear.gather [hbm4b:s1+s3], $0x80, $0x38;
	(v2sf) =	vpush v0, $0xD;
	[tilespmem:$0x12000] =	vst v63  }
0x31: {  	s0 =	sadd.s32 s4, s28;
	s1 =	sand.u32 $0x1FFFFFF0, s29;
	s28 =	spop (v2sf)  }
0x32: {  	[tilespmem:s2], [sflag:$0x1] =	stream.linear.gather [hbm4b:s0+s3], $0x80, $0x38;
	(v2sf) =	vpush v0, $0xE;
	[tilespmem:$0x12000] =	vst v63  }
0x33: {  	s0 =	sadd.s32 s4, s10;
	s2 =	sand.u32 $0x1FFFFFF0, s28;
	s10 =	spop (v2sf)  }
0x34: {  	[tilespmem:s30], [sflag:$0x1] =	stream.linear.gather [hbm4b:s0+s3], $0x80, $0x38;
	(v2sf) =	vpush v0, $0xF;
	[tilespmem:$0x12000] =	vst v63  }
0x35: {  	s0 =	sadd.s32 s4, s1;
	s1 =	sand.u32 $0x1FFFFFF0, s10;
	s10 =	spop (v2sf)  }
0x36: {  	[tilespmem:s26], [sflag:$0x1] =	stream.linear.gather [hbm4b:s0+s3], $0x80, $0x38;
	[tilespmem:$0x12000] =	vst v63  }
0x37: {  	s0 =	sadd.s32 s4, s2;
	s2 =	sand.u32 $0x1FFFFFF0, s10;
	s10 =	spop (v2sf)  }
0x38: {  	[tilespmem:s31], [sflag:$0x1] =	stream.linear.gather [hbm4b:s0+s3], $0x80, $0x38;
	[tilespmem:$0x12000] =	vst v63  }
0x39: {  	s0 =	sadd.s32 s4, s1;
	s1 =	sand.u32 $0x1FFFFFF0, s10;
	s10 =	spop (v2sf)  }
0x3a: {  	[tilespmem:s24], [sflag:$0x1] =	stream.linear.gather [hbm4b:s0+s3], $0x80, $0x38;
	[tilespmem:$0x12000] =	vst v63  }
0x3b: {  	s0 =	sadd.s32 s4, s2;
	s2 =	sand.u32 $0x1FFFFFF0, s10;
	s10 =	spop (v2sf)  }
0x3c: {  	[tilespmem:s23], [sflag:$0x1] =	stream.linear.gather [hbm4b:s0+s3], $0x80, $0x38;
	[tilespmem:$0x12000] =	vst v63  }
0x3d: {  	s0 =	sadd.s32 s4, s1;
	s1 =	sand.u32 $0x1FFFFFF0, s10;
	s10 =	spop (v2sf)  }
0x3e: {  	[tilespmem:s25], [sflag:$0x1] =	stream.linear.gather [hbm4b:s0+s3], $0x80, $0x38;
	[tilespmem:$0x12000] =	vst v63  }
0x3f: {  	s0 =	sadd.s32 s4, s2;
	s2 =	sand.u32 $0x1FFFFFF0, s10;
	s10 =	spop (v2sf)  }
0x40: {  	[tilespmem:s22], [sflag:$0x1] =	stream.linear.gather [hbm4b:s0+s3], $0x80, $0x38;
	[tilespmem:$0x12000] =	vst v63  }
0x41: {  	s0 =	sadd.s32 s4, s1;
	s1 =	sand.u32 $0x1FFFFFF0, s10;
	s10 =	spop (v2sf)  }
0x42: {  	[tilespmem:s21], [sflag:$0x1] =	stream.linear.gather [hbm4b:s0+s3], $0x80, $0x38;
	[tilespmem:$0x12000] =	vst v63  }
0x43: {  	s0 =	sadd.s32 s4, s2;
	s2 =	sand.u32 $0x1FFFFFF0, s10;
	s10 =	spop (v2sf)  }
0x44: {  	[tilespmem:s19], [sflag:$0x1] =	stream.linear.gather [hbm4b:s0+s3], $0x80, $0x38;
	[tilespmem:$0x12000] =	vst v63  }
0x45: {  	s0 =	sadd.s32 s4, s1;
	s1 =	sand.u32 $0x1FFFFFF0, s10  }
0x46: {  	[tilespmem:s20], [sflag:$0x1] =	stream.linear.gather [hbm4b:s0+s3], $0x80, $0x38;
	[tilespmem:$0x12000] =	vst v63  }
0x47: {  	s2 =	sadd.s32 s4, s2;
	s0 =	sadd.s32 $0xB00, s15  }
0x48: {  	[tilespmem:s0], [sflag:$0x1] =	stream.linear.gather [hbm4b:s2+s3], $0x80, $0x38;
	[tilespmem:$0x12000] =	vst v63  }
0x49: {  	s1 =	sadd.s32 s4, s1;
	s0 =	sadd.s32 $0xB80, s15  }
0x4a: {  	[tilespmem:s0], [sflag:$0x1] =	stream.linear.gather [hbm4b:s1+s3], $0x80, $0x38;
	[tilespmem:$0x12000] =	vst v63  }
0x4b: {  	v0 =	vld [tilespmem:s17+$0x0];
	_ =	sdelay $0x4  }
0x4c: {  	v0 =	vshll.u32 v0, $0x4  }
0x4d: {  	(v2sf) =	vpush v0, $0x0  }
0x4e: {  	(v2sf) =	vpush v0, $0x1  }
0x4f: {  	(v2sf) =	vpush v0, $0x2;
	_ =	sdelay $0x1  }
0x50: {  	(v2sf) =	vpush v0, $0x4  }
.Ltmp0:
0x51: {  	(pc) =	sbr.rel @p0 .LBB2_2-.Ltmp0, $3  }
0x52: {  	(v2sf) =	vpush v0, $0x3  }
0x53: {  	(v2sf) =	vpush v0, $0x5;
	_ =	sdelay $0x1  }
0x54: {  	s15 =	sshra.s32 s18, $0x2;
	(v2sf) =	vpush v0, $0x6  }
0x55: {  	_ =	sdelay $0x1  }
0x56: {  	s0 =	sadd.s32 $0x480, s15;
	s18 =	sadd.s32 $0x980, s15  }
0x57: {  	s1 =	sadd.s32 $0x780, s15;
	s16 =	sadd.s32 $0xA00, s15;
	(v2sf) =	vpush v0, $0x7;
	s2 =	sadd.s32 $0x680, s15  }
0x58: {  	s10 =	sadd.s32 $0x800, s15;
	s17 =	sadd.s32 $0xA80, s15;
	s19 =	sadd.s32 $0x400, s15  }
0x59: {  	s20 =	sadd.s32 $0x600, s15;
	s21 =	sadd.s32 $0x700, s15;
	(v2sf) =	vpush v0, $0x8;
	s22 =	spop (v2sf)  }
0x5a: {  	s23 =	sadd.s32 $0x500, s15;
	s22 =	sand.u32 $0x1FFFFFF0, s22;
	s24 =	spop (v2sf)  }
0x5b: {  	(v2sf) =	vpush v0, $0x9;
	s22 =	sadd.s32 s4, s22;
	s24 =	sand.u32 $0x1FFFFFF0, s24;
	s25 =	spop (v2sf)  }
0x5c: {  	[tilespmem:s19], [sflag:$0x1] =	stream.linear.gather [hbm4b:s22+s3], $0x80, $0x38;
	[tilespmem:$0x12000] =	vst v63  }
0x5d: {  	(v2sf) =	vpush v0, $0xA;
	s26 =	sadd.s32 s4, s24;
	s29 =	sand.u32 $0x1FFFFFF0, s25;
	s28 =	spop (v2sf)  }
0x5e: {  	[tilespmem:s0], [sflag:$0x1] =	stream.linear.gather [hbm4b:s26+s3], $0x80, $0x38;
	[tilespmem:$0x12000] =	vst v63  }
0x5f: {  	s19 =	sadd.s32 $0x900, s15;
	(v2sf) =	vpush v0, $0xB;
	s22 =	sadd.s32 s4, s29;
	s30 =	spop (v2sf)  }
0x60: {  	s0 =	sadd.s32 $0x880, s15;
	s26 =	sadd.s32 $0x580, s15;
	s25 =	sand.u32 $0x1FFFFFF0, s30  }
0x61: {  	(v2sf) =	vpush v0, $0xC;
	[tilespmem:s23], [sflag:$0x1] =	stream.linear.gather [hbm4b:s22+s3], $0x80, $0x38;
	[tilespmem:$0x12000] =	vst v63  }
0x62: {  	s31 =	sand.u32 $0x1FFFFFF0, s28;
	s28 =	spop (v2sf);
	s29 =	sadd.s32 s4, s25  }
0x63: {  	(v2sf) =	vpush v0, $0xD;
	[tilespmem:s26], [sflag:$0x1] =	stream.linear.gather [hbm4b:s29+s3], $0x80, $0x38;
	[tilespmem:$0x12000] =	vst v63  }
0x64: {  	s22 =	sadd.s32 s4, s31;
	s23 =	sand.u32 $0x1FFFFFF0, s28;
	s30 =	spop (v2sf)  }
0x65: {  	(v2sf) =	vpush v0, $0xE;
	[tilespmem:s20], [sflag:$0x1] =	stream.linear.gather [hbm4b:s22+s3], $0x80, $0x38;
	[tilespmem:$0x12000] =	vst v63  }
0x66: {  	s23 =	sadd.s32 s4, s23;
	s31 =	sand.u32 $0x1FFFFFF0, s30;
	s24 =	spop (v2sf)  }
0x67: {  	(v2sf) =	vpush v0, $0xF;
	[tilespmem:s2], [sflag:$0x1] =	stream.linear.gather [hbm4b:s23+s3], $0x80, $0x38;
	[tilespmem:$0x12000] =	vst v63  }
0x68: {  	s25 =	sand.u32 $0x1FFFFFF0, s24;
	s26 =	spop (v2sf);
	s20 =	sadd.s32 s4, s31  }
0x69: {  	[tilespmem:s21], [sflag:$0x1] =	stream.linear.gather [hbm4b:s20+s3], $0x80, $0x38;
	[tilespmem:$0x12000] =	vst v63  }
0x6a: {  	s28 =	sand.u32 $0x1FFFFFF0, s26;
	s2 =	sadd.s32 s4, s25;
	s29 =	spop (v2sf)  }
0x6b: {  	[tilespmem:s1], [sflag:$0x1] =	stream.linear.gather [hbm4b:s2+s3], $0x80, $0x38;
	[tilespmem:$0x12000] =	vst v63  }
0x6c: {  	s20 =	sadd.s32 s4, s28;
	s30 =	sand.u32 $0x1FFFFFF0, s29;
	s31 =	spop (v2sf)  }
0x6d: {  	[tilespmem:s10], [sflag:$0x1] =	stream.linear.gather [hbm4b:s20+s3], $0x80, $0x38;
	[tilespmem:$0x12000] =	vst v63  }
0x6e: {  	s2 =	sand.u32 $0x1FFFFFF0, s31;
	s1 =	sadd.s32 s4, s30;
	s20 =	spop (v2sf)  }
0x6f: {  	[tilespmem:s0], [sflag:$0x1] =	stream.linear.gather [hbm4b:s1+s3], $0x80, $0x38;
	[tilespmem:$0x12000] =	vst v63  }
0x70: {  	s2 =	sadd.s32 s4, s2;
	s21 =	sand.u32 $0x1FFFFFF0, s20;
	s22 =	spop (v2sf)  }
0x71: {  	[tilespmem:s19], [sflag:$0x1] =	stream.linear.gather [hbm4b:s2+s3], $0x80, $0x38;
	[tilespmem:$0x12000] =	vst v63  }
0x72: {  	s0 =	sadd.s32 s4, s21;
	s1 =	sand.u32 $0x1FFFFFF0, s22;
	s23 =	spop (v2sf)  }
0x73: {  	[tilespmem:s18], [sflag:$0x1] =	stream.linear.gather [hbm4b:s0+s3], $0x80, $0x38;
	[tilespmem:$0x12000] =	vst v63  }
0x74: {  	s24 =	sand.u32 $0x1FFFFFF0, s23;
	s1 =	sadd.s32 s4, s1;
	s25 =	spop (v2sf)  }
0x75: {  	[tilespmem:s16], [sflag:$0x1] =	stream.linear.gather [hbm4b:s1+s3], $0x80, $0x38;
	[tilespmem:$0x12000] =	vst v63  }
0x76: {  	s26 =	sand.u32 $0x1FFFFFF0, s25;
	s28 =	spop (v2sf);
	s0 =	sadd.s32 s4, s24  }
0x77: {  	[tilespmem:s17], [sflag:$0x1] =	stream.linear.gather [hbm4b:s0+s3], $0x80, $0x38;
	[tilespmem:$0x12000] =	vst v63  }
0x78: {  	s30 =	sadd.s32 $0xB00, s15;
	s29 =	sand.u32 $0x1FFFFFF0, s28;
	s1 =	sadd.s32 s4, s26  }
0x79: {  	[tilespmem:s30], [sflag:$0x1] =	stream.linear.gather [hbm4b:s1+s3], $0x80, $0x38;
	[tilespmem:$0x12000] =	vst v63  }
0x7a: {  	s31 =	sadd.s32 $0xB80, s15;
	s0 =	sadd.s32 s4, s29  }
0x7b: {  	[tilespmem:s31], [sflag:$0x1] =	stream.linear.gather [hbm4b:s0+s3], $0x80, $0x38;
	[tilespmem:$0x12000] =	vst v63  }
0x7c: {  	_ =	swait.ge [sflag:s12], $0x10000  }
0x7d: {  	[sflag:s12] =	ssyncset.done $0x0  }
0x7e: {  	s15 =	simm.s32 $0x0;
	s16 =	simm.s32 $0x800;
	[sflag:s12] =	ssyncadd.s32 $0xFFFF0000  }
.LBB2_4:
0x7f: {  	s0 =	sshra.s32 s15, $0x2  }
0x80: {  	v0 =	vld [tilespmem:s0+$0x200];
	_ =	sdelay $0x4  }
0x81: {  	v0 =	vshll.u32 v0, $0x9  }
0x82: {  	v0 =	vshra.s32 v0, $0x2  }
0x83: {  	(v2sf) =	vpush v0, $0x0;
	_ =	sdelay $0xe  }
0x84: {  	v1 =	vld [tilespmem:s16+$0xFFFFFC00];
	s2 =	spop (v2sf)  }
0x85: {  	v2 =	vld [tilespmem:s2+$0x10400];
	_ =	sdelay $0x4  }
0x86: {  	v1 =	vadd.f32 v2, v1;
	_ =	sdelay $0x1  }
0x87: {  	v57 =	vld [tilespmem:s16+$0xFFFFFC10];
	[tilespmem:s16+$0xFFFFFC00] =	vst v1  }
0x88: {  	v58 =	vld [tilespmem:s2+$0x10410];
	_ =	sdelay $0x4  }
0x89: {  	v1 =	vadd.f32 v58, v57;
	_ =	sdelay $0x1  }
0x8a: {  	v59 =	vld [tilespmem:s16+$0xFFFFFC20];
	[tilespmem:s16+$0xFFFFFC10] =	vst v1  }
0x8b: {  	(v2sf) =	vpush v0, $0x1;
	v60 =	vld [tilespmem:s2+$0x10420];
	_ =	sdelay $0x4  }
0x8c: {  	v1 =	vadd.f32 v60, v59;
	_ =	sdelay $0x1  }
0x8d: {  	v61 =	vld [tilespmem:s16+$0xFFFFFC30];
	[tilespmem:s16+$0xFFFFFC20] =	vst v1  }
0x8e: {  	v62 =	vld [tilespmem:s2+$0x10430];
	_ =	sdelay $0x4  }
0x8f: {  	v1 =	vadd.f32 v62, v61;
	_ =	sdelay $0x1  }
0x90: {  	v63 =	vld [tilespmem:s16+$0xFFFFFC80];
	s10 =	spop (v2sf);
	[tilespmem:s16+$0xFFFFFC30] =	vst v1  }
0x91: {  	v4 =	vld [tilespmem:s10+$0x10400];
	_ =	sdelay $0x4  }
0x92: {  	v1 =	vadd.f32 v4, v63;
	_ =	sdelay $0x1  }
0x93: {  	v5 =	vld [tilespmem:s16+$0xFFFFFC90];
	[tilespmem:s16+$0xFFFFFC80] =	vst v1  }
0x94: {  	v6 =	vld [tilespmem:s10+$0x10410];
	_ =	sdelay $0x4  }
0x95: {  	v1 =	vadd.f32 v6, v5;
	_ =	sdelay $0x1  }
0x96: {  	v7 =	vld [tilespmem:s16+$0xFFFFFCA0];
	[tilespmem:s16+$0xFFFFFC90] =	vst v1  }
0x97: {  	(v2sf) =	vpush v0, $0x2;
	v8 =	vld [tilespmem:s10+$0x10420];
	_ =	sdelay $0x4  }
0x98: {  	v1 =	vadd.f32 v8, v7;
	_ =	sdelay $0x1  }
0x99: {  	v9 =	vld [tilespmem:s16+$0xFFFFFCB0];
	[tilespmem:s16+$0xFFFFFCA0] =	vst v1  }
0x9a: {  	v10 =	vld [tilespmem:s10+$0x10430];
	_ =	sdelay $0x4  }
0x9b: {  	v1 =	vadd.f32 v10, v9;
	_ =	sdelay $0x1  }
0x9c: {  	v11 =	vld [tilespmem:s16+$0xFFFFFD00];
	s17 =	spop (v2sf);
	[tilespmem:s16+$0xFFFFFCB0] =	vst v1  }
0x9d: {  	v12 =	vld [tilespmem:s17+$0x10400];
	_ =	sdelay $0x4  }
0x9e: {  	v1 =	vadd.f32 v12, v11;
	_ =	sdelay $0x1  }
0x9f: {  	v13 =	vld [tilespmem:s16+$0xFFFFFD10];
	[tilespmem:s16+$0xFFFFFD00] =	vst v1  }
0xa0: {  	v14 =	vld [tilespmem:s17+$0x10410];
	_ =	sdelay $0x4  }
0xa1: {  	v1 =	vadd.f32 v14, v13;
	_ =	sdelay $0x1  }
0xa2: {  	v15 =	vld [tilespmem:s16+$0xFFFFFD20];
	[tilespmem:s16+$0xFFFFFD10] =	vst v1  }
0xa3: {  	(v2sf) =	vpush v0, $0x3;
	v16 =	vld [tilespmem:s17+$0x10420];
	_ =	sdelay $0x4  }
0xa4: {  	v1 =	vadd.f32 v16, v15;
	_ =	sdelay $0x1  }
0xa5: {  	v17 =	vld [tilespmem:s16+$0xFFFFFD30];
	[tilespmem:s16+$0xFFFFFD20] =	vst v1  }
0xa6: {  	v18 =	vld [tilespmem:s17+$0x10430];
	_ =	sdelay $0x4  }
0xa7: {  	v1 =	vadd.f32 v18, v17;
	_ =	sdelay $0x1  }
0xa8: {  	v19 =	vld [tilespmem:s16+$0xFFFFFD80];
	s18 =	spop (v2sf);
	[tilespmem:s16+$0xFFFFFD30] =	vst v1  }
0xa9: {  	v20 =	vld [tilespmem:s18+$0x10400];
	_ =	sdelay $0x4  }
0xaa: {  	v1 =	vadd.f32 v20, v19;
	_ =	sdelay $0x1  }
0xab: {  	v21 =	vld [tilespmem:s16+$0xFFFFFD90];
	[tilespmem:s16+$0xFFFFFD80] =	vst v1  }
0xac: {  	v22 =	vld [tilespmem:s18+$0x10410];
	_ =	sdelay $0x4  }
0xad: {  	v1 =	vadd.f32 v22, v21;
	_ =	sdelay $0x1  }
0xae: {  	v23 =	vld [tilespmem:s16+$0xFFFFFDA0];
	[tilespmem:s16+$0xFFFFFD90] =	vst v1  }
0xaf: {  	(v2sf) =	vpush v0, $0x4;
	v24 =	vld [tilespmem:s18+$0x10420];
	_ =	sdelay $0x4  }
0xb0: {  	v1 =	vadd.f32 v24, v23;
	_ =	sdelay $0x1  }
0xb1: {  	v25 =	vld [tilespmem:s16+$0xFFFFFDB0];
	[tilespmem:s16+$0xFFFFFDA0] =	vst v1  }
0xb2: {  	v26 =	vld [tilespmem:s18+$0x10430];
	_ =	sdelay $0x4  }
0xb3: {  	v1 =	vadd.f32 v26, v25;
	_ =	sdelay $0x1  }
0xb4: {  	v27 =	vld [tilespmem:s16+$0xFFFFFE00];
	s19 =	spop (v2sf);
	[tilespmem:s16+$0xFFFFFDB0] =	vst v1  }
0xb5: {  	v28 =	vld [tilespmem:s19+$0x10400];
	_ =	sdelay $0x4  }
0xb6: {  	v1 =	vadd.f32 v28, v27;
	_ =	sdelay $0x1  }
0xb7: {  	v29 =	vld [tilespmem:s16+$0xFFFFFE10];
	[tilespmem:s16+$0xFFFFFE00] =	vst v1  }
0xb8: {  	v30 =	vld [tilespmem:s19+$0x10410];
	_ =	sdelay $0x4  }
0xb9: {  	v1 =	vadd.f32 v30, v29;
	_ =	sdelay $0x1  }
0xba: {  	v31 =	vld [tilespmem:s16+$0xFFFFFE20];
	[tilespmem:s16+$0xFFFFFE10] =	vst v1  }
0xbb: {  	(v2sf) =	vpush v0, $0x5;
	v32 =	vld [tilespmem:s19+$0x10420];
	_ =	sdelay $0x4  }
0xbc: {  	v1 =	vadd.f32 v32, v31;
	_ =	sdelay $0x1  }
0xbd: {  	v33 =	vld [tilespmem:s16+$0xFFFFFE30];
	[tilespmem:s16+$0xFFFFFE20] =	vst v1  }
0xbe: {  	v34 =	vld [tilespmem:s19+$0x10430];
	_ =	sdelay $0x4  }
0xbf: {  	v1 =	vadd.f32 v34, v33;
	_ =	sdelay $0x1  }
0xc0: {  	v35 =	vld [tilespmem:s16+$0xFFFFFE80];
	s20 =	spop (v2sf);
	[tilespmem:s16+$0xFFFFFE30] =	vst v1  }
0xc1: {  	v36 =	vld [tilespmem:s20+$0x10400];
	_ =	sdelay $0x4  }
0xc2: {  	v1 =	vadd.f32 v36, v35;
	_ =	sdelay $0x1  }
0xc3: {  	v37 =	vld [tilespmem:s16+$0xFFFFFE90];
	[tilespmem:s16+$0xFFFFFE80] =	vst v1  }
0xc4: {  	v38 =	vld [tilespmem:s20+$0x10410];
	_ =	sdelay $0x4  }
0xc5: {  	v1 =	vadd.f32 v38, v37;
	_ =	sdelay $0x1  }
0xc6: {  	v39 =	vld [tilespmem:s16+$0xFFFFFEA0];
	[tilespmem:s16+$0xFFFFFE90] =	vst v1  }
0xc7: {  	(v2sf) =	vpush v0, $0x6;
	v40 =	vld [tilespmem:s20+$0x10420];
	_ =	sdelay $0x4  }
0xc8: {  	v1 =	vadd.f32 v40, v39;
	_ =	sdelay $0x1  }
0xc9: {  	v41 =	vld [tilespmem:s16+$0xFFFFFEB0];
	[tilespmem:s16+$0xFFFFFEA0] =	vst v1  }
0xca: {  	v42 =	vld [tilespmem:s20+$0x10430];
	_ =	sdelay $0x4  }
0xcb: {  	v1 =	vadd.f32 v42, v41;
	_ =	sdelay $0x1  }
0xcc: {  	v43 =	vld [tilespmem:s16+$0xFFFFFF00];
	s21 =	spop (v2sf);
	[tilespmem:s16+$0xFFFFFEB0] =	vst v1  }
0xcd: {  	v44 =	vld [tilespmem:s21+$0x10400];
	_ =	sdelay $0x4  }
0xce: {  	v1 =	vadd.f32 v44, v43;
	_ =	sdelay $0x1  }
0xcf: {  	v45 =	vld [tilespmem:s16+$0xFFFFFF10];
	[tilespmem:s16+$0xFFFFFF00] =	vst v1  }
0xd0: {  	v46 =	vld [tilespmem:s21+$0x10410];
	_ =	sdelay $0x4  }
0xd1: {  	v1 =	vadd.f32 v46, v45;
	_ =	sdelay $0x1  }
0xd2: {  	v47 =	vld [tilespmem:s16+$0xFFFFFF20];
	[tilespmem:s16+$0xFFFFFF10] =	vst v1  }
0xd3: {  	(v2sf) =	vpush v0, $0x7;
	v48 =	vld [tilespmem:s21+$0x10420];
	_ =	sdelay $0x4  }
0xd4: {  	v1 =	vadd.f32 v48, v47;
	_ =	sdelay $0x1  }
0xd5: {  	v49 =	vld [tilespmem:s16+$0xFFFFFF30];
	[tilespmem:s16+$0xFFFFFF20] =	vst v1  }
0xd6: {  	v50 =	vld [tilespmem:s21+$0x10430];
	_ =	sdelay $0x4  }
0xd7: {  	v1 =	vadd.f32 v50, v49;
	_ =	sdelay $0x1  }
0xd8: {  	v51 =	vld [tilespmem:s16+$0xFFFFFF80];
	s22 =	spop (v2sf);
	[tilespmem:s16+$0xFFFFFF30] =	vst v1  }
0xd9: {  	v52 =	vld [tilespmem:s22+$0x10400];
	_ =	sdelay $0x4  }
0xda: {  	v1 =	vadd.f32 v52, v51;
	_ =	sdelay $0x1  }
0xdb: {  	v53 =	vld [tilespmem:s16+$0xFFFFFF90];
	[tilespmem:s16+$0xFFFFFF80] =	vst v1  }
0xdc: {  	v54 =	vld [tilespmem:s22+$0x10410];
	_ =	sdelay $0x4  }
0xdd: {  	v1 =	vadd.f32 v54, v53;
	_ =	sdelay $0x1  }
0xde: {  	v55 =	vld [tilespmem:s16+$0xFFFFFFA0];
	[tilespmem:s16+$0xFFFFFF90] =	vst v1  }
0xdf: {  	(v2sf) =	vpush v0, $0x8;
	v56 =	vld [tilespmem:s22+$0x10420];
	_ =	sdelay $0x4  }
0xe0: {  	v1 =	vadd.f32 v56, v55;
	_ =	sdelay $0x1  }
0xe1: {  	v57 =	vld [tilespmem:s16+$0xFFFFFFB0];
	[tilespmem:s16+$0xFFFFFFA0] =	vst v1  }
0xe2: {  	v58 =	vld [tilespmem:s22+$0x10430];
	_ =	sdelay $0x4  }
0xe3: {  	v1 =	vadd.f32 v58, v57;
	_ =	sdelay $0x1  }
0xe4: {  	v59 =	vld [tilespmem:s16+$0x0];
	s23 =	spop (v2sf);
	[tilespmem:s16+$0xFFFFFFB0] =	vst v1  }
0xe5: {  	v60 =	vld [tilespmem:s23+$0x10400];
	_ =	sdelay $0x4  }
0xe6: {  	v1 =	vadd.f32 v60, v59;
	_ =	sdelay $0x1  }
0xe7: {  	v61 =	vld [tilespmem:s16+$0x10];
	[tilespmem:s16+$0x0] =	vst v1  }
0xe8: {  	v62 =	vld [tilespmem:s23+$0x10410];
	_ =	sdelay $0x4  }
0xe9: {  	v1 =	vadd.f32 v62, v61;
	_ =	sdelay $0x1  }
0xea: {  	v63 =	vld [tilespmem:s16+$0x20];
	[tilespmem:s16+$0x10] =	vst v1  }
0xeb: {  	(v2sf) =	vpush v0, $0x9;
	v4 =	vld [tilespmem:s23+$0x10420];
	_ =	sdelay $0x4  }
0xec: {  	v1 =	vadd.f32 v4, v63;
	_ =	sdelay $0x1  }
0xed: {  	v5 =	vld [tilespmem:s16+$0x30];
	[tilespmem:s16+$0x20] =	vst v1  }
0xee: {  	v6 =	vld [tilespmem:s23+$0x10430];
	_ =	sdelay $0x4  }
0xef: {  	v1 =	vadd.f32 v6, v5;
	_ =	sdelay $0x1  }
0xf0: {  	v7 =	vld [tilespmem:s16+$0x80];
	s24 =	spop (v2sf);
	[tilespmem:s16+$0x30] =	vst v1  }
0xf1: {  	v8 =	vld [tilespmem:s24+$0x10400];
	_ =	sdelay $0x4  }
0xf2: {  	v1 =	vadd.f32 v8, v7;
	_ =	sdelay $0x1  }
0xf3: {  	v9 =	vld [tilespmem:s16+$0x90];
	[tilespmem:s16+$0x80] =	vst v1  }
0xf4: {  	v10 =	vld [tilespmem:s24+$0x10410];
	_ =	sdelay $0x4  }
0xf5: {  	v1 =	vadd.f32 v10, v9;
	_ =	sdelay $0x1  }
0xf6: {  	v11 =	vld [tilespmem:s16+$0xA0];
	[tilespmem:s16+$0x90] =	vst v1  }
0xf7: {  	(v2sf) =	vpush v0, $0xA;
	v12 =	vld [tilespmem:s24+$0x10420];
	_ =	sdelay $0x4  }
0xf8: {  	v1 =	vadd.f32 v12, v11;
	_ =	sdelay $0x1  }
0xf9: {  	v13 =	vld [tilespmem:s16+$0xB0];
	[tilespmem:s16+$0xA0] =	vst v1  }
0xfa: {  	v14 =	vld [tilespmem:s24+$0x10430];
	_ =	sdelay $0x4  }
0xfb: {  	v1 =	vadd.f32 v14, v13;
	_ =	sdelay $0x1  }
0xfc: {  	v15 =	vld [tilespmem:s16+$0x100];
	s25 =	spop (v2sf);
	[tilespmem:s16+$0xB0] =	vst v1  }
0xfd: {  	v16 =	vld [tilespmem:s25+$0x10400];
	_ =	sdelay $0x4  }
0xfe: {  	v1 =	vadd.f32 v16, v15;
	_ =	sdelay $0x1  }
0xff: {  	v17 =	vld [tilespmem:s16+$0x110];
	[tilespmem:s16+$0x100] =	vst v1  }
0x100: {  	v18 =	vld [tilespmem:s25+$0x10410];
	_ =	sdelay $0x4  }
0x101: {  	v1 =	vadd.f32 v18, v17;
	_ =	sdelay $0x1  }
0x102: {  	v19 =	vld [tilespmem:s16+$0x120];
	[tilespmem:s16+$0x110] =	vst v1  }
0x103: {  	(v2sf) =	vpush v0, $0xB;
	v20 =	vld [tilespmem:s25+$0x10420];
	_ =	sdelay $0x4  }
0x104: {  	v1 =	vadd.f32 v20, v19;
	_ =	sdelay $0x1  }
0x105: {  	v21 =	vld [tilespmem:s16+$0x130];
	[tilespmem:s16+$0x120] =	vst v1  }
0x106: {  	v22 =	vld [tilespmem:s25+$0x10430];
	_ =	sdelay $0x4  }
0x107: {  	v1 =	vadd.f32 v22, v21;
	_ =	sdelay $0x1  }
0x108: {  	v23 =	vld [tilespmem:s16+$0x180];
	s26 =	spop (v2sf);
	[tilespmem:s16+$0x130] =	vst v1  }
0x109: {  	v24 =	vld [tilespmem:s26+$0x10400];
	_ =	sdelay $0x4  }
0x10a: {  	v1 =	vadd.f32 v24, v23;
	_ =	sdelay $0x1  }
0x10b: {  	v25 =	vld [tilespmem:s16+$0x190];
	[tilespmem:s16+$0x180] =	vst v1  }
0x10c: {  	v26 =	vld [tilespmem:s26+$0x10410];
	_ =	sdelay $0x4  }
0x10d: {  	v1 =	vadd.f32 v26, v25;
	_ =	sdelay $0x1  }
0x10e: {  	v27 =	vld [tilespmem:s16+$0x1A0];
	[tilespmem:s16+$0x190] =	vst v1  }
0x10f: {  	(v2sf) =	vpush v0, $0xC;
	v28 =	vld [tilespmem:s26+$0x10420];
	_ =	sdelay $0x4  }
0x110: {  	v1 =	vadd.f32 v28, v27;
	_ =	sdelay $0x1  }
0x111: {  	v29 =	vld [tilespmem:s16+$0x1B0];
	[tilespmem:s16+$0x1A0] =	vst v1  }
0x112: {  	v30 =	vld [tilespmem:s26+$0x10430];
	_ =	sdelay $0x4  }
0x113: {  	v1 =	vadd.f32 v30, v29;
	_ =	sdelay $0x1  }
0x114: {  	v31 =	vld [tilespmem:s16+$0x200];
	s28 =	spop (v2sf);
	[tilespmem:s16+$0x1B0] =	vst v1  }
0x115: {  	v32 =	vld [tilespmem:s28+$0x10400];
	_ =	sdelay $0x4  }
0x116: {  	v1 =	vadd.f32 v32, v31;
	_ =	sdelay $0x1  }
0x117: {  	v33 =	vld [tilespmem:s16+$0x210];
	[tilespmem:s16+$0x200] =	vst v1  }
0x118: {  	v34 =	vld [tilespmem:s28+$0x10410];
	_ =	sdelay $0x4  }
0x119: {  	v1 =	vadd.f32 v34, v33;
	_ =	sdelay $0x1  }
0x11a: {  	v35 =	vld [tilespmem:s16+$0x220];
	[tilespmem:s16+$0x210] =	vst v1  }
0x11b: {  	(v2sf) =	vpush v0, $0xD;
	v36 =	vld [tilespmem:s28+$0x10420];
	_ =	sdelay $0x4  }
0x11c: {  	v1 =	vadd.f32 v36, v35;
	_ =	sdelay $0x1  }
0x11d: {  	v37 =	vld [tilespmem:s16+$0x230];
	[tilespmem:s16+$0x220] =	vst v1  }
0x11e: {  	v38 =	vld [tilespmem:s28+$0x10430];
	_ =	sdelay $0x4  }
0x11f: {  	v1 =	vadd.f32 v38, v37;
	_ =	sdelay $0x1  }
0x120: {  	v39 =	vld [tilespmem:s16+$0x280];
	s29 =	spop (v2sf);
	[tilespmem:s16+$0x230] =	vst v1  }
0x121: {  	v40 =	vld [tilespmem:s29+$0x10400];
	_ =	sdelay $0x4  }
0x122: {  	v1 =	vadd.f32 v40, v39;
	_ =	sdelay $0x1  }
0x123: {  	v41 =	vld [tilespmem:s16+$0x290];
	[tilespmem:s16+$0x280] =	vst v1  }
0x124: {  	v42 =	vld [tilespmem:s29+$0x10410];
	_ =	sdelay $0x4  }
0x125: {  	v1 =	vadd.f32 v42, v41;
	_ =	sdelay $0x1  }
0x126: {  	v43 =	vld [tilespmem:s16+$0x2A0];
	[tilespmem:s16+$0x290] =	vst v1  }
0x127: {  	(v2sf) =	vpush v0, $0xE;
	v44 =	vld [tilespmem:s29+$0x10420];
	_ =	sdelay $0x4  }
0x128: {  	v1 =	vadd.f32 v44, v43;
	_ =	sdelay $0x1  }
0x129: {  	v45 =	vld [tilespmem:s16+$0x2B0];
	[tilespmem:s16+$0x2A0] =	vst v1  }
0x12a: {  	v46 =	vld [tilespmem:s29+$0x10430];
	_ =	sdelay $0x4  }
0x12b: {  	v1 =	vadd.f32 v46, v45;
	_ =	sdelay $0x1  }
0x12c: {  	s30 =	spop (v2sf);
	v47 =	vld [tilespmem:s16+$0x300];
	[tilespmem:s16+$0x2B0] =	vst v1  }
0x12d: {  	v48 =	vld [tilespmem:s30+$0x10400];
	_ =	sdelay $0x4  }
0x12e: {  	v1 =	vadd.f32 v48, v47;
	_ =	sdelay $0x1  }
0x12f: {  	v49 =	vld [tilespmem:s16+$0x310];
	[tilespmem:s16+$0x300] =	vst v1  }
0x130: {  	v50 =	vld [tilespmem:s30+$0x10410];
	_ =	sdelay $0x4  }
0x131: {  	v1 =	vadd.f32 v50, v49;
	_ =	sdelay $0x1  }
0x132: {  	v51 =	vld [tilespmem:s16+$0x320];
	[tilespmem:s16+$0x310] =	vst v1  }
0x133: {  	(v2sf) =	vpush v0, $0xF;
	v52 =	vld [tilespmem:s30+$0x10420];
	_ =	sdelay $0x4  }
0x134: {  	v53 =	vadd.f32 v52, v51;
	_ =	sdelay $0x1  }
0x135: {  	v54 =	vld [tilespmem:s16+$0x330];
	[tilespmem:s16+$0x320] =	vst v53  }
0x136: {  	v55 =	vld [tilespmem:s30+$0x10430];
	_ =	sdelay $0x4  }
0x137: {  	v0 =	vadd.f32 v55, v54;
	_ =	sdelay $0x1  }
0x138: {  	s31 =	spop (v2sf);
	v56 =	vld [tilespmem:s16+$0x380];
	[tilespmem:s16+$0x330] =	vst v0  }
0x139: {  	v57 =	vld [tilespmem:s31+$0x10400];
	_ =	sdelay $0x4  }
0x13a: {  	v0 =	vadd.f32 v57, v56;
	_ =	sdelay $0x1  }
0x13b: {  	v58 =	vld [tilespmem:s16+$0x390];
	[tilespmem:s16+$0x380] =	vst v0  }
0x13c: {  	v59 =	vld [tilespmem:s31+$0x10410];
	_ =	sdelay $0x4  }
0x13d: {  	v0 =	vadd.f32 v59, v58;
	_ =	sdelay $0x1  }
0x13e: {  	v60 =	vld [tilespmem:s16+$0x3A0];
	[tilespmem:s16+$0x390] =	vst v0  }
0x13f: {  	v61 =	vld [tilespmem:s31+$0x10420];
	_ =	sdelay $0x4  }
0x140: {  	v0 =	vadd.f32 v61, v60;
	_ =	sdelay $0x1  }
0x141: {  	v62 =	vld [tilespmem:s16+$0x3B0];
	[tilespmem:s16+$0x3A0] =	vst v0  }
0x142: {  	v63 =	vld [tilespmem:s31+$0x10430];
	_ =	sdelay $0x1  }
0x143: {  	p0 =	sne.s32 s15, $0x7C0  }
.Ltmp1:
0x144: {  	_ = 	snop;
	(pc) =	sbr.rel @p0 .LBB2_4-.Ltmp1, $3  }
0x145: {  	_ = 	snop  }
0x146: {  	v0 =	vadd.f32 v63, v62;
	_ =	sdelay $0x1  }
0x147: {  	s15 =	sadd.s32 $0x40, s15;
	[tilespmem:s16+$0x3B0] =	vst v0;
	s16 =	sadd.s32 $0x800, s16  }
0x148: {  	s14 =	sadd.s32 $0x1, s14  }
0x149: {  	p0 =	sne.s32 s14, s8  }
.Ltmp2:
0x14a: {  	_ = 	snop;
	(pc) =	sbr.rel @p0 .LBB2_1-.Ltmp2, $4  }
0x14b: {  	[hbm4b:s7+s3] =	stream.linear.scatter [tilespmem:s13], [sflag:$0x2], $0x10000, $0x38;
	[tilespmem:$0x12000] =	vst v63  }
0x14c: {  	_ =	swait.ge [sflag:s9], $0x10000  }
0x14d: {  	[sflag:s9] =	ssyncset.done $0x0  }
0x14e: {  	[sflag:s9] =	ssyncadd.s32 $0xFFFF0000  }
0x14f: {  	_ =	sfence.sel $0x180000  }
0x150: {  	[bflag:$0x0] =	sbarrier.arrive $0xFFFF  }
0x151: {  	_ =	strace $0x90000047  }
0x152: {  	s0 =	stileid.u32;
	[bflag:$0x2] =	sbarrier.arrive $0xFFFF  }
0x153: {  	p0 =	sne.s32 s0, $0x0;
	s0 =	rddreg [dreg:$0x4]  }
0x154: {  	s0 =	sadd.s32 @!p0 $0x100000, s0  }
0x155: {  	[sflag:s0] =	ssyncadd.tile.s32 @!p0 $0x1;
	_ =	shalt  }
.Lfunc_end2:
_tile_overlayer_lowered:
.L_overlay_start_2:
0x156: {  	(tag) =	ssettag $0x2  }
0x157: {  	s0 =	rddreg [dreg:$0x0];
	s2 =	stileid.u32  }
0x158: {  	s1 =	rddreg [dreg:$0x1];
	p0 =	sne.s32 s2, $0x0  }
0x159: {  	s3 =	rddreg [dreg:$0x2];
	[bflag:$0x3] =	sbarrier.arrive $0xFFFF;
	s2 =	simm.s32 @!p0 $0x1C02  }
0x15a: {  	[timem:s3], [sflag:s2] =	dma.local @!p0 [hbm:s0], s1  }
0x15b: {  	s0 =	simm.s32 @!p0 $0x2  }
0x15c: {  	_ =	swait.ge @!p0 [sflag:s0], s1  }
0x15d: {  	s1 =	ssub.s32 @!p0 $0x0, s1;
	[sflag:s0] =	ssyncset.done @!p0 $0x0  }
0x15e: {  	[sflag:s0] =	ssyncadd.s32 @!p0 s1  }
0x15f: {  	[bflag:$0x3] =	sbarrier.arrive $0xFFFF  }
0x160: {  	_ =	shalt  }

</sc_bundles>
